<compile_context>
chip_gen: v7x
topology: tpu7x:2x2x1
jax: 0.10.2.dev20260603
libtpu: 0.0.44.dev20260713+nightly
codegen_flags: <defaults>
</compile_context>

<pallas_src>
import jax
import jax.numpy as jnp
from jax import lax
from jax.experimental import pallas as pl
from jax.experimental.pallas import tpu as pltpu
from jax.experimental.pallas import tpu_sc as plsc

RES = 1024
N_RAYS = 1048576
NC = 2
NS = 16
L = 16
NW = NC * NS
SB = 64


def _face_uv_idx(x, y, z):
    ax = jnp.abs(x)
    ay = jnp.abs(z)
    az = jnp.abs(y)
    ny = -y
    isx = (ax >= ay) & (ax >= az)
    isy = jnp.logical_not(isx) & (ay >= az)
    face = jnp.where(
        isx,
        jnp.where(x >= 0, 0, 1),
        jnp.where(isy,
                  jnp.where(z >= 0, 2, 3),
                  jnp.where(ny >= 0, 4, 5)),
    ).astype(jnp.int32)
    ma = jnp.where(isx, ax, jnp.where(isy, ay, az))
    ma = jnp.maximum(ma, 1e-12)
    sc = jnp.where(
        isx,
        jnp.where(x >= 0, y, ny),
        jnp.where(isy, x, jnp.where(ny >= 0, x, -x)),
    )
    tc = jnp.where(
        isx, -z,
        jnp.where(isy, jnp.where(z >= 0, ny, y), -z),
    )
    u = (sc / ma + 1.0) * 0.5
    v = (tc / ma + 1.0) * 0.5
    fx = u * RES - 0.5
    fy = v * RES - 0.5
    tx = fx.astype(jnp.int32)
    x0 = jnp.where(tx.astype(jnp.float32) > fx, tx - 1, tx)
    ty = fy.astype(jnp.int32)
    y0 = jnp.where(ty.astype(jnp.float32) > fy, ty - 1, ty)
    wx = fx - x0.astype(jnp.float32)
    wy = fy - y0.astype(jnp.float32)
    x0i = jnp.clip(x0, 0, RES - 1)
    x1i = jnp.clip(x0 + 1, 0, RES - 1)
    y0i = jnp.clip(y0, 0, RES - 1)
    y1i = jnp.clip(y0 + 1, 0, RES - 1)
    fb = face << 20
    r0b = fb + (y0i << 10)
    r1b = fb + (y1i << 10)
    return r0b + x0i, r0b + x1i, r1b + x0i, r1b + x1i, wx, wy


def _build(n_rays, chunk, interpret=False):
    rpw = n_rays // NW
    nchunk = rpw // chunk
    ce = 3 * chunk
    ns = chunk // SB

    def body(vd_hbm, table_hbm, out_hbm,
             vv, iT, iB, oTv, oBv, d01v, wxv, wyv,
             cT, cB, outv, sem):
        cid = lax.axis_index("c")
        sid = lax.axis_index("s")
        wid = sid * NC + cid
        base_ray = wid * rpw
        iota = lax.iota(jnp.int32, L)

        def chunk_body(g, carry):
            r0 = base_ray + g * chunk
            pltpu.sync_copy(vd_hbm.at[pl.ds(r0 * 3, 3 * chunk)], vv)

            def comp_body(k, carry2):
                kb = jnp.broadcast_to(k, (L,))
                for jj in range(SB // L):
                    o = k * SB + jj * L
                    rays = iota + o
                    r3 = rays * 3
                    x = plsc.load_gather(vv, [r3])
                    y = plsc.load_gather(vv, [r3 + 1])
                    z = plsc.load_gather(vv, [r3 + 2])
                    i00, i01, i10, i11, wx, wy = _face_uv_idx(x, y, z)
                    wT = i00 * 3
                    wB = i10 * 3
                    rT = lax.shift_right_logical(wT, 3)
                    rB = lax.shift_right_logical(wB, 3)
                    last = 6 * RES * RES * 3 // 8 - 1
                    pos = (iota + jj * L) * 2
                    plsc.store_scatter(iT, [kb, pos], rT)
                    plsc.store_scatter(iT, [kb, pos + 1],
                                       jnp.minimum(rT + 1, last))
                    plsc.store_scatter(iB, [kb, pos], rB)
                    plsc.store_scatter(iB, [kb, pos + 1],
                                       jnp.minimum(rB + 1, last))
                    s = pl.ds(o, L)
                    oTv[s] = wT & 7
                    oBv[s] = wB & 7
                    d01v[s] = (i01 - i00) * 3
                    wxv[s] = wx
                    wyv[s] = wy
                return carry2

            lax.fori_loop(0, ns, comp_body, 0)

            descs = []
            for k in range(ns):
                descs.append(pltpu.async_copy(
                    table_hbm.at[iT.at[k]], cT.at[k], sem))
                descs.append(pltpu.async_copy(
                    table_hbm.at[iB.at[k]], cB.at[k], sem))
            for d in descs:
                d.wait()

            def blend_body(bb, carry2):
                for jj in range(2 * SB // L):
                    e0 = bb * 2 * SB + jj * L
                    e = iota + e0
                    ray = lax.shift_right_logical(e * 21846, 16)
                    k = lax.shift_right_logical(ray, 6)
                    p2 = (ray & (SB - 1)) * 2
                    ch = e - ray * 3
                    wx = plsc.load_gather(wxv, [ray])
                    wy = plsc.load_gather(wyv, [ray])
                    oT = plsc.load_gather(oTv, [ray]) + ch
                    oB = plsc.load_gather(oBv, [ray]) + ch
                    d01 = plsc.load_gather(d01v, [ray])
                    o01 = oT + d01
                    o11 = oB + d01
                    v00 = plsc.load_gather(
                        cT, [k, p2 + lax.shift_right_logical(oT, 3), oT & 7])
                    v01 = plsc.load_gather(
                        cT, [k, p2 + lax.shift_right_logical(o01, 3), o01 & 7])
                    v10 = plsc.load_gather(
                        cB, [k, p2 + lax.shift_right_logical(oB, 3), oB & 7])
                    v11 = plsc.load_gather(
                        cB, [k, p2 + lax.shift_right_logical(o11, 3), o11 & 7])
                    top = (1.0 - wx) * v00 + wx * v01
                    bot = (1.0 - wx) * v10 + wx * v11
                    outv[pl.ds(e0, L)] = (1.0 - wy) * top + wy * bot
                return carry2

            lax.fori_loop(0, 3 * ns // 2, blend_body, 0)
            pltpu.sync_copy(outv, out_hbm.at[pl.ds(r0 * 3, ce)])
            return carry

        lax.fori_loop(0, nchunk, chunk_body, 0)

    mesh = plsc.VectorSubcoreMesh(
        core_axis_name="c", subcore_axis_name="s",
        num_cores=NC, num_subcores=NS)
    return pl.kernel(
        body,
        out_type=jax.ShapeDtypeStruct((n_rays * 3,), jnp.float32),
        mesh=mesh,
        compiler_params=pltpu.CompilerParams(
            needs_layout_passes=False, use_tc_tiling_on_sc=False),
        scratch_types=[
            pltpu.VMEM((3 * chunk,), jnp.float32),
            pltpu.VMEM((ns, 2 * SB), jnp.int32),
            pltpu.VMEM((ns, 2 * SB), jnp.int32),
            pltpu.VMEM((chunk,), jnp.int32),
            pltpu.VMEM((chunk,), jnp.int32),
            pltpu.VMEM((chunk,), jnp.int32),
            pltpu.VMEM((chunk,), jnp.float32),
            pltpu.VMEM((chunk,), jnp.float32),
            pltpu.VMEM((ns, 2 * SB, 8), jnp.float32),
            pltpu.VMEM((ns, 2 * SB, 8), jnp.float32),
            pltpu.VMEM((ce,), jnp.float32),
            pltpu.SemaphoreType.DMA,
        ],
        interpret=interpret,
    )


@jax.jit
def _run(viewdirs, base):
    n = viewdirs.shape[0]
    fn = _build(n, 1024)
    vd = viewdirs.reshape(-1)
    table = base.reshape(6 * RES * RES * 3 // 8, 8)
    out = fn(vd, table)
    return out.reshape(n, 3)


def kernel(viewdirs, base):
    return _run(viewdirs, base)

# --- scband reference (transcript-rebuilt; emitter-appended) ---
"""Pipeline reference for scband-env-light-79886391705842 (READ-ONLY COPY).

The authoritative reference and input builder live on the scoring server;
editing this copy changes nothing except your own understanding.
"""

import jax, jax.numpy as jnp
import numpy as np

RES = 1024
N_RAYS = 1048576


def setup_inputs(seed: int = 0) -> dict:
    key = jax.random.key(seed)
    viewdirs = jax.random.normal(jax.random.fold_in(key, 0), (N_RAYS, 3), dtype=jnp.float32)
    viewdirs = viewdirs / (jnp.linalg.norm(viewdirs, axis=-1, keepdims=True) + 1e-8)
    # learned parameter: cubemap base, initialized to 0.5 as in the torch module
    base = 0.5 * jnp.ones((6, RES, RES, 3), dtype=jnp.float32)
    return {"viewdirs": viewdirs, "base": base}


def _cube_face_uv(d):
    x, y, z = d[:, 0], d[:, 1], d[:, 2]
    ax, ay, az = jnp.abs(x), jnp.abs(y), jnp.abs(z)
    is_x = (ax >= ay) & (ax >= az)
    is_y = jnp.logical_not(is_x) & (ay >= az)
    face = jnp.where(
        is_x,
        jnp.where(x >= 0, 0, 1),
        jnp.where(is_y, jnp.where(y >= 0, 2, 3), jnp.where(z >= 0, 4, 5)),
    ).astype(jnp.int32)
    ma = jnp.where(is_x, ax, jnp.where(is_y, ay, az))
    ma = jnp.maximum(ma, 1e-12)
    # OpenGL cubemap face (s,t) conventions
    sc = jnp.where(
        is_x,
        jnp.where(x >= 0, -z, z),
        jnp.where(is_y, x, jnp.where(z >= 0, x, -x)),
    )
    tc = jnp.where(
        is_x,
        -y,
        jnp.where(is_y, jnp.where(y >= 0, z, -z), -y),
    )
    u = (sc / ma + 1.0) * 0.5
    v = (tc / ma + 1.0) * 0.5
    return face, u, v


def _bilinear_cube(base, face, u, v):
    R = base.shape[1]
    fx = u * R - 0.5
    fy = v * R - 0.5
    x0 = jnp.floor(fx)
    y0 = jnp.floor(fy)
    wx = fx - x0
    wy = fy - y0
    x0i = jnp.clip(x0, 0, R - 1).astype(jnp.int32)
    x1i = jnp.clip(x0 + 1, 0, R - 1).astype(jnp.int32)
    y0i = jnp.clip(y0, 0, R - 1).astype(jnp.int32)
    y1i = jnp.clip(y0 + 1, 0, R - 1).astype(jnp.int32)
    c00 = base[face, y0i, x0i]
    c01 = base[face, y0i, x1i]
    c10 = base[face, y1i, x0i]
    c11 = base[face, y1i, x1i]
    wx = wx[:, None]
    wy = wy[:, None]
    return ((1 - wy) * ((1 - wx) * c00 + wx * c01)
            + wy * ((1 - wx) * c10 + wx * c11))


def reference(viewdirs, base):
    to_opengl = jnp.array([[1.0, 0.0, 0.0], [0.0, 0.0, 1.0], [0.0, -1.0, 0.0]], dtype=jnp.float32)
    prefix = viewdirs.shape[:-1]
    l = viewdirs.reshape(-1, 3) @ to_opengl.T
    face, u, v = _cube_face_uv(l)
    light = _bilinear_cube(base, face, u, v)
    return light.reshape(prefix + (3,))

if __name__ == "__main__":
    import jax
    _d = setup_inputs()
    print(jax.jit(kernel)(*tuple(_d.values())))

</pallas_src>

<mosaic_0001>
#map = affine_map<(d0, d1) -> (0)>
#map1 = affine_map<(d0, d1) -> (0, 0)>
module attributes {stable_mosaic.version = 14 : i64} {
  func.func @body(%arg0: i32, %arg1: i32, %arg2: memref<3145728xf32, #tpu.memory_space<hbm>>, %arg3: memref<2359296x8xf32, #tpu.memory_space<hbm>>, %arg4: memref<3145728xf32, #tpu.memory_space<hbm>>, %arg5: memref<3072xf32, #tpu.memory_space<vmem>>, %arg6: memref<16x128xi32, #tpu.memory_space<vmem>>, %arg7: memref<16x128xi32, #tpu.memory_space<vmem>>, %arg8: memref<1024xi32, #tpu.memory_space<vmem>>, %arg9: memref<1024xi32, #tpu.memory_space<vmem>>, %arg10: memref<1024xi32, #tpu.memory_space<vmem>>, %arg11: memref<1024xf32, #tpu.memory_space<vmem>>, %arg12: memref<1024xf32, #tpu.memory_space<vmem>>, %arg13: memref<16x128x8xf32, #tpu.memory_space<vmem>>, %arg14: memref<16x128x8xf32, #tpu.memory_space<vmem>>, %arg15: memref<3072xf32, #tpu.memory_space<vmem>>, %arg16: memref<!tpu.dma_semaphore, #tpu.memory_space<semaphore_mem>>) attributes {dimension_semantics = [#tpu.dimension_semantics<core_parallel>, #tpu.dimension_semantics<subcore_parallel>], iteration_bounds = array<i64: 2, 16>, scalar_prefetch = 0 : i64, scratch_operands = 12 : i64, tpu.core_type = #tpu.core_type<sc_vector_subcore>, window_params = [{transform_indices = #map}, {transform_indices = #map1}, {transform_indices = #map}]} {
    %mul3A = arith.constant 2 : i32
    %mul3A_0 = arith.muli %arg1, %mul3A : i32
    %add3A = arith.addi %mul3A_0, %arg0 : i32
    %mul3A_1 = arith.constant 32768 : i32
    %mul3A_2 = arith.muli %add3A, %mul3A_1 : i32
    %iota3A = tpu.iota {dimensions = array<i32: 0>} : vector<16xi32>
    %scan3A = arith.constant 0 : i32
    %scan3A_3 = arith.constant 0 : i32
    %scan3A_4 = arith.constant 32 : i32
    %scan3A_5 = arith.addi %scan3A_3, %scan3A_4 : i32
    %scan3A_6 = arith.constant 1 : i32
    scf.for %scan3A_8 = %scan3A_3 to %scan3A_5 step %scan3A_6  : i32 {
      %mul3A_9 = arith.constant 1024 : i32
      %mul3A_10 = arith.muli %scan3A_8, %mul3A_9 : i32
      %add3A_11 = arith.addi %mul3A_2, %mul3A_10 : i32
      %mul3A_12 = arith.constant 3 : i32
      %mul3A_13 = arith.muli %add3A_11, %mul3A_12 : i32
      "tpu.region"() ({
        %run_scoped3A = tpu.sem_alloc : memref<!tpu.dma_semaphore, #tpu.memory_space<semaphore_mem>>
        %dma_start3A_794 = tpu.memref_slice %arg2[%mul3A_13] : memref<3145728xf32, #tpu.memory_space<hbm>> -> memref<3072xf32, #tpu.memory_space<hbm>>
        %dma_start3A_795 = tpu.memref_slice %arg2[%mul3A_13] : memref<3145728xf32, #tpu.memory_space<hbm>> -> memref<3072xf32, #tpu.memory_space<hbm>>
        tpu.enqueue_dma source(%dma_start3A_795 : memref<3072xf32, #tpu.memory_space<hbm>>) target(%arg5 : memref<3072xf32, #tpu.memory_space<vmem>>) target_semaphore(%run_scoped3A : memref<!tpu.dma_semaphore, #tpu.memory_space<semaphore_mem>>)
        %dma_wait3A_796 = tpu.memref_slice %arg2[%mul3A_13] : memref<3145728xf32, #tpu.memory_space<hbm>> -> memref<3072xf32, #tpu.memory_space<hbm>>
        %dma_wait3A_797 = tpu.memref_slice %arg2[%mul3A_13] : memref<3145728xf32, #tpu.memory_space<hbm>> -> memref<3072xf32, #tpu.memory_space<hbm>>
        tpu.wait_dma2 semaphore(%run_scoped3A : memref<!tpu.dma_semaphore, #tpu.memory_space<semaphore_mem>>) src(%dma_wait3A_797 : memref<3072xf32, #tpu.memory_space<hbm>>) dst(%arg5 : memref<3072xf32, #tpu.memory_space<vmem>>)
        tpu.yield
      }) : () -> ()
      %scan3A_14 = arith.constant 0 : i32
      %scan3A_15 = arith.constant 0 : i32
      %scan3A_16 = arith.constant 16 : i32
      %scan3A_17 = arith.addi %scan3A_15, %scan3A_16 : i32
      %scan3A_18 = arith.constant 1 : i32
      scf.for %scan3A_794 = %scan3A_15 to %scan3A_17 step %scan3A_18  : i32 {
        %broadcast_in_dim3A = vector.broadcast %scan3A_794 : i32 to vector<16xi32>
        %mul3A_795 = arith.constant 64 : i32
        %mul3A_796 = arith.muli %scan3A_794, %mul3A_795 : i32
        %add3A_797 = arith.constant 0 : i32
        %add3A_798 = arith.addi %mul3A_796, %add3A_797 : i32
        %add3A_799 = vector.broadcast %add3A_798 : i32 to vector<16xi32>
        %add3A_800 = arith.addi %iota3A, %add3A_799 : vector<16xi32>
        %mul3A_801 = arith.constant 3 : i32
        %mul3A_802 = vector.broadcast %mul3A_801 : i32 to vector<16xi32>
        %mul3A_803 = arith.muli %add3A_800, %mul3A_802 : vector<16xi32>
        %gather3A = tpu.vector_load_idx %arg5[%mul3A_803] : memref<3072xf32, #tpu.memory_space<vmem>>[vector<16xi32>], vector<16xf32>,
        %add3A_804 = arith.constant 1 : i32
        %add3A_805 = vector.broadcast %add3A_804 : i32 to vector<16xi32>
        %add3A_806 = arith.addi %mul3A_803, %add3A_805 : vector<16xi32>
        %gather3A_807 = tpu.vector_load_idx %arg5[%add3A_806] : memref<3072xf32, #tpu.memory_space<vmem>>[vector<16xi32>], vector<16xf32>,
        %add3A_808 = arith.constant 2 : i32
        %add3A_809 = vector.broadcast %add3A_808 : i32 to vector<16xi32>
        %add3A_810 = arith.addi %mul3A_803, %add3A_809 : vector<16xi32>
        %gather3A_811 = tpu.vector_load_idx %arg5[%add3A_810] : memref<3072xf32, #tpu.memory_space<vmem>>[vector<16xi32>], vector<16xf32>,
        %abs3A = math.absf %gather3A : vector<16xf32>
        %abs3A_812 = math.absf %gather3A_811 : vector<16xf32>
        %abs3A_813 = math.absf %gather3A_807 : vector<16xf32>
        %neg3A = arith.constant 0.000000e+00 : f32
        %neg3A_814 = vector.broadcast %neg3A : f32 to vector<16xf32>
        %neg3A_815 = arith.subf %neg3A_814, %gather3A_807 : vector<16xf32>
        %ge3A = arith.cmpf oge, %abs3A, %abs3A_812 : vector<16xf32>
        %ge3A_816 = arith.cmpf oge, %abs3A, %abs3A_813 : vector<16xf32>
        %and3A = arith.andi %ge3A, %ge3A_816 : vector<16xi1>
        %not3A = arith.constant dense<true> : vector<16xi1>
        %not3A_817 = arith.xori %and3A, %not3A : vector<16xi1>
        %ge3A_818 = arith.cmpf oge, %abs3A_812, %abs3A_813 : vector<16xf32>
        %and3A_819 = arith.andi %not3A_817, %ge3A_818 : vector<16xi1>
        %ge3A_820 = arith.constant 0.000000e+00 : f32
        %ge3A_821 = vector.broadcast %ge3A_820 : f32 to vector<16xf32>
        %ge3A_822 = arith.cmpf oge, %gather3A, %ge3A_821 : vector<16xf32>
        %jit3A = arith.constant 0 : i32
        %jit3A_823 = arith.constant 1 : i32
        %broadcast_in_dim3A_824 = vector.broadcast %jit3A : i32 to vector<16xi32>
        %broadcast_in_dim3A_825 = vector.broadcast %jit3A_823 : i32 to vector<16xi32>
        %select_n3A = arith.select %ge3A_822, %broadcast_in_dim3A_824, %broadcast_in_dim3A_825 : vector<16xi1>, vector<16xi32>
        %ge3A_826 = arith.constant 0.000000e+00 : f32
        %ge3A_827 = vector.broadcast %ge3A_826 : f32 to vector<16xf32>
        %ge3A_828 = arith.cmpf oge, %gather3A_811, %ge3A_827 : vector<16xf32>
        %jit3A_829 = arith.constant 2 : i32
        %jit3A_830 = arith.constant 3 : i32
        %broadcast_in_dim3A_831 = vector.broadcast %jit3A_829 : i32 to vector<16xi32>
        %broadcast_in_dim3A_832 = vector.broadcast %jit3A_830 : i32 to vector<16xi32>
        %select_n3A_833 = arith.select %ge3A_828, %broadcast_in_dim3A_831, %broadcast_in_dim3A_832 : vector<16xi1>, vector<16xi32>
        %ge3A_834 = arith.constant 0.000000e+00 : f32
        %ge3A_835 = vector.broadcast %ge3A_834 : f32 to vector<16xf32>
        %ge3A_836 = arith.cmpf oge, %neg3A_815, %ge3A_835 : vector<16xf32>
        %jit3A_837 = arith.constant 4 : i32
        %jit3A_838 = arith.constant 5 : i32
        %broadcast_in_dim3A_839 = vector.broadcast %jit3A_837 : i32 to vector<16xi32>
        %broadcast_in_dim3A_840 = vector.broadcast %jit3A_838 : i32 to vector<16xi32>
        %select_n3A_841 = arith.select %ge3A_836, %broadcast_in_dim3A_839, %broadcast_in_dim3A_840 : vector<16xi1>, vector<16xi32>
        %select_n3A_842 = arith.select %and3A_819, %select_n3A_833, %select_n3A_841 : vector<16xi1>, vector<16xi32>
        %select_n3A_843 = arith.select %and3A, %select_n3A, %select_n3A_842 : vector<16xi1>, vector<16xi32>
        %select_n3A_844 = arith.select %and3A_819, %abs3A_812, %abs3A_813 : vector<16xi1>, vector<16xf32>
        %select_n3A_845 = arith.select %and3A, %abs3A, %select_n3A_844 : vector<16xi1>, vector<16xf32>
        %max3A = arith.constant 9.99999996E-13 : f32
        %max3A_846 = vector.broadcast %max3A : f32 to vector<16xf32>
        %max3A_847 = arith.maximumf %select_n3A_845, %max3A_846 : vector<16xf32>
        %ge3A_848 = arith.constant 0.000000e+00 : f32
        %ge3A_849 = vector.broadcast %ge3A_848 : f32 to vector<16xf32>
        %ge3A_850 = arith.cmpf oge, %gather3A, %ge3A_849 : vector<16xf32>
        %select_n3A_851 = arith.select %ge3A_850, %gather3A_807, %neg3A_815 : vector<16xi1>, vector<16xf32>
        %ge3A_852 = arith.constant 0.000000e+00 : f32
        %ge3A_853 = vector.broadcast %ge3A_852 : f32 to vector<16xf32>
        %ge3A_854 = arith.cmpf oge, %neg3A_815, %ge3A_853 : vector<16xf32>
        %neg3A_855 = arith.constant 0.000000e+00 : f32
        %neg3A_856 = vector.broadcast %neg3A_855 : f32 to vector<16xf32>
        %neg3A_857 = arith.subf %neg3A_856, %gather3A : vector<16xf32>
        %select_n3A_858 = arith.select %ge3A_854, %gather3A, %neg3A_857 : vector<16xi1>, vector<16xf32>
        %select_n3A_859 = arith.select %and3A_819, %gather3A, %select_n3A_858 : vector<16xi1>, vector<16xf32>
        %select_n3A_860 = arith.select %and3A, %select_n3A_851, %select_n3A_859 : vector<16xi1>, vector<16xf32>
        %neg3A_861 = arith.constant 0.000000e+00 : f32
        %neg3A_862 = vector.broadcast %neg3A_861 : f32 to vector<16xf32>
        %neg3A_863 = arith.subf %neg3A_862, %gather3A_811 : vector<16xf32>
        %ge3A_864 = arith.constant 0.000000e+00 : f32
        %ge3A_865 = vector.broadcast %ge3A_864 : f32 to vector<16xf32>
        %ge3A_866 = arith.cmpf oge, %gather3A_811, %ge3A_865 : vector<16xf32>
        %select_n3A_867 = arith.select %ge3A_866, %neg3A_815, %gather3A_807 : vector<16xi1>, vector<16xf32>
        %neg3A_868 = arith.constant 0.000000e+00 : f32
        %neg3A_869 = vector.broadcast %neg3A_868 : f32 to vector<16xf32>
        %neg3A_870 = arith.subf %neg3A_869, %gather3A_811 : vector<16xf32>
        %select_n3A_871 = arith.select %and3A_819, %select_n3A_867, %neg3A_870 : vector<16xi1>, vector<16xf32>
        %select_n3A_872 = arith.select %and3A, %neg3A_863, %select_n3A_871 : vector<16xi1>, vector<16xf32>
        %div3A = arith.divf %select_n3A_860, %max3A_847 : vector<16xf32>
        %add3A_873 = arith.constant 1.000000e+00 : f32
        %add3A_874 = vector.broadcast %add3A_873 : f32 to vector<16xf32>
        %add3A_875 = arith.addf %div3A, %add3A_874 : vector<16xf32>
        %mul3A_876 = arith.constant 5.000000e-01 : f32
        %mul3A_877 = vector.broadcast %mul3A_876 : f32 to vector<16xf32>
        %mul3A_878 = arith.mulf %add3A_875, %mul3A_877 : vector<16xf32>
        %div3A_879 = arith.divf %select_n3A_872, %max3A_847 : vector<16xf32>
        %add3A_880 = arith.constant 1.000000e+00 : f32
        %add3A_881 = vector.broadcast %add3A_880 : f32 to vector<16xf32>
        %add3A_882 = arith.addf %div3A_879, %add3A_881 : vector<16xf32>
        %mul3A_883 = arith.constant 5.000000e-01 : f32
        %mul3A_884 = vector.broadcast %mul3A_883 : f32 to vector<16xf32>
        %mul3A_885 = arith.mulf %add3A_882, %mul3A_884 : vector<16xf32>
        %mul3A_886 = arith.constant 1.024000e+03 : f32
        %mul3A_887 = vector.broadcast %mul3A_886 : f32 to vector<16xf32>
        %mul3A_888 = arith.mulf %mul3A_878, %mul3A_887 : vector<16xf32>
        %sub3A = arith.constant 5.000000e-01 : f32
        %sub3A_889 = vector.broadcast %sub3A : f32 to vector<16xf32>
        %sub3A_890 = arith.subf %mul3A_888, %sub3A_889 : vector<16xf32>
        %mul3A_891 = arith.constant 1.024000e+03 : f32
        %mul3A_892 = vector.broadcast %mul3A_891 : f32 to vector<16xf32>
        %mul3A_893 = arith.mulf %mul3A_885, %mul3A_892 : vector<16xf32>
        %sub3A_894 = arith.constant 5.000000e-01 : f32
        %sub3A_895 = vector.broadcast %sub3A_894 : f32 to vector<16xf32>
        %sub3A_896 = arith.subf %mul3A_893, %sub3A_895 : vector<16xf32>
        %convert_element_type3A = arith.fptosi %sub3A_890 : vector<16xf32> to vector<16xi32>
        %convert_element_type3A_897 = arith.sitofp %convert_element_type3A : vector<16xi32> to vector<16xf32>
        %gt3A = arith.cmpf ogt, %convert_element_type3A_897, %sub3A_890 : vector<16xf32>
        %sub3A_898 = arith.constant 1 : i32
        %sub3A_899 = vector.broadcast %sub3A_898 : i32 to vector<16xi32>
        %sub3A_900 = arith.subi %convert_element_type3A, %sub3A_899 : vector<16xi32>
        %select_n3A_901 = arith.select %gt3A, %sub3A_900, %convert_element_type3A : vector<16xi1>, vector<16xi32>
        %convert_element_type3A_902 = arith.fptosi %sub3A_896 : vector<16xf32> to vector<16xi32>
        %convert_element_type3A_903 = arith.sitofp %convert_element_type3A_902 : vector<16xi32> to vector<16xf32>
        %gt3A_904 = arith.cmpf ogt, %convert_element_type3A_903, %sub3A_896 : vector<16xf32>
        %sub3A_905 = arith.constant 1 : i32
        %sub3A_906 = vector.broadcast %sub3A_905 : i32 to vector<16xi32>
        %sub3A_907 = arith.subi %convert_element_type3A_902, %sub3A_906 : vector<16xi32>
        %select_n3A_908 = arith.select %gt3A_904, %sub3A_907, %convert_element_type3A_902 : vector<16xi1>, vector<16xi32>
        %convert_element_type3A_909 = arith.sitofp %select_n3A_901 : vector<16xi32> to vector<16xf32>
        %sub3A_910 = arith.subf %sub3A_890, %convert_element_type3A_909 : vector<16xf32>
        %convert_element_type3A_911 = arith.sitofp %select_n3A_908 : vector<16xi32> to vector<16xf32>
        %sub3A_912 = arith.subf %sub3A_896, %convert_element_type3A_911 : vector<16xf32>
        %jit3A_913 = arith.constant 0 : i32
        %jit3A_914 = arith.constant 1023 : i32
        %max3A_915 = vector.broadcast %jit3A_913 : i32 to vector<16xi32>
        %max3A_916 = arith.maxsi %max3A_915, %select_n3A_901 : vector<16xi32>
        %min3A = vector.broadcast %jit3A_914 : i32 to vector<16xi32>
        %min3A_917 = arith.minsi %min3A, %max3A_916 : vector<16xi32>
        %add3A_918 = arith.constant 1 : i32
        %add3A_919 = vector.broadcast %add3A_918 : i32 to vector<16xi32>
        %add3A_920 = arith.addi %select_n3A_901, %add3A_919 : vector<16xi32>
        %jit3A_921 = arith.constant 0 : i32
        %jit3A_922 = arith.constant 1023 : i32
        %max3A_923 = vector.broadcast %jit3A_921 : i32 to vector<16xi32>
        %max3A_924 = arith.maxsi %max3A_923, %add3A_920 : vector<16xi32>
        %min3A_925 = vector.broadcast %jit3A_922 : i32 to vector<16xi32>
        %min3A_926 = arith.minsi %min3A_925, %max3A_924 : vector<16xi32>
        %jit3A_927 = arith.constant 0 : i32
        %jit3A_928 = arith.constant 1023 : i32
        %max3A_929 = vector.broadcast %jit3A_927 : i32 to vector<16xi32>
        %max3A_930 = arith.maxsi %max3A_929, %select_n3A_908 : vector<16xi32>
        %min3A_931 = vector.broadcast %jit3A_928 : i32 to vector<16xi32>
        %min3A_932 = arith.minsi %min3A_931, %max3A_930 : vector<16xi32>
        %add3A_933 = arith.constant 1 : i32
        %add3A_934 = vector.broadcast %add3A_933 : i32 to vector<16xi32>
        %add3A_935 = arith.addi %select_n3A_908, %add3A_934 : vector<16xi32>
        %jit3A_936 = arith.constant 0 : i32
        %jit3A_937 = arith.constant 1023 : i32
        %max3A_938 = vector.broadcast %jit3A_936 : i32 to vector<16xi32>
        %max3A_939 = arith.maxsi %max3A_938, %add3A_935 : vector<16xi32>
        %min3A_940 = vector.broadcast %jit3A_937 : i32 to vector<16xi32>
        %min3A_941 = arith.minsi %min3A_940, %max3A_939 : vector<16xi32>
        %shift_left3A = arith.constant 20 : i32
        %shift_left3A_942 = vector.broadcast %shift_left3A : i32 to vector<16xi32>
        %shift_left3A_943 = arith.shli %select_n3A_843, %shift_left3A_942 : vector<16xi32>
        %shift_left3A_944 = arith.constant 10 : i32
        %shift_left3A_945 = vector.broadcast %shift_left3A_944 : i32 to vector<16xi32>
        %shift_left3A_946 = arith.shli %min3A_932, %shift_left3A_945 : vector<16xi32>
        %add3A_947 = arith.addi %shift_left3A_943, %shift_left3A_946 : vector<16xi32>
        %shift_left3A_948 = arith.constant 10 : i32
        %shift_left3A_949 = vector.broadcast %shift_left3A_948 : i32 to vector<16xi32>
        %shift_left3A_950 = arith.shli %min3A_941, %shift_left3A_949 : vector<16xi32>
        %add3A_951 = arith.addi %shift_left3A_943, %shift_left3A_950 : vector<16xi32>
        %add3A_952 = arith.addi %add3A_947, %min3A_917 : vector<16xi32>
        %add3A_953 = arith.addi %add3A_947, %min3A_926 : vector<16xi32>
        %add3A_954 = arith.addi %add3A_951, %min3A_917 : vector<16xi32>
        %add3A_955 = arith.addi %add3A_951, %min3A_926 : vector<16xi32>
        %mul3A_956 = arith.constant 3 : i32
        %mul3A_957 = vector.broadcast %mul3A_956 : i32 to vector<16xi32>
        %mul3A_958 = arith.muli %add3A_952, %mul3A_957 : vector<16xi32>
        %mul3A_959 = arith.constant 3 : i32
        %mul3A_960 = vector.broadcast %mul3A_959 : i32 to vector<16xi32>
        %mul3A_961 = arith.muli %add3A_954, %mul3A_960 : vector<16xi32>
        %shift_right_logical3A = arith.constant 3 : i32
        %shift_right_logical3A_962 = vector.broadcast %shift_right_logical3A : i32 to vector<16xi32>
        %shift_right_logical3A_963 = arith.shrui %mul3A_958, %shift_right_logical3A_962 : vector<16xi32>
        %shift_right_logical3A_964 = arith.constant 3 : i32
        %shift_right_logical3A_965 = vector.broadcast %shift_right_logical3A_964 : i32 to vector<16xi32>
        %shift_right_logical3A_966 = arith.shrui %mul3A_961, %shift_right_logical3A_965 : vector<16xi32>
        %add3A_967 = arith.constant 0 : i32
        %add3A_968 = vector.broadcast %add3A_967 : i32 to vector<16xi32>
        %add3A_969 = arith.addi %iota3A, %add3A_968 : vector<16xi32>
        %mul3A_970 = arith.constant 2 : i32
        %mul3A_971 = vector.broadcast %mul3A_970 : i32 to vector<16xi32>
        %mul3A_972 = arith.muli %add3A_969, %mul3A_971 : vector<16xi32>
        tpu.vector_store_idx %arg6[%broadcast_in_dim3A, %mul3A_972], %shift_right_logical3A_963 : memref<16x128xi32, #tpu.memory_space<vmem>>[vector<16xi32>, vector<16xi32>], vector<16xi32>,
        %add3A_973 = arith.constant 1 : i32
        %add3A_974 = vector.broadcast %add3A_973 : i32 to vector<16xi32>
        %add3A_975 = arith.addi %mul3A_972, %add3A_974 : vector<16xi32>
        %add3A_976 = arith.constant 1 : i32
        %add3A_977 = vector.broadcast %add3A_976 : i32 to vector<16xi32>
        %add3A_978 = arith.addi %shift_right_logical3A_963, %add3A_977 : vector<16xi32>
        %min3A_979 = arith.constant 2359295 : i32
        %min3A_980 = vector.broadcast %min3A_979 : i32 to vector<16xi32>
        %min3A_981 = arith.minsi %add3A_978, %min3A_980 : vector<16xi32>
        tpu.vector_store_idx %arg6[%broadcast_in_dim3A, %add3A_975], %min3A_981 : memref<16x128xi32, #tpu.memory_space<vmem>>[vector<16xi32>, vector<16xi32>], vector<16xi32>,
        tpu.vector_store_idx %arg7[%broadcast_in_dim3A, %mul3A_972], %shift_right_logical3A_966 : memref<16x128xi32, #tpu.memory_space<vmem>>[vector<16xi32>, vector<16xi32>], vector<16xi32>,
        %add3A_982 = arith.constant 1 : i32
        %add3A_983 = vector.broadcast %add3A_982 : i32 to vector<16xi32>
        %add3A_984 = arith.addi %mul3A_972, %add3A_983 : vector<16xi32>
        %add3A_985 = arith.constant 1 : i32
        %add3A_986 = vector.broadcast %add3A_985 : i32 to vector<16xi32>
        %add3A_987 = arith.addi %shift_right_logical3A_966, %add3A_986 : vector<16xi32>
        %min3A_988 = arith.constant 2359295 : i32
        %min3A_989 = vector.broadcast %min3A_988 : i32 to vector<16xi32>
        %min3A_990 = arith.minsi %add3A_987, %min3A_989 : vector<16xi32>
        tpu.vector_store_idx %arg7[%broadcast_in_dim3A, %add3A_984], %min3A_990 : memref<16x128xi32, #tpu.memory_space<vmem>>[vector<16xi32>, vector<16xi32>], vector<16xi32>,
        %and3A_991 = arith.constant 7 : i32
        %and3A_992 = vector.broadcast %and3A_991 : i32 to vector<16xi32>
        %and3A_993 = arith.andi %mul3A_958, %and3A_992 : vector<16xi32>
        %swap3A = arith.index_cast %add3A_798 : i32 to index
        %swap3A_994 = tpu.vector_load %arg8[%swap3A] {strides = array<i32>} : memref<1024xi32, #tpu.memory_space<vmem>>, vector<16xi32>,
        tpu.vector_store %arg8[%swap3A], %and3A_993 {strides = array<i32>} : memref<1024xi32, #tpu.memory_space<vmem>>, vector<16xi32>,
        %and3A_995 = arith.constant 7 : i32
        %and3A_996 = vector.broadcast %and3A_995 : i32 to vector<16xi32>
        %and3A_997 = arith.andi %mul3A_961, %and3A_996 : vector<16xi32>
        %swap3A_998 = arith.index_cast %add3A_798 : i32 to index
        %swap3A_999 = tpu.vector_load %arg9[%swap3A_998] {strides = array<i32>} : memref<1024xi32, #tpu.memory_space<vmem>>, vector<16xi32>,
        tpu.vector_store %arg9[%swap3A_998], %and3A_997 {strides = array<i32>} : memref<1024xi32, #tpu.memory_space<vmem>>, vector<16xi32>,
        %sub3A_1000 = arith.subi %add3A_953, %add3A_952 : vector<16xi32>
        %mul3A_1001 = arith.constant 3 : i32
        %mul3A_1002 = vector.broadcast %mul3A_1001 : i32 to vector<16xi32>
        %mul3A_1003 = arith.muli %sub3A_1000, %mul3A_1002 : vector<16xi32>
        %swap3A_1004 = arith.index_cast %add3A_798 : i32 to index
        %swap3A_1005 = tpu.vector_load %arg10[%swap3A_1004] {strides = array<i32>} : memref<1024xi32, #tpu.memory_space<vmem>>, vector<16xi32>,
        tpu.vector_store %arg10[%swap3A_1004], %mul3A_1003 {strides = array<i32>} : memref<1024xi32, #tpu.memory_space<vmem>>, vector<16xi32>,
        %swap3A_1006 = arith.index_cast %add3A_798 : i32 to index
        %swap3A_1007 = tpu.vector_load %arg11[%swap3A_1006] {strides = array<i32>} : memref<1024xf32, #tpu.memory_space<vmem>>, vector<16xf32>,
        tpu.vector_store %arg11[%swap3A_1006], %sub3A_910 {strides = array<i32>} : memref<1024xf32, #tpu.memory_space<vmem>>, vector<16xf32>,
        %swap3A_1008 = arith.index_cast %add3A_798 : i32 to index
        %swap3A_1009 = tpu.vector_load %arg12[%swap3A_1008] {strides = array<i32>} : memref<1024xf32, #tpu.memory_space<vmem>>, vector<16xf32>,
        tpu.vector_store %arg12[%swap3A_1008], %sub3A_912 {strides = array<i32>} : memref<1024xf32, #tpu.memory_space<vmem>>, vector<16xf32>,
        %mul3A_1010 = arith.constant 64 : i32
        %mul3A_1011 = arith.muli %scan3A_794, %mul3A_1010 : i32
        %add3A_1012 = arith.constant 16 : i32
        %add3A_1013 = arith.addi %mul3A_1011, %add3A_1012 : i32
        %add3A_1014 = vector.broadcast %add3A_1013 : i32 to vector<16xi32>
        %add3A_1015 = arith.addi %iota3A, %add3A_1014 : vector<16xi32>
        %mul3A_1016 = arith.constant 3 : i32
        %mul3A_1017 = vector.broadcast %mul3A_1016 : i32 to vector<16xi32>
        %mul3A_1018 = arith.muli %add3A_1015, %mul3A_1017 : vector<16xi32>
        %gather3A_1019 = tpu.vector_load_idx %arg5[%mul3A_1018] : memref<3072xf32, #tpu.memory_space<vmem>>[vector<16xi32>], vector<16xf32>,
        %add3A_1020 = arith.constant 1 : i32
        %add3A_1021 = vector.broadcast %add3A_1020 : i32 to vector<16xi32>
        %add3A_1022 = arith.addi %mul3A_1018, %add3A_1021 : vector<16xi32>
        %gather3A_1023 = tpu.vector_load_idx %arg5[%add3A_1022] : memref<3072xf32, #tpu.memory_space<vmem>>[vector<16xi32>], vector<16xf32>,
        %add3A_1024 = arith.constant 2 : i32
        %add3A_1025 = vector.broadcast %add3A_1024 : i32 to vector<16xi32>
        %add3A_1026 = arith.addi %mul3A_1018, %add3A_1025 : vector<16xi32>
        %gather3A_1027 = tpu.vector_load_idx %arg5[%add3A_1026] : memref<3072xf32, #tpu.memory_space<vmem>>[vector<16xi32>], vector<16xf32>,
        %abs3A_1028 = math.absf %gather3A_1019 : vector<16xf32>
        %abs3A_1029 = math.absf %gather3A_1027 : vector<16xf32>
        %abs3A_1030 = math.absf %gather3A_1023 : vector<16xf32>
        %neg3A_1031 = arith.constant 0.000000e+00 : f32
        %neg3A_1032 = vector.broadcast %neg3A_1031 : f32 to vector<16xf32>
        %neg3A_1033 = arith.subf %neg3A_1032, %gather3A_1023 : vector<16xf32>
        %ge3A_1034 = arith.cmpf oge, %abs3A_1028, %abs3A_1029 : vector<16xf32>
        %ge3A_1035 = arith.cmpf oge, %abs3A_1028, %abs3A_1030 : vector<16xf32>
        %and3A_1036 = arith.andi %ge3A_1034, %ge3A_1035 : vector<16xi1>
        %not3A_1037 = arith.constant dense<true> : vector<16xi1>
        %not3A_1038 = arith.xori %and3A_1036, %not3A_1037 : vector<16xi1>
        %ge3A_1039 = arith.cmpf oge, %abs3A_1029, %abs3A_1030 : vector<16xf32>
        %and3A_1040 = arith.andi %not3A_1038, %ge3A_1039 : vector<16xi1>
        %ge3A_1041 = arith.constant 0.000000e+00 : f32
        %ge3A_1042 = vector.broadcast %ge3A_1041 : f32 to vector<16xf32>
        %ge3A_1043 = arith.cmpf oge, %gather3A_1019, %ge3A_1042 : vector<16xf32>
        %jit3A_1044 = arith.constant 0 : i32
        %jit3A_1045 = arith.constant 1 : i32
        %broadcast_in_dim3A_1046 = vector.broadcast %jit3A_1044 : i32 to vector<16xi32>
        %broadcast_in_dim3A_1047 = vector.broadcast %jit3A_1045 : i32 to vector<16xi32>
        %select_n3A_1048 = arith.select %ge3A_1043, %broadcast_in_dim3A_1046, %broadcast_in_dim3A_1047 : vector<16xi1>, vector<16xi32>
        %ge3A_1049 = arith.constant 0.000000e+00 : f32
        %ge3A_1050 = vector.broadcast %ge3A_1049 : f32 to vector<16xf32>
        %ge3A_1051 = arith.cmpf oge, %gather3A_1027, %ge3A_1050 : vector<16xf32>
        %jit3A_1052 = arith.constant 2 : i32
        %jit3A_1053 = arith.constant 3 : i32
        %broadcast_in_dim3A_1054 = vector.broadcast %jit3A_1052 : i32 to vector<16xi32>
        %broadcast_in_dim3A_1055 = vector.broadcast %jit3A_1053 : i32 to vector<16xi32>
        %select_n3A_1056 = arith.select %ge3A_1051, %broadcast_in_dim3A_1054, %broadcast_in_dim3A_1055 : vector<16xi1>, vector<16xi32>
        %ge3A_1057 = arith.constant 0.000000e+00 : f32
        %ge3A_1058 = vector.broadcast %ge3A_1057 : f32 to vector<16xf32>
        %ge3A_1059 = arith.cmpf oge, %neg3A_1033, %ge3A_1058 : vector<16xf32>
        %jit3A_1060 = arith.constant 4 : i32
        %jit3A_1061 = arith.constant 5 : i32
        %broadcast_in_dim3A_1062 = vector.broadcast %jit3A_1060 : i32 to vector<16xi32>
        %broadcast_in_dim3A_1063 = vector.broadcast %jit3A_1061 : i32 to vector<16xi32>
        %select_n3A_1064 = arith.select %ge3A_1059, %broadcast_in_dim3A_1062, %broadcast_in_dim3A_1063 : vector<16xi1>, vector<16xi32>
        %select_n3A_1065 = arith.select %and3A_1040, %select_n3A_1056, %select_n3A_1064 : vector<16xi1>, vector<16xi32>
        %select_n3A_1066 = arith.select %and3A_1036, %select_n3A_1048, %select_n3A_1065 : vector<16xi1>, vector<16xi32>
        %select_n3A_1067 = arith.select %and3A_1040, %abs3A_1029, %abs3A_1030 : vector<16xi1>, vector<16xf32>
        %select_n3A_1068 = arith.select %and3A_1036, %abs3A_1028, %select_n3A_1067 : vector<16xi1>, vector<16xf32>
        %max3A_1069 = arith.constant 9.99999996E-13 : f32
        %max3A_1070 = vector.broadcast %max3A_1069 : f32 to vector<16xf32>
        %max3A_1071 = arith.maximumf %select_n3A_1068, %max3A_1070 : vector<16xf32>
        %ge3A_1072 = arith.constant 0.000000e+00 : f32
        %ge3A_1073 = vector.broadcast %ge3A_1072 : f32 to vector<16xf32>
        %ge3A_1074 = arith.cmpf oge, %gather3A_1019, %ge3A_1073 : vector<16xf32>
        %select_n3A_1075 = arith.select %ge3A_1074, %gather3A_1023, %neg3A_1033 : vector<16xi1>, vector<16xf32>
        %ge3A_1076 = arith.constant 0.000000e+00 : f32
        %ge3A_1077 = vector.broadcast %ge3A_1076 : f32 to vector<16xf32>
        %ge3A_1078 = arith.cmpf oge, %neg3A_1033, %ge3A_1077 : vector<16xf32>
        %neg3A_1079 = arith.constant 0.000000e+00 : f32
        %neg3A_1080 = vector.broadcast %neg3A_1079 : f32 to vector<16xf32>
        %neg3A_1081 = arith.subf %neg3A_1080, %gather3A_1019 : vector<16xf32>
        %select_n3A_1082 = arith.select %ge3A_1078, %gather3A_1019, %neg3A_1081 : vector<16xi1>, vector<16xf32>
        %select_n3A_1083 = arith.select %and3A_1040, %gather3A_1019, %select_n3A_1082 : vector<16xi1>, vector<16xf32>
        %select_n3A_1084 = arith.select %and3A_1036, %select_n3A_1075, %select_n3A_1083 : vector<16xi1>, vector<16xf32>
        %neg3A_1085 = arith.constant 0.000000e+00 : f32
        %neg3A_1086 = vector.broadcast %neg3A_1085 : f32 to vector<16xf32>
        %neg3A_1087 = arith.subf %neg3A_1086, %gather3A_1027 : vector<16xf32>
        %ge3A_1088 = arith.constant 0.000000e+00 : f32
        %ge3A_1089 = vector.broadcast %ge3A_1088 : f32 to vector<16xf32>
        %ge3A_1090 = arith.cmpf oge, %gather3A_1027, %ge3A_1089 : vector<16xf32>
        %select_n3A_1091 = arith.select %ge3A_1090, %neg3A_1033, %gather3A_1023 : vector<16xi1>, vector<16xf32>
        %neg3A_1092 = arith.constant 0.000000e+00 : f32
        %neg3A_1093 = vector.broadcast %neg3A_1092 : f32 to vector<16xf32>
        %neg3A_1094 = arith.subf %neg3A_1093, %gather3A_1027 : vector<16xf32>
        %select_n3A_1095 = arith.select %and3A_1040, %select_n3A_1091, %neg3A_1094 : vector<16xi1>, vector<16xf32>
        %select_n3A_1096 = arith.select %and3A_1036, %neg3A_1087, %select_n3A_1095 : vector<16xi1>, vector<16xf32>
        %div3A_1097 = arith.divf %select_n3A_1084, %max3A_1071 : vector<16xf32>
        %add3A_1098 = arith.constant 1.000000e+00 : f32
        %add3A_1099 = vector.broadcast %add3A_1098 : f32 to vector<16xf32>
        %add3A_1100 = arith.addf %div3A_1097, %add3A_1099 : vector<16xf32>
        %mul3A_1101 = arith.constant 5.000000e-01 : f32
        %mul3A_1102 = vector.broadcast %mul3A_1101 : f32 to vector<16xf32>
        %mul3A_1103 = arith.mulf %add3A_1100, %mul3A_1102 : vector<16xf32>
        %div3A_1104 = arith.divf %select_n3A_1096, %max3A_1071 : vector<16xf32>
        %add3A_1105 = arith.constant 1.000000e+00 : f32
        %add3A_1106 = vector.broadcast %add3A_1105 : f32 to vector<16xf32>
        %add3A_1107 = arith.addf %div3A_1104, %add3A_1106 : vector<16xf32>
        %mul3A_1108 = arith.constant 5.000000e-01 : f32
        %mul3A_1109 = vector.broadcast %mul3A_1108 : f32 to vector<16xf32>
        %mul3A_1110 = arith.mulf %add3A_1107, %mul3A_1109 : vector<16xf32>
        %mul3A_1111 = arith.constant 1.024000e+03 : f32
        %mul3A_1112 = vector.broadcast %mul3A_1111 : f32 to vector<16xf32>
        %mul3A_1113 = arith.mulf %mul3A_1103, %mul3A_1112 : vector<16xf32>
        %sub3A_1114 = arith.constant 5.000000e-01 : f32
        %sub3A_1115 = vector.broadcast %sub3A_1114 : f32 to vector<16xf32>
        %sub3A_1116 = arith.subf %mul3A_1113, %sub3A_1115 : vector<16xf32>
        %mul3A_1117 = arith.constant 1.024000e+03 : f32
        %mul3A_1118 = vector.broadcast %mul3A_1117 : f32 to vector<16xf32>
        %mul3A_1119 = arith.mulf %mul3A_1110, %mul3A_1118 : vector<16xf32>
        %sub3A_1120 = arith.constant 5.000000e-01 : f32
        %sub3A_1121 = vector.broadcast %sub3A_1120 : f32 to vector<16xf32>
        %sub3A_1122 = arith.subf %mul3A_1119, %sub3A_1121 : vector<16xf32>
        %convert_element_type3A_1123 = arith.fptosi %sub3A_1116 : vector<16xf32> to vector<16xi32>
        %convert_element_type3A_1124 = arith.sitofp %convert_element_type3A_1123 : vector<16xi32> to vector<16xf32>
        %gt3A_1125 = arith.cmpf ogt, %convert_element_type3A_1124, %sub3A_1116 : vector<16xf32>
        %sub3A_1126 = arith.constant 1 : i32
        %sub3A_1127 = vector.broadcast %sub3A_1126 : i32 to vector<16xi32>
        %sub3A_1128 = arith.subi %convert_element_type3A_1123, %sub3A_1127 : vector<16xi32>
        %select_n3A_1129 = arith.select %gt3A_1125, %sub3A_1128, %convert_element_type3A_1123 : vector<16xi1>, vector<16xi32>
        %convert_element_type3A_1130 = arith.fptosi %sub3A_1122 : vector<16xf32> to vector<16xi32>
        %convert_element_type3A_1131 = arith.sitofp %convert_element_type3A_1130 : vector<16xi32> to vector<16xf32>
        %gt3A_1132 = arith.cmpf ogt, %convert_element_type3A_1131, %sub3A_1122 : vector<16xf32>
        %sub3A_1133 = arith.constant 1 : i32
        %sub3A_1134 = vector.broadcast %sub3A_1133 : i32 to vector<16xi32>
        %sub3A_1135 = arith.subi %convert_element_type3A_1130, %sub3A_1134 : vector<16xi32>
        %select_n3A_1136 = arith.select %gt3A_1132, %sub3A_1135, %convert_element_type3A_1130 : vector<16xi1>, vector<16xi32>
        %convert_element_type3A_1137 = arith.sitofp %select_n3A_1129 : vector<16xi32> to vector<16xf32>
        %sub3A_1138 = arith.subf %sub3A_1116, %convert_element_type3A_1137 : vector<16xf32>
        %convert_element_type3A_1139 = arith.sitofp %select_n3A_1136 : vector<16xi32> to vector<16xf32>
        %sub3A_1140 = arith.subf %sub3A_1122, %convert_element_type3A_1139 : vector<16xf32>
        %jit3A_1141 = arith.constant 0 : i32
        %jit3A_1142 = arith.constant 1023 : i32
        %max3A_1143 = vector.broadcast %jit3A_1141 : i32 to vector<16xi32>
        %max3A_1144 = arith.maxsi %max3A_1143, %select_n3A_1129 : vector<16xi32>
        %min3A_1145 = vector.broadcast %jit3A_1142 : i32 to vector<16xi32>
        %min3A_1146 = arith.minsi %min3A_1145, %max3A_1144 : vector<16xi32>
        %add3A_1147 = arith.constant 1 : i32
        %add3A_1148 = vector.broadcast %add3A_1147 : i32 to vector<16xi32>
        %add3A_1149 = arith.addi %select_n3A_1129, %add3A_1148 : vector<16xi32>
        %jit3A_1150 = arith.constant 0 : i32
        %jit3A_1151 = arith.constant 1023 : i32
        %max3A_1152 = vector.broadcast %jit3A_1150 : i32 to vector<16xi32>
        %max3A_1153 = arith.maxsi %max3A_1152, %add3A_1149 : vector<16xi32>
        %min3A_1154 = vector.broadcast %jit3A_1151 : i32 to vector<16xi32>
        %min3A_1155 = arith.minsi %min3A_1154, %max3A_1153 : vector<16xi32>
        %jit3A_1156 = arith.constant 0 : i32
        %jit3A_1157 = arith.constant 1023 : i32
        %max3A_1158 = vector.broadcast %jit3A_1156 : i32 to vector<16xi32>
        %max3A_1159 = arith.maxsi %max3A_1158, %select_n3A_1136 : vector<16xi32>
        %min3A_1160 = vector.broadcast %jit3A_1157 : i32 to vector<16xi32>
        %min3A_1161 = arith.minsi %min3A_1160, %max3A_1159 : vector<16xi32>
        %add3A_1162 = arith.constant 1 : i32
        %add3A_1163 = vector.broadcast %add3A_1162 : i32 to vector<16xi32>
        %add3A_1164 = arith.addi %select_n3A_1136, %add3A_1163 : vector<16xi32>
        %jit3A_1165 = arith.constant 0 : i32
        %jit3A_1166 = arith.constant 1023 : i32
        %max3A_1167 = vector.broadcast %jit3A_1165 : i32 to vector<16xi32>
        %max3A_1168 = arith.maxsi %max3A_1167, %add3A_1164 : vector<16xi32>
        %min3A_1169 = vector.broadcast %jit3A_1166 : i32 to vector<16xi32>
        %min3A_1170 = arith.minsi %min3A_1169, %max3A_1168 : vector<16xi32>
        %shift_left3A_1171 = arith.constant 20 : i32
        %shift_left3A_1172 = vector.broadcast %shift_left3A_1171 : i32 to vector<16xi32>
        %shift_left3A_1173 = arith.shli %select_n3A_1066, %shift_left3A_1172 : vector<16xi32>
        %shift_left3A_1174 = arith.constant 10 : i32
        %shift_left3A_1175 = vector.broadcast %shift_left3A_1174 : i32 to vector<16xi32>
        %shift_left3A_1176 = arith.shli %min3A_1161, %shift_left3A_1175 : vector<16xi32>
        %add3A_1177 = arith.addi %shift_left3A_1173, %shift_left3A_1176 : vector<16xi32>
        %shift_left3A_1178 = arith.constant 10 : i32
        %shift_left3A_1179 = vector.broadcast %shift_left3A_1178 : i32 to vector<16xi32>
        %shift_left3A_1180 = arith.shli %min3A_1170, %shift_left3A_1179 : vector<16xi32>
        %add3A_1181 = arith.addi %shift_left3A_1173, %shift_left3A_1180 : vector<16xi32>
        %add3A_1182 = arith.addi %add3A_1177, %min3A_1146 : vector<16xi32>
        %add3A_1183 = arith.addi %add3A_1177, %min3A_1155 : vector<16xi32>
        %add3A_1184 = arith.addi %add3A_1181, %min3A_1146 : vector<16xi32>
        %add3A_1185 = arith.addi %add3A_1181, %min3A_1155 : vector<16xi32>
        %mul3A_1186 = arith.constant 3 : i32
        %mul3A_1187 = vector.broadcast %mul3A_1186 : i32 to vector<16xi32>
        %mul3A_1188 = arith.muli %add3A_1182, %mul3A_1187 : vector<16xi32>
        %mul3A_1189 = arith.constant 3 : i32
        %mul3A_1190 = vector.broadcast %mul3A_1189 : i32 to vector<16xi32>
        %mul3A_1191 = arith.muli %add3A_1184, %mul3A_1190 : vector<16xi32>
        %shift_right_logical3A_1192 = arith.constant 3 : i32
        %shift_right_logical3A_1193 = vector.broadcast %shift_right_logical3A_1192 : i32 to vector<16xi32>
        %shift_right_logical3A_1194 = arith.shrui %mul3A_1188, %shift_right_logical3A_1193 : vector<16xi32>
        %shift_right_logical3A_1195 = arith.constant 3 : i32
        %shift_right_logical3A_1196 = vector.broadcast %shift_right_logical3A_1195 : i32 to vector<16xi32>
        %shift_right_logical3A_1197 = arith.shrui %mul3A_1191, %shift_right_logical3A_1196 : vector<16xi32>
        %add3A_1198 = arith.constant 16 : i32
        %add3A_1199 = vector.broadcast %add3A_1198 : i32 to vector<16xi32>
        %add3A_1200 = arith.addi %iota3A, %add3A_1199 : vector<16xi32>
        %mul3A_1201 = arith.constant 2 : i32
        %mul3A_1202 = vector.broadcast %mul3A_1201 : i32 to vector<16xi32>
        %mul3A_1203 = arith.muli %add3A_1200, %mul3A_1202 : vector<16xi32>
        tpu.vector_store_idx %arg6[%broadcast_in_dim3A, %mul3A_1203], %shift_right_logical3A_1194 : memref<16x128xi32, #tpu.memory_space<vmem>>[vector<16xi32>, vector<16xi32>], vector<16xi32>,
        %add3A_1204 = arith.constant 1 : i32
        %add3A_1205 = vector.broadcast %add3A_1204 : i32 to vector<16xi32>
        %add3A_1206 = arith.addi %mul3A_1203, %add3A_1205 : vector<16xi32>
        %add3A_1207 = arith.constant 1 : i32
        %add3A_1208 = vector.broadcast %add3A_1207 : i32 to vector<16xi32>
        %add3A_1209 = arith.addi %shift_right_logical3A_1194, %add3A_1208 : vector<16xi32>
        %min3A_1210 = arith.constant 2359295 : i32
        %min3A_1211 = vector.broadcast %min3A_1210 : i32 to vector<16xi32>
        %min3A_1212 = arith.minsi %add3A_1209, %min3A_1211 : vector<16xi32>
        tpu.vector_store_idx %arg6[%broadcast_in_dim3A, %add3A_1206], %min3A_1212 : memref<16x128xi32, #tpu.memory_space<vmem>>[vector<16xi32>, vector<16xi32>], vector<16xi32>,
        tpu.vector_store_idx %arg7[%broadcast_in_dim3A, %mul3A_1203], %shift_right_logical3A_1197 : memref<16x128xi32, #tpu.memory_space<vmem>>[vector<16xi32>, vector<16xi32>], vector<16xi32>,
        %add3A_1213 = arith.constant 1 : i32
        %add3A_1214 = vector.broadcast %add3A_1213 : i32 to vector<16xi32>
        %add3A_1215 = arith.addi %mul3A_1203, %add3A_1214 : vector<16xi32>
        %add3A_1216 = arith.constant 1 : i32
        %add3A_1217 = vector.broadcast %add3A_1216 : i32 to vector<16xi32>
        %add3A_1218 = arith.addi %shift_right_logical3A_1197, %add3A_1217 : vector<16xi32>
        %min3A_1219 = arith.constant 2359295 : i32
        %min3A_1220 = vector.broadcast %min3A_1219 : i32 to vector<16xi32>
        %min3A_1221 = arith.minsi %add3A_1218, %min3A_1220 : vector<16xi32>
        tpu.vector_store_idx %arg7[%broadcast_in_dim3A, %add3A_1215], %min3A_1221 : memref<16x128xi32, #tpu.memory_space<vmem>>[vector<16xi32>, vector<16xi32>], vector<16xi32>,
        %and3A_1222 = arith.constant 7 : i32
        %and3A_1223 = vector.broadcast %and3A_1222 : i32 to vector<16xi32>
        %and3A_1224 = arith.andi %mul3A_1188, %and3A_1223 : vector<16xi32>
        %swap3A_1225 = arith.index_cast %add3A_1013 : i32 to index
        %swap3A_1226 = tpu.vector_load %arg8[%swap3A_1225] {strides = array<i32>} : memref<1024xi32, #tpu.memory_space<vmem>>, vector<16xi32>,
        tpu.vector_store %arg8[%swap3A_1225], %and3A_1224 {strides = array<i32>} : memref<1024xi32, #tpu.memory_space<vmem>>, vector<16xi32>,
        %and3A_1227 = arith.constant 7 : i32
        %and3A_1228 = vector.broadcast %and3A_1227 : i32 to vector<16xi32>
        %and3A_1229 = arith.andi %mul3A_1191, %and3A_1228 : vector<16xi32>
        %swap3A_1230 = arith.index_cast %add3A_1013 : i32 to index
        %swap3A_1231 = tpu.vector_load %arg9[%swap3A_1230] {strides = array<i32>} : memref<1024xi32, #tpu.memory_space<vmem>>, vector<16xi32>,
        tpu.vector_store %arg9[%swap3A_1230], %and3A_1229 {strides = array<i32>} : memref<1024xi32, #tpu.memory_space<vmem>>, vector<16xi32>,
        %sub3A_1232 = arith.subi %add3A_1183, %add3A_1182 : vector<16xi32>
        %mul3A_1233 = arith.constant 3 : i32
        %mul3A_1234 = vector.broadcast %mul3A_1233 : i32 to vector<16xi32>
        %mul3A_1235 = arith.muli %sub3A_1232, %mul3A_1234 : vector<16xi32>
        %swap3A_1236 = arith.index_cast %add3A_1013 : i32 to index
        %swap3A_1237 = tpu.vector_load %arg10[%swap3A_1236] {strides = array<i32>} : memref<1024xi32, #tpu.memory_space<vmem>>, vector<16xi32>,
        tpu.vector_store %arg10[%swap3A_1236], %mul3A_1235 {strides = array<i32>} : memref<1024xi32, #tpu.memory_space<vmem>>, vector<16xi32>,
        %swap3A_1238 = arith.index_cast %add3A_1013 : i32 to index
        %swap3A_1239 = tpu.vector_load %arg11[%swap3A_1238] {strides = array<i32>} : memref<1024xf32, #tpu.memory_space<vmem>>, vector<16xf32>,
        tpu.vector_store %arg11[%swap3A_1238], %sub3A_1138 {strides = array<i32>} : memref<1024xf32, #tpu.memory_space<vmem>>, vector<16xf32>,
        %swap3A_1240 = arith.index_cast %add3A_1013 : i32 to index
        %swap3A_1241 = tpu.vector_load %arg12[%swap3A_1240] {strides = array<i32>} : memref<1024xf32, #tpu.memory_space<vmem>>, vector<16xf32>,
        tpu.vector_store %arg12[%swap3A_1240], %sub3A_1140 {strides = array<i32>} : memref<1024xf32, #tpu.memory_space<vmem>>, vector<16xf32>,
        %mul3A_1242 = arith.constant 64 : i32
        %mul3A_1243 = arith.muli %scan3A_794, %mul3A_1242 : i32
        %add3A_1244 = arith.constant 32 : i32
        %add3A_1245 = arith.addi %mul3A_1243, %add3A_1244 : i32
        %add3A_1246 = vector.broadcast %add3A_1245 : i32 to vector<16xi32>
        %add3A_1247 = arith.addi %iota3A, %add3A_1246 : vector<16xi32>
        %mul3A_1248 = arith.constant 3 : i32
        %mul3A_1249 = vector.broadcast %mul3A_1248 : i32 to vector<16xi32>
        %mul3A_1250 = arith.muli %add3A_1247, %mul3A_1249 : vector<16xi32>
        %gather3A_1251 = tpu.vector_load_idx %arg5[%mul3A_1250] : memref<3072xf32, #tpu.memory_space<vmem>>[vector<16xi32>], vector<16xf32>,
        %add3A_1252 = arith.constant 1 : i32
        %add3A_1253 = vector.broadcast %add3A_1252 : i32 to vector<16xi32>
        %add3A_1254 = arith.addi %mul3A_1250, %add3A_1253 : vector<16xi32>
        %gather3A_1255 = tpu.vector_load_idx %arg5[%add3A_1254] : memref<3072xf32, #tpu.memory_space<vmem>>[vector<16xi32>], vector<16xf32>,
        %add3A_1256 = arith.constant 2 : i32
        %add3A_1257 = vector.broadcast %add3A_1256 : i32 to vector<16xi32>
        %add3A_1258 = arith.addi %mul3A_1250, %add3A_1257 : vector<16xi32>
        %gather3A_1259 = tpu.vector_load_idx %arg5[%add3A_1258] : memref<3072xf32, #tpu.memory_space<vmem>>[vector<16xi32>], vector<16xf32>,
        %abs3A_1260 = math.absf %gather3A_1251 : vector<16xf32>
        %abs3A_1261 = math.absf %gather3A_1259 : vector<16xf32>
        %abs3A_1262 = math.absf %gather3A_1255 : vector<16xf32>
        %neg3A_1263 = arith.constant 0.000000e+00 : f32
        %neg3A_1264 = vector.broadcast %neg3A_1263 : f32 to vector<16xf32>
        %neg3A_1265 = arith.subf %neg3A_1264, %gather3A_1255 : vector<16xf32>
        %ge3A_1266 = arith.cmpf oge, %abs3A_1260, %abs3A_1261 : vector<16xf32>
        %ge3A_1267 = arith.cmpf oge, %abs3A_1260, %abs3A_1262 : vector<16xf32>
        %and3A_1268 = arith.andi %ge3A_1266, %ge3A_1267 : vector<16xi1>
        %not3A_1269 = arith.constant dense<true> : vector<16xi1>
        %not3A_1270 = arith.xori %and3A_1268, %not3A_1269 : vector<16xi1>
        %ge3A_1271 = arith.cmpf oge, %abs3A_1261, %abs3A_1262 : vector<16xf32>
        %and3A_1272 = arith.andi %not3A_1270, %ge3A_1271 : vector<16xi1>
        %ge3A_1273 = arith.constant 0.000000e+00 : f32
        %ge3A_1274 = vector.broadcast %ge3A_1273 : f32 to vector<16xf32>
        %ge3A_1275 = arith.cmpf oge, %gather3A_1251, %ge3A_1274 : vector<16xf32>
        %jit3A_1276 = arith.constant 0 : i32
        %jit3A_1277 = arith.constant 1 : i32
        %broadcast_in_dim3A_1278 = vector.broadcast %jit3A_1276 : i32 to vector<16xi32>
        %broadcast_in_dim3A_1279 = vector.broadcast %jit3A_1277 : i32 to vector<16xi32>
        %select_n3A_1280 = arith.select %ge3A_1275, %broadcast_in_dim3A_1278, %broadcast_in_dim3A_1279 : vector<16xi1>, vector<16xi32>
        %ge3A_1281 = arith.constant 0.000000e+00 : f32
        %ge3A_1282 = vector.broadcast %ge3A_1281 : f32 to vector<16xf32>
        %ge3A_1283 = arith.cmpf oge, %gather3A_1259, %ge3A_1282 : vector<16xf32>
        %jit3A_1284 = arith.constant 2 : i32
        %jit3A_1285 = arith.constant 3 : i32
        %broadcast_in_dim3A_1286 = vector.broadcast %jit3A_1284 : i32 to vector<16xi32>
        %broadcast_in_dim3A_1287 = vector.broadcast %jit3A_1285 : i32 to vector<16xi32>
        %select_n3A_1288 = arith.select %ge3A_1283, %broadcast_in_dim3A_1286, %broadcast_in_dim3A_1287 : vector<16xi1>, vector<16xi32>
        %ge3A_1289 = arith.constant 0.000000e+00 : f32
        %ge3A_1290 = vector.broadcast %ge3A_1289 : f32 to vector<16xf32>
        %ge3A_1291 = arith.cmpf oge, %neg3A_1265, %ge3A_1290 : vector<16xf32>
        %jit3A_1292 = arith.constant 4 : i32
        %jit3A_1293 = arith.constant 5 : i32
        %broadcast_in_dim3A_1294 = vector.broadcast %jit3A_1292 : i32 to vector<16xi32>
        %broadcast_in_dim3A_1295 = vector.broadcast %jit3A_1293 : i32 to vector<16xi32>
        %select_n3A_1296 = arith.select %ge3A_1291, %broadcast_in_dim3A_1294, %broadcast_in_dim3A_1295 : vector<16xi1>, vector<16xi32>
        %select_n3A_1297 = arith.select %and3A_1272, %select_n3A_1288, %select_n3A_1296 : vector<16xi1>, vector<16xi32>
        %select_n3A_1298 = arith.select %and3A_1268, %select_n3A_1280, %select_n3A_1297 : vector<16xi1>, vector<16xi32>
        %select_n3A_1299 = arith.select %and3A_1272, %abs3A_1261, %abs3A_1262 : vector<16xi1>, vector<16xf32>
        %select_n3A_1300 = arith.select %and3A_1268, %abs3A_1260, %select_n3A_1299 : vector<16xi1>, vector<16xf32>
        %max3A_1301 = arith.constant 9.99999996E-13 : f32
        %max3A_1302 = vector.broadcast %max3A_1301 : f32 to vector<16xf32>
        %max3A_1303 = arith.maximumf %select_n3A_1300, %max3A_1302 : vector<16xf32>
        %ge3A_1304 = arith.constant 0.000000e+00 : f32
        %ge3A_1305 = vector.broadcast %ge3A_1304 : f32 to vector<16xf32>
        %ge3A_1306 = arith.cmpf oge, %gather3A_1251, %ge3A_1305 : vector<16xf32>
        %select_n3A_1307 = arith.select %ge3A_1306, %gather3A_1255, %neg3A_1265 : vector<16xi1>, vector<16xf32>
        %ge3A_1308 = arith.constant 0.000000e+00 : f32
        %ge3A_1309 = vector.broadcast %ge3A_1308 : f32 to vector<16xf32>
        %ge3A_1310 = arith.cmpf oge, %neg3A_1265, %ge3A_1309 : vector<16xf32>
        %neg3A_1311 = arith.constant 0.000000e+00 : f32
        %neg3A_1312 = vector.broadcast %neg3A_1311 : f32 to vector<16xf32>
        %neg3A_1313 = arith.subf %neg3A_1312, %gather3A_1251 : vector<16xf32>
        %select_n3A_1314 = arith.select %ge3A_1310, %gather3A_1251, %neg3A_1313 : vector<16xi1>, vector<16xf32>
        %select_n3A_1315 = arith.select %and3A_1272, %gather3A_1251, %select_n3A_1314 : vector<16xi1>, vector<16xf32>
        %select_n3A_1316 = arith.select %and3A_1268, %select_n3A_1307, %select_n3A_1315 : vector<16xi1>, vector<16xf32>
        %neg3A_1317 = arith.constant 0.000000e+00 : f32
        %neg3A_1318 = vector.broadcast %neg3A_1317 : f32 to vector<16xf32>
        %neg3A_1319 = arith.subf %neg3A_1318, %gather3A_1259 : vector<16xf32>
        %ge3A_1320 = arith.constant 0.000000e+00 : f32
        %ge3A_1321 = vector.broadcast %ge3A_1320 : f32 to vector<16xf32>
        %ge3A_1322 = arith.cmpf oge, %gather3A_1259, %ge3A_1321 : vector<16xf32>
        %select_n3A_1323 = arith.select %ge3A_1322, %neg3A_1265, %gather3A_1255 : vector<16xi1>, vector<16xf32>
        %neg3A_1324 = arith.constant 0.000000e+00 : f32
        %neg3A_1325 = vector.broadcast %neg3A_1324 : f32 to vector<16xf32>
        %neg3A_1326 = arith.subf %neg3A_1325, %gather3A_1259 : vector<16xf32>
        %select_n3A_1327 = arith.select %and3A_1272, %select_n3A_1323, %neg3A_1326 : vector<16xi1>, vector<16xf32>
        %select_n3A_1328 = arith.select %and3A_1268, %neg3A_1319, %select_n3A_1327 : vector<16xi1>, vector<16xf32>
        %div3A_1329 = arith.divf %select_n3A_1316, %max3A_1303 : vector<16xf32>
        %add3A_1330 = arith.constant 1.000000e+00 : f32
        %add3A_1331 = vector.broadcast %add3A_1330 : f32 to vector<16xf32>
        %add3A_1332 = arith.addf %div3A_1329, %add3A_1331 : vector<16xf32>
        %mul3A_1333 = arith.constant 5.000000e-01 : f32
        %mul3A_1334 = vector.broadcast %mul3A_1333 : f32 to vector<16xf32>
        %mul3A_1335 = arith.mulf %add3A_1332, %mul3A_1334 : vector<16xf32>
        %div3A_1336 = arith.divf %select_n3A_1328, %max3A_1303 : vector<16xf32>
        %add3A_1337 = arith.constant 1.000000e+00 : f32
        %add3A_1338 = vector.broadcast %add3A_1337 : f32 to vector<16xf32>
        %add3A_1339 = arith.addf %div3A_1336, %add3A_1338 : vector<16xf32>
        %mul3A_1340 = arith.constant 5.000000e-01 : f32
        %mul3A_1341 = vector.broadcast %mul3A_1340 : f32 to vector<16xf32>
        %mul3A_1342 = arith.mulf %add3A_1339, %mul3A_1341 : vector<16xf32>
        %mul3A_1343 = arith.constant 1.024000e+03 : f32
        %mul3A_1344 = vector.broadcast %mul3A_1343 : f32 to vector<16xf32>
        %mul3A_1345 = arith.mulf %mul3A_1335, %mul3A_1344 : vector<16xf32>
        %sub3A_1346 = arith.constant 5.000000e-01 : f32
        %sub3A_1347 = vector.broadcast %sub3A_1346 : f32 to vector<16xf32>
        %sub3A_1348 = arith.subf %mul3A_1345, %sub3A_1347 : vector<16xf32>
        %mul3A_1349 = arith.constant 1.024000e+03 : f32
        %mul3A_1350 = vector.broadcast %mul3A_1349 : f32 to vector<16xf32>
        %mul3A_1351 = arith.mulf %mul3A_1342, %mul3A_1350 : vector<16xf32>
        %sub3A_1352 = arith.constant 5.000000e-01 : f32
        %sub3A_1353 = vector.broadcast %sub3A_1352 : f32 to vector<16xf32>
        %sub3A_1354 = arith.subf %mul3A_1351, %sub3A_1353 : vector<16xf32>
        %convert_element_type3A_1355 = arith.fptosi %sub3A_1348 : vector<16xf32> to vector<16xi32>
        %convert_element_type3A_1356 = arith.sitofp %convert_element_type3A_1355 : vector<16xi32> to vector<16xf32>
        %gt3A_1357 = arith.cmpf ogt, %convert_element_type3A_1356, %sub3A_1348 : vector<16xf32>
        %sub3A_1358 = arith.constant 1 : i32
        %sub3A_1359 = vector.broadcast %sub3A_1358 : i32 to vector<16xi32>
        %sub3A_1360 = arith.subi %convert_element_type3A_1355, %sub3A_1359 : vector<16xi32>
        %select_n3A_1361 = arith.select %gt3A_1357, %sub3A_1360, %convert_element_type3A_1355 : vector<16xi1>, vector<16xi32>
        %convert_element_type3A_1362 = arith.fptosi %sub3A_1354 : vector<16xf32> to vector<16xi32>
        %convert_element_type3A_1363 = arith.sitofp %convert_element_type3A_1362 : vector<16xi32> to vector<16xf32>
        %gt3A_1364 = arith.cmpf ogt, %convert_element_type3A_1363, %sub3A_1354 : vector<16xf32>
        %sub3A_1365 = arith.constant 1 : i32
        %sub3A_1366 = vector.broadcast %sub3A_1365 : i32 to vector<16xi32>
        %sub3A_1367 = arith.subi %convert_element_type3A_1362, %sub3A_1366 : vector<16xi32>
        %select_n3A_1368 = arith.select %gt3A_1364, %sub3A_1367, %convert_element_type3A_1362 : vector<16xi1>, vector<16xi32>
        %convert_element_type3A_1369 = arith.sitofp %select_n3A_1361 : vector<16xi32> to vector<16xf32>
        %sub3A_1370 = arith.subf %sub3A_1348, %convert_element_type3A_1369 : vector<16xf32>
        %convert_element_type3A_1371 = arith.sitofp %select_n3A_1368 : vector<16xi32> to vector<16xf32>
        %sub3A_1372 = arith.subf %sub3A_1354, %convert_element_type3A_1371 : vector<16xf32>
        %jit3A_1373 = arith.constant 0 : i32
        %jit3A_1374 = arith.constant 1023 : i32
        %max3A_1375 = vector.broadcast %jit3A_1373 : i32 to vector<16xi32>
        %max3A_1376 = arith.maxsi %max3A_1375, %select_n3A_1361 : vector<16xi32>
        %min3A_1377 = vector.broadcast %jit3A_1374 : i32 to vector<16xi32>
        %min3A_1378 = arith.minsi %min3A_1377, %max3A_1376 : vector<16xi32>
        %add3A_1379 = arith.constant 1 : i32
        %add3A_1380 = vector.broadcast %add3A_1379 : i32 to vector<16xi32>
        %add3A_1381 = arith.addi %select_n3A_1361, %add3A_1380 : vector<16xi32>
        %jit3A_1382 = arith.constant 0 : i32
        %jit3A_1383 = arith.constant 1023 : i32
        %max3A_1384 = vector.broadcast %jit3A_1382 : i32 to vector<16xi32>
        %max3A_1385 = arith.maxsi %max3A_1384, %add3A_1381 : vector<16xi32>
        %min3A_1386 = vector.broadcast %jit3A_1383 : i32 to vector<16xi32>
        %min3A_1387 = arith.minsi %min3A_1386, %max3A_1385 : vector<16xi32>
        %jit3A_1388 = arith.constant 0 : i32
        %jit3A_1389 = arith.constant 1023 : i32
        %max3A_1390 = vector.broadcast %jit3A_1388 : i32 to vector<16xi32>
        %max3A_1391 = arith.maxsi %max3A_1390, %select_n3A_1368 : vector<16xi32>
        %min3A_1392 = vector.broadcast %jit3A_1389 : i32 to vector<16xi32>
        %min3A_1393 = arith.minsi %min3A_1392, %max3A_1391 : vector<16xi32>
        %add3A_1394 = arith.constant 1 : i32
        %add3A_1395 = vector.broadcast %add3A_1394 : i32 to vector<16xi32>
        %add3A_1396 = arith.addi %select_n3A_1368, %add3A_1395 : vector<16xi32>
        %jit3A_1397 = arith.constant 0 : i32
        %jit3A_1398 = arith.constant 1023 : i32
        %max3A_1399 = vector.broadcast %jit3A_1397 : i32 to vector<16xi32>
        %max3A_1400 = arith.maxsi %max3A_1399, %add3A_1396 : vector<16xi32>
        %min3A_1401 = vector.broadcast %jit3A_1398 : i32 to vector<16xi32>
        %min3A_1402 = arith.minsi %min3A_1401, %max3A_1400 : vector<16xi32>
        %shift_left3A_1403 = arith.constant 20 : i32
        %shift_left3A_1404 = vector.broadcast %shift_left3A_1403 : i32 to vector<16xi32>
        %shift_left3A_1405 = arith.shli %select_n3A_1298, %shift_left3A_1404 : vector<16xi32>
        %shift_left3A_1406 = arith.constant 10 : i32
        %shift_left3A_1407 = vector.broadcast %shift_left3A_1406 : i32 to vector<16xi32>
        %shift_left3A_1408 = arith.shli %min3A_1393, %shift_left3A_1407 : vector<16xi32>
        %add3A_1409 = arith.addi %shift_left3A_1405, %shift_left3A_1408 : vector<16xi32>
        %shift_left3A_1410 = arith.constant 10 : i32
        %shift_left3A_1411 = vector.broadcast %shift_left3A_1410 : i32 to vector<16xi32>
        %shift_left3A_1412 = arith.shli %min3A_1402, %shift_left3A_1411 : vector<16xi32>
        %add3A_1413 = arith.addi %shift_left3A_1405, %shift_left3A_1412 : vector<16xi32>
        %add3A_1414 = arith.addi %add3A_1409, %min3A_1378 : vector<16xi32>
        %add3A_1415 = arith.addi %add3A_1409, %min3A_1387 : vector<16xi32>
        %add3A_1416 = arith.addi %add3A_1413, %min3A_1378 : vector<16xi32>
        %add3A_1417 = arith.addi %add3A_1413, %min3A_1387 : vector<16xi32>
        %mul3A_1418 = arith.constant 3 : i32
        %mul3A_1419 = vector.broadcast %mul3A_1418 : i32 to vector<16xi32>
        %mul3A_1420 = arith.muli %add3A_1414, %mul3A_1419 : vector<16xi32>
        %mul3A_1421 = arith.constant 3 : i32
        %mul3A_1422 = vector.broadcast %mul3A_1421 : i32 to vector<16xi32>
        %mul3A_1423 = arith.muli %add3A_1416, %mul3A_1422 : vector<16xi32>
        %shift_right_logical3A_1424 = arith.constant 3 : i32
        %shift_right_logical3A_1425 = vector.broadcast %shift_right_logical3A_1424 : i32 to vector<16xi32>
        %shift_right_logical3A_1426 = arith.shrui %mul3A_1420, %shift_right_logical3A_1425 : vector<16xi32>
        %shift_right_logical3A_1427 = arith.constant 3 : i32
        %shift_right_logical3A_1428 = vector.broadcast %shift_right_logical3A_1427 : i32 to vector<16xi32>
        %shift_right_logical3A_1429 = arith.shrui %mul3A_1423, %shift_right_logical3A_1428 : vector<16xi32>
        %add3A_1430 = arith.constant 32 : i32
        %add3A_1431 = vector.broadcast %add3A_1430 : i32 to vector<16xi32>
        %add3A_1432 = arith.addi %iota3A, %add3A_1431 : vector<16xi32>
        %mul3A_1433 = arith.constant 2 : i32
        %mul3A_1434 = vector.broadcast %mul3A_1433 : i32 to vector<16xi32>
        %mul3A_1435 = arith.muli %add3A_1432, %mul3A_1434 : vector<16xi32>
        tpu.vector_store_idx %arg6[%broadcast_in_dim3A, %mul3A_1435], %shift_right_logical3A_1426 : memref<16x128xi32, #tpu.memory_space<vmem>>[vector<16xi32>, vector<16xi32>], vector<16xi32>,
        %add3A_1436 = arith.constant 1 : i32
        %add3A_1437 = vector.broadcast %add3A_1436 : i32 to vector<16xi32>
        %add3A_1438 = arith.addi %mul3A_1435, %add3A_1437 : vector<16xi32>
        %add3A_1439 = arith.constant 1 : i32
        %add3A_1440 = vector.broadcast %add3A_1439 : i32 to vector<16xi32>
        %add3A_1441 = arith.addi %shift_right_logical3A_1426, %add3A_1440 : vector<16xi32>
        %min3A_1442 = arith.constant 2359295 : i32
        %min3A_1443 = vector.broadcast %min3A_1442 : i32 to vector<16xi32>
        %min3A_1444 = arith.minsi %add3A_1441, %min3A_1443 : vector<16xi32>
        tpu.vector_store_idx %arg6[%broadcast_in_dim3A, %add3A_1438], %min3A_1444 : memref<16x128xi32, #tpu.memory_space<vmem>>[vector<16xi32>, vector<16xi32>], vector<16xi32>,
        tpu.vector_store_idx %arg7[%broadcast_in_dim3A, %mul3A_1435], %shift_right_logical3A_1429 : memref<16x128xi32, #tpu.memory_space<vmem>>[vector<16xi32>, vector<16xi32>], vector<16xi32>,
        %add3A_1445 = arith.constant 1 : i32
        %add3A_1446 = vector.broadcast %add3A_1445 : i32 to vector<16xi32>
        %add3A_1447 = arith.addi %mul3A_1435, %add3A_1446 : vector<16xi32>
        %add3A_1448 = arith.constant 1 : i32
        %add3A_1449 = vector.broadcast %add3A_1448 : i32 to vector<16xi32>
        %add3A_1450 = arith.addi %shift_right_logical3A_1429, %add3A_1449 : vector<16xi32>
        %min3A_1451 = arith.constant 2359295 : i32
        %min3A_1452 = vector.broadcast %min3A_1451 : i32 to vector<16xi32>
        %min3A_1453 = arith.minsi %add3A_1450, %min3A_1452 : vector<16xi32>
        tpu.vector_store_idx %arg7[%broadcast_in_dim3A, %add3A_1447], %min3A_1453 : memref<16x128xi32, #tpu.memory_space<vmem>>[vector<16xi32>, vector<16xi32>], vector<16xi32>,
        %and3A_1454 = arith.constant 7 : i32
        %and3A_1455 = vector.broadcast %and3A_1454 : i32 to vector<16xi32>
        %and3A_1456 = arith.andi %mul3A_1420, %and3A_1455 : vector<16xi32>
        %swap3A_1457 = arith.index_cast %add3A_1245 : i32 to index
        %swap3A_1458 = tpu.vector_load %arg8[%swap3A_1457] {strides = array<i32>} : memref<1024xi32, #tpu.memory_space<vmem>>, vector<16xi32>,
        tpu.vector_store %arg8[%swap3A_1457], %and3A_1456 {strides = array<i32>} : memref<1024xi32, #tpu.memory_space<vmem>>, vector<16xi32>,
        %and3A_1459 = arith.constant 7 : i32
        %and3A_1460 = vector.broadcast %and3A_1459 : i32 to vector<16xi32>
        %and3A_1461 = arith.andi %mul3A_1423, %and3A_1460 : vector<16xi32>
        %swap3A_1462 = arith.index_cast %add3A_1245 : i32 to index
        %swap3A_1463 = tpu.vector_load %arg9[%swap3A_1462] {strides = array<i32>} : memref<1024xi32, #tpu.memory_space<vmem>>, vector<16xi32>,
        tpu.vector_store %arg9[%swap3A_1462], %and3A_1461 {strides = array<i32>} : memref<1024xi32, #tpu.memory_space<vmem>>, vector<16xi32>,
        %sub3A_1464 = arith.subi %add3A_1415, %add3A_1414 : vector<16xi32>
        %mul3A_1465 = arith.constant 3 : i32
        %mul3A_1466 = vector.broadcast %mul3A_1465 : i32 to vector<16xi32>
        %mul3A_1467 = arith.muli %sub3A_1464, %mul3A_1466 : vector<16xi32>
        %swap3A_1468 = arith.index_cast %add3A_1245 : i32 to index
        %swap3A_1469 = tpu.vector_load %arg10[%swap3A_1468] {strides = array<i32>} : memref<1024xi32, #tpu.memory_space<vmem>>, vector<16xi32>,
        tpu.vector_store %arg10[%swap3A_1468], %mul3A_1467 {strides = array<i32>} : memref<1024xi32, #tpu.memory_space<vmem>>, vector<16xi32>,
        %swap3A_1470 = arith.index_cast %add3A_1245 : i32 to index
        %swap3A_1471 = tpu.vector_load %arg11[%swap3A_1470] {strides = array<i32>} : memref<1024xf32, #tpu.memory_space<vmem>>, vector<16xf32>,
        tpu.vector_store %arg11[%swap3A_1470], %sub3A_1370 {strides = array<i32>} : memref<1024xf32, #tpu.memory_space<vmem>>, vector<16xf32>,
        %swap3A_1472 = arith.index_cast %add3A_1245 : i32 to index
        %swap3A_1473 = tpu.vector_load %arg12[%swap3A_1472] {strides = array<i32>} : memref<1024xf32, #tpu.memory_space<vmem>>, vector<16xf32>,
        tpu.vector_store %arg12[%swap3A_1472], %sub3A_1372 {strides = array<i32>} : memref<1024xf32, #tpu.memory_space<vmem>>, vector<16xf32>,
        %mul3A_1474 = arith.constant 64 : i32
        %mul3A_1475 = arith.muli %scan3A_794, %mul3A_1474 : i32
        %add3A_1476 = arith.constant 48 : i32
        %add3A_1477 = arith.addi %mul3A_1475, %add3A_1476 : i32
        %add3A_1478 = vector.broadcast %add3A_1477 : i32 to vector<16xi32>
        %add3A_1479 = arith.addi %iota3A, %add3A_1478 : vector<16xi32>
        %mul3A_1480 = arith.constant 3 : i32
        %mul3A_1481 = vector.broadcast %mul3A_1480 : i32 to vector<16xi32>
        %mul3A_1482 = arith.muli %add3A_1479, %mul3A_1481 : vector<16xi32>
        %gather3A_1483 = tpu.vector_load_idx %arg5[%mul3A_1482] : memref<3072xf32, #tpu.memory_space<vmem>>[vector<16xi32>], vector<16xf32>,
        %add3A_1484 = arith.constant 1 : i32
        %add3A_1485 = vector.broadcast %add3A_1484 : i32 to vector<16xi32>
        %add3A_1486 = arith.addi %mul3A_1482, %add3A_1485 : vector<16xi32>
        %gather3A_1487 = tpu.vector_load_idx %arg5[%add3A_1486] : memref<3072xf32, #tpu.memory_space<vmem>>[vector<16xi32>], vector<16xf32>,
        %add3A_1488 = arith.constant 2 : i32
        %add3A_1489 = vector.broadcast %add3A_1488 : i32 to vector<16xi32>
        %add3A_1490 = arith.addi %mul3A_1482, %add3A_1489 : vector<16xi32>
        %gather3A_1491 = tpu.vector_load_idx %arg5[%add3A_1490] : memref<3072xf32, #tpu.memory_space<vmem>>[vector<16xi32>], vector<16xf32>,
        %abs3A_1492 = math.absf %gather3A_1483 : vector<16xf32>
        %abs3A_1493 = math.absf %gather3A_1491 : vector<16xf32>
        %abs3A_1494 = math.absf %gather3A_1487 : vector<16xf32>
        %neg3A_1495 = arith.constant 0.000000e+00 : f32
        %neg3A_1496 = vector.broadcast %neg3A_1495 : f32 to vector<16xf32>
        %neg3A_1497 = arith.subf %neg3A_1496, %gather3A_1487 : vector<16xf32>
        %ge3A_1498 = arith.cmpf oge, %abs3A_1492, %abs3A_1493 : vector<16xf32>
        %ge3A_1499 = arith.cmpf oge, %abs3A_1492, %abs3A_1494 : vector<16xf32>
        %and3A_1500 = arith.andi %ge3A_1498, %ge3A_1499 : vector<16xi1>
        %not3A_1501 = arith.constant dense<true> : vector<16xi1>
        %not3A_1502 = arith.xori %and3A_1500, %not3A_1501 : vector<16xi1>
        %ge3A_1503 = arith.cmpf oge, %abs3A_1493, %abs3A_1494 : vector<16xf32>
        %and3A_1504 = arith.andi %not3A_1502, %ge3A_1503 : vector<16xi1>
        %ge3A_1505 = arith.constant 0.000000e+00 : f32
        %ge3A_1506 = vector.broadcast %ge3A_1505 : f32 to vector<16xf32>
        %ge3A_1507 = arith.cmpf oge, %gather3A_1483, %ge3A_1506 : vector<16xf32>
        %jit3A_1508 = arith.constant 0 : i32
        %jit3A_1509 = arith.constant 1 : i32
        %broadcast_in_dim3A_1510 = vector.broadcast %jit3A_1508 : i32 to vector<16xi32>
        %broadcast_in_dim3A_1511 = vector.broadcast %jit3A_1509 : i32 to vector<16xi32>
        %select_n3A_1512 = arith.select %ge3A_1507, %broadcast_in_dim3A_1510, %broadcast_in_dim3A_1511 : vector<16xi1>, vector<16xi32>
        %ge3A_1513 = arith.constant 0.000000e+00 : f32
        %ge3A_1514 = vector.broadcast %ge3A_1513 : f32 to vector<16xf32>
        %ge3A_1515 = arith.cmpf oge, %gather3A_1491, %ge3A_1514 : vector<16xf32>
        %jit3A_1516 = arith.constant 2 : i32
        %jit3A_1517 = arith.constant 3 : i32
        %broadcast_in_dim3A_1518 = vector.broadcast %jit3A_1516 : i32 to vector<16xi32>
        %broadcast_in_dim3A_1519 = vector.broadcast %jit3A_1517 : i32 to vector<16xi32>
        %select_n3A_1520 = arith.select %ge3A_1515, %broadcast_in_dim3A_1518, %broadcast_in_dim3A_1519 : vector<16xi1>, vector<16xi32>
        %ge3A_1521 = arith.constant 0.000000e+00 : f32
        %ge3A_1522 = vector.broadcast %ge3A_1521 : f32 to vector<16xf32>
        %ge3A_1523 = arith.cmpf oge, %neg3A_1497, %ge3A_1522 : vector<16xf32>
        %jit3A_1524 = arith.constant 4 : i32
        %jit3A_1525 = arith.constant 5 : i32
        %broadcast_in_dim3A_1526 = vector.broadcast %jit3A_1524 : i32 to vector<16xi32>
        %broadcast_in_dim3A_1527 = vector.broadcast %jit3A_1525 : i32 to vector<16xi32>
        %select_n3A_1528 = arith.select %ge3A_1523, %broadcast_in_dim3A_1526, %broadcast_in_dim3A_1527 : vector<16xi1>, vector<16xi32>
        %select_n3A_1529 = arith.select %and3A_1504, %select_n3A_1520, %select_n3A_1528 : vector<16xi1>, vector<16xi32>
        %select_n3A_1530 = arith.select %and3A_1500, %select_n3A_1512, %select_n3A_1529 : vector<16xi1>, vector<16xi32>
        %select_n3A_1531 = arith.select %and3A_1504, %abs3A_1493, %abs3A_1494 : vector<16xi1>, vector<16xf32>
        %select_n3A_1532 = arith.select %and3A_1500, %abs3A_1492, %select_n3A_1531 : vector<16xi1>, vector<16xf32>
        %max3A_1533 = arith.constant 9.99999996E-13 : f32
        %max3A_1534 = vector.broadcast %max3A_1533 : f32 to vector<16xf32>
        %max3A_1535 = arith.maximumf %select_n3A_1532, %max3A_1534 : vector<16xf32>
        %ge3A_1536 = arith.constant 0.000000e+00 : f32
        %ge3A_1537 = vector.broadcast %ge3A_1536 : f32 to vector<16xf32>
        %ge3A_1538 = arith.cmpf oge, %gather3A_1483, %ge3A_1537 : vector<16xf32>
        %select_n3A_1539 = arith.select %ge3A_1538, %gather3A_1487, %neg3A_1497 : vector<16xi1>, vector<16xf32>
        %ge3A_1540 = arith.constant 0.000000e+00 : f32
        %ge3A_1541 = vector.broadcast %ge3A_1540 : f32 to vector<16xf32>
        %ge3A_1542 = arith.cmpf oge, %neg3A_1497, %ge3A_1541 : vector<16xf32>
        %neg3A_1543 = arith.constant 0.000000e+00 : f32
        %neg3A_1544 = vector.broadcast %neg3A_1543 : f32 to vector<16xf32>
        %neg3A_1545 = arith.subf %neg3A_1544, %gather3A_1483 : vector<16xf32>
        %select_n3A_1546 = arith.select %ge3A_1542, %gather3A_1483, %neg3A_1545 : vector<16xi1>, vector<16xf32>
        %select_n3A_1547 = arith.select %and3A_1504, %gather3A_1483, %select_n3A_1546 : vector<16xi1>, vector<16xf32>
        %select_n3A_1548 = arith.select %and3A_1500, %select_n3A_1539, %select_n3A_1547 : vector<16xi1>, vector<16xf32>
        %neg3A_1549 = arith.constant 0.000000e+00 : f32
        %neg3A_1550 = vector.broadcast %neg3A_1549 : f32 to vector<16xf32>
        %neg3A_1551 = arith.subf %neg3A_1550, %gather3A_1491 : vector<16xf32>
        %ge3A_1552 = arith.constant 0.000000e+00 : f32
        %ge3A_1553 = vector.broadcast %ge3A_1552 : f32 to vector<16xf32>
        %ge3A_1554 = arith.cmpf oge, %gather3A_1491, %ge3A_1553 : vector<16xf32>
        %select_n3A_1555 = arith.select %ge3A_1554, %neg3A_1497, %gather3A_1487 : vector<16xi1>, vector<16xf32>
        %neg3A_1556 = arith.constant 0.000000e+00 : f32
        %neg3A_1557 = vector.broadcast %neg3A_1556 : f32 to vector<16xf32>
        %neg3A_1558 = arith.subf %neg3A_1557, %gather3A_1491 : vector<16xf32>
        %select_n3A_1559 = arith.select %and3A_1504, %select_n3A_1555, %neg3A_1558 : vector<16xi1>, vector<16xf32>
        %select_n3A_1560 = arith.select %and3A_1500, %neg3A_1551, %select_n3A_1559 : vector<16xi1>, vector<16xf32>
        %div3A_1561 = arith.divf %select_n3A_1548, %max3A_1535 : vector<16xf32>
        %add3A_1562 = arith.constant 1.000000e+00 : f32
        %add3A_1563 = vector.broadcast %add3A_1562 : f32 to vector<16xf32>
        %add3A_1564 = arith.addf %div3A_1561, %add3A_1563 : vector<16xf32>
        %mul3A_1565 = arith.constant 5.000000e-01 : f32
        %mul3A_1566 = vector.broadcast %mul3A_1565 : f32 to vector<16xf32>
        %mul3A_1567 = arith.mulf %add3A_1564, %mul3A_1566 : vector<16xf32>
        %div3A_1568 = arith.divf %select_n3A_1560, %max3A_1535 : vector<16xf32>
        %add3A_1569 = arith.constant 1.000000e+00 : f32
        %add3A_1570 = vector.broadcast %add3A_1569 : f32 to vector<16xf32>
        %add3A_1571 = arith.addf %div3A_1568, %add3A_1570 : vector<16xf32>
        %mul3A_1572 = arith.constant 5.000000e-01 : f32
        %mul3A_1573 = vector.broadcast %mul3A_1572 : f32 to vector<16xf32>
        %mul3A_1574 = arith.mulf %add3A_1571, %mul3A_1573 : vector<16xf32>
        %mul3A_1575 = arith.constant 1.024000e+03 : f32
        %mul3A_1576 = vector.broadcast %mul3A_1575 : f32 to vector<16xf32>
        %mul3A_1577 = arith.mulf %mul3A_1567, %mul3A_1576 : vector<16xf32>
        %sub3A_1578 = arith.constant 5.000000e-01 : f32
        %sub3A_1579 = vector.broadcast %sub3A_1578 : f32 to vector<16xf32>
        %sub3A_1580 = arith.subf %mul3A_1577, %sub3A_1579 : vector<16xf32>
        %mul3A_1581 = arith.constant 1.024000e+03 : f32
        %mul3A_1582 = vector.broadcast %mul3A_1581 : f32 to vector<16xf32>
        %mul3A_1583 = arith.mulf %mul3A_1574, %mul3A_1582 : vector<16xf32>
        %sub3A_1584 = arith.constant 5.000000e-01 : f32
        %sub3A_1585 = vector.broadcast %sub3A_1584 : f32 to vector<16xf32>
        %sub3A_1586 = arith.subf %mul3A_1583, %sub3A_1585 : vector<16xf32>
        %convert_element_type3A_1587 = arith.fptosi %sub3A_1580 : vector<16xf32> to vector<16xi32>
        %convert_element_type3A_1588 = arith.sitofp %convert_element_type3A_1587 : vector<16xi32> to vector<16xf32>
        %gt3A_1589 = arith.cmpf ogt, %convert_element_type3A_1588, %sub3A_1580 : vector<16xf32>
        %sub3A_1590 = arith.constant 1 : i32
        %sub3A_1591 = vector.broadcast %sub3A_1590 : i32 to vector<16xi32>
        %sub3A_1592 = arith.subi %convert_element_type3A_1587, %sub3A_1591 : vector<16xi32>
        %select_n3A_1593 = arith.select %gt3A_1589, %sub3A_1592, %convert_element_type3A_1587 : vector<16xi1>, vector<16xi32>
        %convert_element_type3A_1594 = arith.fptosi %sub3A_1586 : vector<16xf32> to vector<16xi32>
        %convert_element_type3A_1595 = arith.sitofp %convert_element_type3A_1594 : vector<16xi32> to vector<16xf32>
        %gt3A_1596 = arith.cmpf ogt, %convert_element_type3A_1595, %sub3A_1586 : vector<16xf32>
        %sub3A_1597 = arith.constant 1 : i32
        %sub3A_1598 = vector.broadcast %sub3A_1597 : i32 to vector<16xi32>
        %sub3A_1599 = arith.subi %convert_element_type3A_1594, %sub3A_1598 : vector<16xi32>
        %select_n3A_1600 = arith.select %gt3A_1596, %sub3A_1599, %convert_element_type3A_1594 : vector<16xi1>, vector<16xi32>
        %convert_element_type3A_1601 = arith.sitofp %select_n3A_1593 : vector<16xi32> to vector<16xf32>
        %sub3A_1602 = arith.subf %sub3A_1580, %convert_element_type3A_1601 : vector<16xf32>
        %convert_element_type3A_1603 = arith.sitofp %select_n3A_1600 : vector<16xi32> to vector<16xf32>
        %sub3A_1604 = arith.subf %sub3A_1586, %convert_element_type3A_1603 : vector<16xf32>
        %jit3A_1605 = arith.constant 0 : i32
        %jit3A_1606 = arith.constant 1023 : i32
        %max3A_1607 = vector.broadcast %jit3A_1605 : i32 to vector<16xi32>
        %max3A_1608 = arith.maxsi %max3A_1607, %select_n3A_1593 : vector<16xi32>
        %min3A_1609 = vector.broadcast %jit3A_1606 : i32 to vector<16xi32>
        %min3A_1610 = arith.minsi %min3A_1609, %max3A_1608 : vector<16xi32>
        %add3A_1611 = arith.constant 1 : i32
        %add3A_1612 = vector.broadcast %add3A_1611 : i32 to vector<16xi32>
        %add3A_1613 = arith.addi %select_n3A_1593, %add3A_1612 : vector<16xi32>
        %jit3A_1614 = arith.constant 0 : i32
        %jit3A_1615 = arith.constant 1023 : i32
        %max3A_1616 = vector.broadcast %jit3A_1614 : i32 to vector<16xi32>
        %max3A_1617 = arith.maxsi %max3A_1616, %add3A_1613 : vector<16xi32>
        %min3A_1618 = vector.broadcast %jit3A_1615 : i32 to vector<16xi32>
        %min3A_1619 = arith.minsi %min3A_1618, %max3A_1617 : vector<16xi32>
        %jit3A_1620 = arith.constant 0 : i32
        %jit3A_1621 = arith.constant 1023 : i32
        %max3A_1622 = vector.broadcast %jit3A_1620 : i32 to vector<16xi32>
        %max3A_1623 = arith.maxsi %max3A_1622, %select_n3A_1600 : vector<16xi32>
        %min3A_1624 = vector.broadcast %jit3A_1621 : i32 to vector<16xi32>
        %min3A_1625 = arith.minsi %min3A_1624, %max3A_1623 : vector<16xi32>
        %add3A_1626 = arith.constant 1 : i32
        %add3A_1627 = vector.broadcast %add3A_1626 : i32 to vector<16xi32>
        %add3A_1628 = arith.addi %select_n3A_1600, %add3A_1627 : vector<16xi32>
        %jit3A_1629 = arith.constant 0 : i32
        %jit3A_1630 = arith.constant 1023 : i32
        %max3A_1631 = vector.broadcast %jit3A_1629 : i32 to vector<16xi32>
        %max3A_1632 = arith.maxsi %max3A_1631, %add3A_1628 : vector<16xi32>
        %min3A_1633 = vector.broadcast %jit3A_1630 : i32 to vector<16xi32>
        %min3A_1634 = arith.minsi %min3A_1633, %max3A_1632 : vector<16xi32>
        %shift_left3A_1635 = arith.constant 20 : i32
        %shift_left3A_1636 = vector.broadcast %shift_left3A_1635 : i32 to vector<16xi32>
        %shift_left3A_1637 = arith.shli %select_n3A_1530, %shift_left3A_1636 : vector<16xi32>
        %shift_left3A_1638 = arith.constant 10 : i32
        %shift_left3A_1639 = vector.broadcast %shift_left3A_1638 : i32 to vector<16xi32>
        %shift_left3A_1640 = arith.shli %min3A_1625, %shift_left3A_1639 : vector<16xi32>
        %add3A_1641 = arith.addi %shift_left3A_1637, %shift_left3A_1640 : vector<16xi32>
        %shift_left3A_1642 = arith.constant 10 : i32
        %shift_left3A_1643 = vector.broadcast %shift_left3A_1642 : i32 to vector<16xi32>
        %shift_left3A_1644 = arith.shli %min3A_1634, %shift_left3A_1643 : vector<16xi32>
        %add3A_1645 = arith.addi %shift_left3A_1637, %shift_left3A_1644 : vector<16xi32>
        %add3A_1646 = arith.addi %add3A_1641, %min3A_1610 : vector<16xi32>
        %add3A_1647 = arith.addi %add3A_1641, %min3A_1619 : vector<16xi32>
        %add3A_1648 = arith.addi %add3A_1645, %min3A_1610 : vector<16xi32>
        %add3A_1649 = arith.addi %add3A_1645, %min3A_1619 : vector<16xi32>
        %mul3A_1650 = arith.constant 3 : i32
        %mul3A_1651 = vector.broadcast %mul3A_1650 : i32 to vector<16xi32>
        %mul3A_1652 = arith.muli %add3A_1646, %mul3A_1651 : vector<16xi32>
        %mul3A_1653 = arith.constant 3 : i32
        %mul3A_1654 = vector.broadcast %mul3A_1653 : i32 to vector<16xi32>
        %mul3A_1655 = arith.muli %add3A_1648, %mul3A_1654 : vector<16xi32>
        %shift_right_logical3A_1656 = arith.constant 3 : i32
        %shift_right_logical3A_1657 = vector.broadcast %shift_right_logical3A_1656 : i32 to vector<16xi32>
        %shift_right_logical3A_1658 = arith.shrui %mul3A_1652, %shift_right_logical3A_1657 : vector<16xi32>
        %shift_right_logical3A_1659 = arith.constant 3 : i32
        %shift_right_logical3A_1660 = vector.broadcast %shift_right_logical3A_1659 : i32 to vector<16xi32>
        %shift_right_logical3A_1661 = arith.shrui %mul3A_1655, %shift_right_logical3A_1660 : vector<16xi32>
        %add3A_1662 = arith.constant 48 : i32
        %add3A_1663 = vector.broadcast %add3A_1662 : i32 to vector<16xi32>
        %add3A_1664 = arith.addi %iota3A, %add3A_1663 : vector<16xi32>
        %mul3A_1665 = arith.constant 2 : i32
        %mul3A_1666 = vector.broadcast %mul3A_1665 : i32 to vector<16xi32>
        %mul3A_1667 = arith.muli %add3A_1664, %mul3A_1666 : vector<16xi32>
        tpu.vector_store_idx %arg6[%broadcast_in_dim3A, %mul3A_1667], %shift_right_logical3A_1658 : memref<16x128xi32, #tpu.memory_space<vmem>>[vector<16xi32>, vector<16xi32>], vector<16xi32>,
        %add3A_1668 = arith.constant 1 : i32
        %add3A_1669 = vector.broadcast %add3A_1668 : i32 to vector<16xi32>
        %add3A_1670 = arith.addi %mul3A_1667, %add3A_1669 : vector<16xi32>
        %add3A_1671 = arith.constant 1 : i32
        %add3A_1672 = vector.broadcast %add3A_1671 : i32 to vector<16xi32>
        %add3A_1673 = arith.addi %shift_right_logical3A_1658, %add3A_1672 : vector<16xi32>
        %min3A_1674 = arith.constant 2359295 : i32
        %min3A_1675 = vector.broadcast %min3A_1674 : i32 to vector<16xi32>
        %min3A_1676 = arith.minsi %add3A_1673, %min3A_1675 : vector<16xi32>
        tpu.vector_store_idx %arg6[%broadcast_in_dim3A, %add3A_1670], %min3A_1676 : memref<16x128xi32, #tpu.memory_space<vmem>>[vector<16xi32>, vector<16xi32>], vector<16xi32>,
        tpu.vector_store_idx %arg7[%broadcast_in_dim3A, %mul3A_1667], %shift_right_logical3A_1661 : memref<16x128xi32, #tpu.memory_space<vmem>>[vector<16xi32>, vector<16xi32>], vector<16xi32>,
        %add3A_1677 = arith.constant 1 : i32
        %add3A_1678 = vector.broadcast %add3A_1677 : i32 to vector<16xi32>
        %add3A_1679 = arith.addi %mul3A_1667, %add3A_1678 : vector<16xi32>
        %add3A_1680 = arith.constant 1 : i32
        %add3A_1681 = vector.broadcast %add3A_1680 : i32 to vector<16xi32>
        %add3A_1682 = arith.addi %shift_right_logical3A_1661, %add3A_1681 : vector<16xi32>
        %min3A_1683 = arith.constant 2359295 : i32
        %min3A_1684 = vector.broadcast %min3A_1683 : i32 to vector<16xi32>
        %min3A_1685 = arith.minsi %add3A_1682, %min3A_1684 : vector<16xi32>
        tpu.vector_store_idx %arg7[%broadcast_in_dim3A, %add3A_1679], %min3A_1685 : memref<16x128xi32, #tpu.memory_space<vmem>>[vector<16xi32>, vector<16xi32>], vector<16xi32>,
        %and3A_1686 = arith.constant 7 : i32
        %and3A_1687 = vector.broadcast %and3A_1686 : i32 to vector<16xi32>
        %and3A_1688 = arith.andi %mul3A_1652, %and3A_1687 : vector<16xi32>
        %swap3A_1689 = arith.index_cast %add3A_1477 : i32 to index
        %swap3A_1690 = tpu.vector_load %arg8[%swap3A_1689] {strides = array<i32>} : memref<1024xi32, #tpu.memory_space<vmem>>, vector<16xi32>,
        tpu.vector_store %arg8[%swap3A_1689], %and3A_1688 {strides = array<i32>} : memref<1024xi32, #tpu.memory_space<vmem>>, vector<16xi32>,
        %and3A_1691 = arith.constant 7 : i32
        %and3A_1692 = vector.broadcast %and3A_1691 : i32 to vector<16xi32>
        %and3A_1693 = arith.andi %mul3A_1655, %and3A_1692 : vector<16xi32>
        %swap3A_1694 = arith.index_cast %add3A_1477 : i32 to index
        %swap3A_1695 = tpu.vector_load %arg9[%swap3A_1694] {strides = array<i32>} : memref<1024xi32, #tpu.memory_space<vmem>>, vector<16xi32>,
        tpu.vector_store %arg9[%swap3A_1694], %and3A_1693 {strides = array<i32>} : memref<1024xi32, #tpu.memory_space<vmem>>, vector<16xi32>,
        %sub3A_1696 = arith.subi %add3A_1647, %add3A_1646 : vector<16xi32>
        %mul3A_1697 = arith.constant 3 : i32
        %mul3A_1698 = vector.broadcast %mul3A_1697 : i32 to vector<16xi32>
        %mul3A_1699 = arith.muli %sub3A_1696, %mul3A_1698 : vector<16xi32>
        %swap3A_1700 = arith.index_cast %add3A_1477 : i32 to index
        %swap3A_1701 = tpu.vector_load %arg10[%swap3A_1700] {strides = array<i32>} : memref<1024xi32, #tpu.memory_space<vmem>>, vector<16xi32>,
        tpu.vector_store %arg10[%swap3A_1700], %mul3A_1699 {strides = array<i32>} : memref<1024xi32, #tpu.memory_space<vmem>>, vector<16xi32>,
        %swap3A_1702 = arith.index_cast %add3A_1477 : i32 to index
        %swap3A_1703 = tpu.vector_load %arg11[%swap3A_1702] {strides = array<i32>} : memref<1024xf32, #tpu.memory_space<vmem>>, vector<16xf32>,
        tpu.vector_store %arg11[%swap3A_1702], %sub3A_1602 {strides = array<i32>} : memref<1024xf32, #tpu.memory_space<vmem>>, vector<16xf32>,
        %swap3A_1704 = arith.index_cast %add3A_1477 : i32 to index
        %swap3A_1705 = tpu.vector_load %arg12[%swap3A_1704] {strides = array<i32>} : memref<1024xf32, #tpu.memory_space<vmem>>, vector<16xf32>,
        tpu.vector_store %arg12[%swap3A_1704], %sub3A_1604 {strides = array<i32>} : memref<1024xf32, #tpu.memory_space<vmem>>, vector<16xf32>,
      }
      %scan3A_19 = arith.constant 16 : i32
      %dma_start3A = arith.constant 0 : i32
      %dma_start3A_20 = arith.constant 0 : i32
      %dma_start3A_21 = arith.constant 0 : i32
      %dma_start3A_22 = arith.constant 0 : i32
      %dma_start3A_23 = tpu.memref_slice %arg13[%dma_start3A_20, %dma_start3A_21, %dma_start3A_22] : memref<16x128x8xf32, #tpu.memory_space<vmem>> -> memref<1x128x8xf32, #tpu.memory_space<vmem>>
      %dma_start3A_24 = tpu.memref_squeeze %dma_start3A_23 : memref<1x128x8xf32, #tpu.memory_space<vmem>> -> memref<128x8xf32, #tpu.memory_space<vmem>>
      %dma_start3A_25 = arith.constant 0 : i32
      %dma_start3A_26 = tpu.memref_slice %arg6[%dma_start3A, %dma_start3A_25] : memref<16x128xi32, #tpu.memory_space<vmem>> -> memref<1x128xi32, #tpu.memory_space<vmem>>
      %dma_start3A_27 = tpu.memref_squeeze %dma_start3A_26 : memref<1x128xi32, #tpu.memory_space<vmem>> -> memref<128xi32, #tpu.memory_space<vmem>>
      %dma_start3A_28 = arith.constant 0 : i32
      %dma_start3A_29 = arith.constant 0 : i32
      %dma_start3A_30 = tpu.memref_slice %arg3[%dma_start3A_28, %dma_start3A_29] : memref<2359296x8xf32, #tpu.memory_space<hbm>> -> memref<2359296x8xf32, #tpu.memory_space<hbm>>
      tpu.enqueue_indirect_dma source(%dma_start3A_30 : memref<2359296x8xf32, #tpu.memory_space<hbm>>) target(%dma_start3A_24 : memref<128x8xf32, #tpu.memory_space<vmem>>) offsets(%dma_start3A_27 : memref<128xi32, #tpu.memory_space<vmem>>) semaphore(%arg16 : memref<!tpu.dma_semaphore, #tpu.memory_space<semaphore_mem>>)
      %dma_start3A_31 = arith.constant 0 : i32
      %dma_start3A_32 = arith.constant 0 : i32
      %dma_start3A_33 = arith.constant 0 : i32
      %dma_start3A_34 = arith.constant 0 : i32
      %dma_start3A_35 = tpu.memref_slice %arg14[%dma_start3A_32, %dma_start3A_33, %dma_start3A_34] : memref<16x128x8xf32, #tpu.memory_space<vmem>> -> memref<1x128x8xf32, #tpu.memory_space<vmem>>
      %dma_start3A_36 = tpu.memref_squeeze %dma_start3A_35 : memref<1x128x8xf32, #tpu.memory_space<vmem>> -> memref<128x8xf32, #tpu.memory_space<vmem>>
      %dma_start3A_37 = arith.constant 0 : i32
      %dma_start3A_38 = tpu.memref_slice %arg7[%dma_start3A_31, %dma_start3A_37] : memref<16x128xi32, #tpu.memory_space<vmem>> -> memref<1x128xi32, #tpu.memory_space<vmem>>
      %dma_start3A_39 = tpu.memref_squeeze %dma_start3A_38 : memref<1x128xi32, #tpu.memory_space<vmem>> -> memref<128xi32, #tpu.memory_space<vmem>>
      %dma_start3A_40 = arith.constant 0 : i32
      %dma_start3A_41 = arith.constant 0 : i32
      %dma_start3A_42 = tpu.memref_slice %arg3[%dma_start3A_40, %dma_start3A_41] : memref<2359296x8xf32, #tpu.memory_space<hbm>> -> memref<2359296x8xf32, #tpu.memory_space<hbm>>
      tpu.enqueue_indirect_dma source(%dma_start3A_42 : memref<2359296x8xf32, #tpu.memory_space<hbm>>) target(%dma_start3A_36 : memref<128x8xf32, #tpu.memory_space<vmem>>) offsets(%dma_start3A_39 : memref<128xi32, #tpu.memory_space<vmem>>) semaphore(%arg16 : memref<!tpu.dma_semaphore, #tpu.memory_space<semaphore_mem>>)
      %dma_start3A_43 = arith.constant 1 : i32
      %dma_start3A_44 = arith.constant 1 : i32
      %dma_start3A_45 = arith.constant 0 : i32
      %dma_start3A_46 = arith.constant 0 : i32
      %dma_start3A_47 = tpu.memref_slice %arg13[%dma_start3A_44, %dma_start3A_45, %dma_start3A_46] : memref<16x128x8xf32, #tpu.memory_space<vmem>> -> memref<1x128x8xf32, #tpu.memory_space<vmem>>
      %dma_start3A_48 = tpu.memref_squeeze %dma_start3A_47 : memref<1x128x8xf32, #tpu.memory_space<vmem>> -> memref<128x8xf32, #tpu.memory_space<vmem>>
      %dma_start3A_49 = arith.constant 0 : i32
      %dma_start3A_50 = tpu.memref_slice %arg6[%dma_start3A_43, %dma_start3A_49] : memref<16x128xi32, #tpu.memory_space<vmem>> -> memref<1x128xi32, #tpu.memory_space<vmem>>
      %dma_start3A_51 = tpu.memref_squeeze %dma_start3A_50 : memref<1x128xi32, #tpu.memory_space<vmem>> -> memref<128xi32, #tpu.memory_space<vmem>>
      %dma_start3A_52 = arith.constant 0 : i32
      %dma_start3A_53 = arith.constant 0 : i32
      %dma_start3A_54 = tpu.memref_slice %arg3[%dma_start3A_52, %dma_start3A_53] : memref<2359296x8xf32, #tpu.memory_space<hbm>> -> memref<2359296x8xf32, #tpu.memory_space<hbm>>
      tpu.enqueue_indirect_dma source(%dma_start3A_54 : memref<2359296x8xf32, #tpu.memory_space<hbm>>) target(%dma_start3A_48 : memref<128x8xf32, #tpu.memory_space<vmem>>) offsets(%dma_start3A_51 : memref<128xi32, #tpu.memory_space<vmem>>) semaphore(%arg16 : memref<!tpu.dma_semaphore, #tpu.memory_space<semaphore_mem>>)
      %dma_start3A_55 = arith.constant 1 : i32
      %dma_start3A_56 = arith.constant 1 : i32
      %dma_start3A_57 = arith.constant 0 : i32
      %dma_start3A_58 = arith.constant 0 : i32
      %dma_start3A_59 = tpu.memref_slice %arg14[%dma_start3A_56, %dma_start3A_57, %dma_start3A_58] : memref<16x128x8xf32, #tpu.memory_space<vmem>> -> memref<1x128x8xf32, #tpu.memory_space<vmem>>
      %dma_start3A_60 = tpu.memref_squeeze %dma_start3A_59 : memref<1x128x8xf32, #tpu.memory_space<vmem>> -> memref<128x8xf32, #tpu.memory_space<vmem>>
      %dma_start3A_61 = arith.constant 0 : i32
      %dma_start3A_62 = tpu.memref_slice %arg7[%dma_start3A_55, %dma_start3A_61] : memref<16x128xi32, #tpu.memory_space<vmem>> -> memref<1x128xi32, #tpu.memory_space<vmem>>
      %dma_start3A_63 = tpu.memref_squeeze %dma_start3A_62 : memref<1x128xi32, #tpu.memory_space<vmem>> -> memref<128xi32, #tpu.memory_space<vmem>>
      %dma_start3A_64 = arith.constant 0 : i32
      %dma_start3A_65 = arith.constant 0 : i32
      %dma_start3A_66 = tpu.memref_slice %arg3[%dma_start3A_64, %dma_start3A_65] : memref<2359296x8xf32, #tpu.memory_space<hbm>> -> memref<2359296x8xf32, #tpu.memory_space<hbm>>
      tpu.enqueue_indirect_dma source(%dma_start3A_66 : memref<2359296x8xf32, #tpu.memory_space<hbm>>) target(%dma_start3A_60 : memref<128x8xf32, #tpu.memory_space<vmem>>) offsets(%dma_start3A_63 : memref<128xi32, #tpu.memory_space<vmem>>) semaphore(%arg16 : memref<!tpu.dma_semaphore, #tpu.memory_space<semaphore_mem>>)
      %dma_start3A_67 = arith.constant 2 : i32
      %dma_start3A_68 = arith.constant 2 : i32
      %dma_start3A_69 = arith.constant 0 : i32
      %dma_start3A_70 = arith.constant 0 : i32
      %dma_start3A_71 = tpu.memref_slice %arg13[%dma_start3A_68, %dma_start3A_69, %dma_start3A_70] : memref<16x128x8xf32, #tpu.memory_space<vmem>> -> memref<1x128x8xf32, #tpu.memory_space<vmem>>
      %dma_start3A_72 = tpu.memref_squeeze %dma_start3A_71 : memref<1x128x8xf32, #tpu.memory_space<vmem>> -> memref<128x8xf32, #tpu.memory_space<vmem>>
      %dma_start3A_73 = arith.constant 0 : i32
      %dma_start3A_74 = tpu.memref_slice %arg6[%dma_start3A_67, %dma_start3A_73] : memref<16x128xi32, #tpu.memory_space<vmem>> -> memref<1x128xi32, #tpu.memory_space<vmem>>
      %dma_start3A_75 = tpu.memref_squeeze %dma_start3A_74 : memref<1x128xi32, #tpu.memory_space<vmem>> -> memref<128xi32, #tpu.memory_space<vmem>>
      %dma_start3A_76 = arith.constant 0 : i32
      %dma_start3A_77 = arith.constant 0 : i32
      %dma_start3A_78 = tpu.memref_slice %arg3[%dma_start3A_76, %dma_start3A_77] : memref<2359296x8xf32, #tpu.memory_space<hbm>> -> memref<2359296x8xf32, #tpu.memory_space<hbm>>
      tpu.enqueue_indirect_dma source(%dma_start3A_78 : memref<2359296x8xf32, #tpu.memory_space<hbm>>) target(%dma_start3A_72 : memref<128x8xf32, #tpu.memory_space<vmem>>) offsets(%dma_start3A_75 : memref<128xi32, #tpu.memory_space<vmem>>) semaphore(%arg16 : memref<!tpu.dma_semaphore, #tpu.memory_space<semaphore_mem>>)
      %dma_start3A_79 = arith.constant 2 : i32
      %dma_start3A_80 = arith.constant 2 : i32
      %dma_start3A_81 = arith.constant 0 : i32
      %dma_start3A_82 = arith.constant 0 : i32
      %dma_start3A_83 = tpu.memref_slice %arg14[%dma_start3A_80, %dma_start3A_81, %dma_start3A_82] : memref<16x128x8xf32, #tpu.memory_space<vmem>> -> memref<1x128x8xf32, #tpu.memory_space<vmem>>
      %dma_start3A_84 = tpu.memref_squeeze %dma_start3A_83 : memref<1x128x8xf32, #tpu.memory_space<vmem>> -> memref<128x8xf32, #tpu.memory_space<vmem>>
      %dma_start3A_85 = arith.constant 0 : i32
      %dma_start3A_86 = tpu.memref_slice %arg7[%dma_start3A_79, %dma_start3A_85] : memref<16x128xi32, #tpu.memory_space<vmem>> -> memref<1x128xi32, #tpu.memory_space<vmem>>
      %dma_start3A_87 = tpu.memref_squeeze %dma_start3A_86 : memref<1x128xi32, #tpu.memory_space<vmem>> -> memref<128xi32, #tpu.memory_space<vmem>>
      %dma_start3A_88 = arith.constant 0 : i32
      %dma_start3A_89 = arith.constant 0 : i32
      %dma_start3A_90 = tpu.memref_slice %arg3[%dma_start3A_88, %dma_start3A_89] : memref<2359296x8xf32, #tpu.memory_space<hbm>> -> memref<2359296x8xf32, #tpu.memory_space<hbm>>
      tpu.enqueue_indirect_dma source(%dma_start3A_90 : memref<2359296x8xf32, #tpu.memory_space<hbm>>) target(%dma_start3A_84 : memref<128x8xf32, #tpu.memory_space<vmem>>) offsets(%dma_start3A_87 : memref<128xi32, #tpu.memory_space<vmem>>) semaphore(%arg16 : memref<!tpu.dma_semaphore, #tpu.memory_space<semaphore_mem>>)
      %dma_start3A_91 = arith.constant 3 : i32
      %dma_start3A_92 = arith.constant 3 : i32
      %dma_start3A_93 = arith.constant 0 : i32
      %dma_start3A_94 = arith.constant 0 : i32
      %dma_start3A_95 = tpu.memref_slice %arg13[%dma_start3A_92, %dma_start3A_93, %dma_start3A_94] : memref<16x128x8xf32, #tpu.memory_space<vmem>> -> memref<1x128x8xf32, #tpu.memory_space<vmem>>
      %dma_start3A_96 = tpu.memref_squeeze %dma_start3A_95 : memref<1x128x8xf32, #tpu.memory_space<vmem>> -> memref<128x8xf32, #tpu.memory_space<vmem>>
      %dma_start3A_97 = arith.constant 0 : i32
      %dma_start3A_98 = tpu.memref_slice %arg6[%dma_start3A_91, %dma_start3A_97] : memref<16x128xi32, #tpu.memory_space<vmem>> -> memref<1x128xi32, #tpu.memory_space<vmem>>
      %dma_start3A_99 = tpu.memref_squeeze %dma_start3A_98 : memref<1x128xi32, #tpu.memory_space<vmem>> -> memref<128xi32, #tpu.memory_space<vmem>>
      %dma_start3A_100 = arith.constant 0 : i32
      %dma_start3A_101 = arith.constant 0 : i32
      %dma_start3A_102 = tpu.memref_slice %arg3[%dma_start3A_100, %dma_start3A_101] : memref<2359296x8xf32, #tpu.memory_space<hbm>> -> memref<2359296x8xf32, #tpu.memory_space<hbm>>
      tpu.enqueue_indirect_dma source(%dma_start3A_102 : memref<2359296x8xf32, #tpu.memory_space<hbm>>) target(%dma_start3A_96 : memref<128x8xf32, #tpu.memory_space<vmem>>) offsets(%dma_start3A_99 : memref<128xi32, #tpu.memory_space<vmem>>) semaphore(%arg16 : memref<!tpu.dma_semaphore, #tpu.memory_space<semaphore_mem>>)
      %dma_start3A_103 = arith.constant 3 : i32
      %dma_start3A_104 = arith.constant 3 : i32
      %dma_start3A_105 = arith.constant 0 : i32
      %dma_start3A_106 = arith.constant 0 : i32
      %dma_start3A_107 = tpu.memref_slice %arg14[%dma_start3A_104, %dma_start3A_105, %dma_start3A_106] : memref<16x128x8xf32, #tpu.memory_space<vmem>> -> memref<1x128x8xf32, #tpu.memory_space<vmem>>
      %dma_start3A_108 = tpu.memref_squeeze %dma_start3A_107 : memref<1x128x8xf32, #tpu.memory_space<vmem>> -> memref<128x8xf32, #tpu.memory_space<vmem>>
      %dma_start3A_109 = arith.constant 0 : i32
      %dma_start3A_110 = tpu.memref_slice %arg7[%dma_start3A_103, %dma_start3A_109] : memref<16x128xi32, #tpu.memory_space<vmem>> -> memref<1x128xi32, #tpu.memory_space<vmem>>
      %dma_start3A_111 = tpu.memref_squeeze %dma_start3A_110 : memref<1x128xi32, #tpu.memory_space<vmem>> -> memref<128xi32, #tpu.memory_space<vmem>>
      %dma_start3A_112 = arith.constant 0 : i32
      %dma_start3A_113 = arith.constant 0 : i32
      %dma_start3A_114 = tpu.memref_slice %arg3[%dma_start3A_112, %dma_start3A_113] : memref<2359296x8xf32, #tpu.memory_space<hbm>> -> memref<2359296x8xf32, #tpu.memory_space<hbm>>
      tpu.enqueue_indirect_dma source(%dma_start3A_114 : memref<2359296x8xf32, #tpu.memory_space<hbm>>) target(%dma_start3A_108 : memref<128x8xf32, #tpu.memory_space<vmem>>) offsets(%dma_start3A_111 : memref<128xi32, #tpu.memory_space<vmem>>) semaphore(%arg16 : memref<!tpu.dma_semaphore, #tpu.memory_space<semaphore_mem>>)
      %dma_start3A_115 = arith.constant 4 : i32
      %dma_start3A_116 = arith.constant 4 : i32
      %dma_start3A_117 = arith.constant 0 : i32
      %dma_start3A_118 = arith.constant 0 : i32
      %dma_start3A_119 = tpu.memref_slice %arg13[%dma_start3A_116, %dma_start3A_117, %dma_start3A_118] : memref<16x128x8xf32, #tpu.memory_space<vmem>> -> memref<1x128x8xf32, #tpu.memory_space<vmem>>
      %dma_start3A_120 = tpu.memref_squeeze %dma_start3A_119 : memref<1x128x8xf32, #tpu.memory_space<vmem>> -> memref<128x8xf32, #tpu.memory_space<vmem>>
      %dma_start3A_121 = arith.constant 0 : i32
      %dma_start3A_122 = tpu.memref_slice %arg6[%dma_start3A_115, %dma_start3A_121] : memref<16x128xi32, #tpu.memory_space<vmem>> -> memref<1x128xi32, #tpu.memory_space<vmem>>
      %dma_start3A_123 = tpu.memref_squeeze %dma_start3A_122 : memref<1x128xi32, #tpu.memory_space<vmem>> -> memref<128xi32, #tpu.memory_space<vmem>>
      %dma_start3A_124 = arith.constant 0 : i32
      %dma_start3A_125 = arith.constant 0 : i32
      %dma_start3A_126 = tpu.memref_slice %arg3[%dma_start3A_124, %dma_start3A_125] : memref<2359296x8xf32, #tpu.memory_space<hbm>> -> memref<2359296x8xf32, #tpu.memory_space<hbm>>
      tpu.enqueue_indirect_dma source(%dma_start3A_126 : memref<2359296x8xf32, #tpu.memory_space<hbm>>) target(%dma_start3A_120 : memref<128x8xf32, #tpu.memory_space<vmem>>) offsets(%dma_start3A_123 : memref<128xi32, #tpu.memory_space<vmem>>) semaphore(%arg16 : memref<!tpu.dma_semaphore, #tpu.memory_space<semaphore_mem>>)
      %dma_start3A_127 = arith.constant 4 : i32
      %dma_start3A_128 = arith.constant 4 : i32
      %dma_start3A_129 = arith.constant 0 : i32
      %dma_start3A_130 = arith.constant 0 : i32
      %dma_start3A_131 = tpu.memref_slice %arg14[%dma_start3A_128, %dma_start3A_129, %dma_start3A_130] : memref<16x128x8xf32, #tpu.memory_space<vmem>> -> memref<1x128x8xf32, #tpu.memory_space<vmem>>
      %dma_start3A_132 = tpu.memref_squeeze %dma_start3A_131 : memref<1x128x8xf32, #tpu.memory_space<vmem>> -> memref<128x8xf32, #tpu.memory_space<vmem>>
      %dma_start3A_133 = arith.constant 0 : i32
      %dma_start3A_134 = tpu.memref_slice %arg7[%dma_start3A_127, %dma_start3A_133] : memref<16x128xi32, #tpu.memory_space<vmem>> -> memref<1x128xi32, #tpu.memory_space<vmem>>
      %dma_start3A_135 = tpu.memref_squeeze %dma_start3A_134 : memref<1x128xi32, #tpu.memory_space<vmem>> -> memref<128xi32, #tpu.memory_space<vmem>>
      %dma_start3A_136 = arith.constant 0 : i32
      %dma_start3A_137 = arith.constant 0 : i32
      %dma_start3A_138 = tpu.memref_slice %arg3[%dma_start3A_136, %dma_start3A_137] : memref<2359296x8xf32, #tpu.memory_space<hbm>> -> memref<2359296x8xf32, #tpu.memory_space<hbm>>
      tpu.enqueue_indirect_dma source(%dma_start3A_138 : memref<2359296x8xf32, #tpu.memory_space<hbm>>) target(%dma_start3A_132 : memref<128x8xf32, #tpu.memory_space<vmem>>) offsets(%dma_start3A_135 : memref<128xi32, #tpu.memory_space<vmem>>) semaphore(%arg16 : memref<!tpu.dma_semaphore, #tpu.memory_space<semaphore_mem>>)
      %dma_start3A_139 = arith.constant 5 : i32
      %dma_start3A_140 = arith.constant 5 : i32
      %dma_start3A_141 = arith.constant 0 : i32
      %dma_start3A_142 = arith.constant 0 : i32
      %dma_start3A_143 = tpu.memref_slice %arg13[%dma_start3A_140, %dma_start3A_141, %dma_start3A_142] : memref<16x128x8xf32, #tpu.memory_space<vmem>> -> memref<1x128x8xf32, #tpu.memory_space<vmem>>
      %dma_start3A_144 = tpu.memref_squeeze %dma_start3A_143 : memref<1x128x8xf32, #tpu.memory_space<vmem>> -> memref<128x8xf32, #tpu.memory_space<vmem>>
      %dma_start3A_145 = arith.constant 0 : i32
      %dma_start3A_146 = tpu.memref_slice %arg6[%dma_start3A_139, %dma_start3A_145] : memref<16x128xi32, #tpu.memory_space<vmem>> -> memref<1x128xi32, #tpu.memory_space<vmem>>
      %dma_start3A_147 = tpu.memref_squeeze %dma_start3A_146 : memref<1x128xi32, #tpu.memory_space<vmem>> -> memref<128xi32, #tpu.memory_space<vmem>>
      %dma_start3A_148 = arith.constant 0 : i32
      %dma_start3A_149 = arith.constant 0 : i32
      %dma_start3A_150 = tpu.memref_slice %arg3[%dma_start3A_148, %dma_start3A_149] : memref<2359296x8xf32, #tpu.memory_space<hbm>> -> memref<2359296x8xf32, #tpu.memory_space<hbm>>
      tpu.enqueue_indirect_dma source(%dma_start3A_150 : memref<2359296x8xf32, #tpu.memory_space<hbm>>) target(%dma_start3A_144 : memref<128x8xf32, #tpu.memory_space<vmem>>) offsets(%dma_start3A_147 : memref<128xi32, #tpu.memory_space<vmem>>) semaphore(%arg16 : memref<!tpu.dma_semaphore, #tpu.memory_space<semaphore_mem>>)
      %dma_start3A_151 = arith.constant 5 : i32
      %dma_start3A_152 = arith.constant 5 : i32
      %dma_start3A_153 = arith.constant 0 : i32
      %dma_start3A_154 = arith.constant 0 : i32
      %dma_start3A_155 = tpu.memref_slice %arg14[%dma_start3A_152, %dma_start3A_153, %dma_start3A_154] : memref<16x128x8xf32, #tpu.memory_space<vmem>> -> memref<1x128x8xf32, #tpu.memory_space<vmem>>
      %dma_start3A_156 = tpu.memref_squeeze %dma_start3A_155 : memref<1x128x8xf32, #tpu.memory_space<vmem>> -> memref<128x8xf32, #tpu.memory_space<vmem>>
      %dma_start3A_157 = arith.constant 0 : i32
      %dma_start3A_158 = tpu.memref_slice %arg7[%dma_start3A_151, %dma_start3A_157] : memref<16x128xi32, #tpu.memory_space<vmem>> -> memref<1x128xi32, #tpu.memory_space<vmem>>
      %dma_start3A_159 = tpu.memref_squeeze %dma_start3A_158 : memref<1x128xi32, #tpu.memory_space<vmem>> -> memref<128xi32, #tpu.memory_space<vmem>>
      %dma_start3A_160 = arith.constant 0 : i32
      %dma_start3A_161 = arith.constant 0 : i32
      %dma_start3A_162 = tpu.memref_slice %arg3[%dma_start3A_160, %dma_start3A_161] : memref<2359296x8xf32, #tpu.memory_space<hbm>> -> memref<2359296x8xf32, #tpu.memory_space<hbm>>
      tpu.enqueue_indirect_dma source(%dma_start3A_162 : memref<2359296x8xf32, #tpu.memory_space<hbm>>) target(%dma_start3A_156 : memref<128x8xf32, #tpu.memory_space<vmem>>) offsets(%dma_start3A_159 : memref<128xi32, #tpu.memory_space<vmem>>) semaphore(%arg16 : memref<!tpu.dma_semaphore, #tpu.memory_space<semaphore_mem>>)
      %dma_start3A_163 = arith.constant 6 : i32
      %dma_start3A_164 = arith.constant 6 : i32
      %dma_start3A_165 = arith.constant 0 : i32
      %dma_start3A_166 = arith.constant 0 : i32
      %dma_start3A_167 = tpu.memref_slice %arg13[%dma_start3A_164, %dma_start3A_165, %dma_start3A_166] : memref<16x128x8xf32, #tpu.memory_space<vmem>> -> memref<1x128x8xf32, #tpu.memory_space<vmem>>
      %dma_start3A_168 = tpu.memref_squeeze %dma_start3A_167 : memref<1x128x8xf32, #tpu.memory_space<vmem>> -> memref<128x8xf32, #tpu.memory_space<vmem>>
      %dma_start3A_169 = arith.constant 0 : i32
      %dma_start3A_170 = tpu.memref_slice %arg6[%dma_start3A_163, %dma_start3A_169] : memref<16x128xi32, #tpu.memory_space<vmem>> -> memref<1x128xi32, #tpu.memory_space<vmem>>
      %dma_start3A_171 = tpu.memref_squeeze %dma_start3A_170 : memref<1x128xi32, #tpu.memory_space<vmem>> -> memref<128xi32, #tpu.memory_space<vmem>>
      %dma_start3A_172 = arith.constant 0 : i32
      %dma_start3A_173 = arith.constant 0 : i32
      %dma_start3A_174 = tpu.memref_slice %arg3[%dma_start3A_172, %dma_start3A_173] : memref<2359296x8xf32, #tpu.memory_space<hbm>> -> memref<2359296x8xf32, #tpu.memory_space<hbm>>
      tpu.enqueue_indirect_dma source(%dma_start3A_174 : memref<2359296x8xf32, #tpu.memory_space<hbm>>) target(%dma_start3A_168 : memref<128x8xf32, #tpu.memory_space<vmem>>) offsets(%dma_start3A_171 : memref<128xi32, #tpu.memory_space<vmem>>) semaphore(%arg16 : memref<!tpu.dma_semaphore, #tpu.memory_space<semaphore_mem>>)
      %dma_start3A_175 = arith.constant 6 : i32
      %dma_start3A_176 = arith.constant 6 : i32
      %dma_start3A_177 = arith.constant 0 : i32
      %dma_start3A_178 = arith.constant 0 : i32
      %dma_start3A_179 = tpu.memref_slice %arg14[%dma_start3A_176, %dma_start3A_177, %dma_start3A_178] : memref<16x128x8xf32, #tpu.memory_space<vmem>> -> memref<1x128x8xf32, #tpu.memory_space<vmem>>
      %dma_start3A_180 = tpu.memref_squeeze %dma_start3A_179 : memref<1x128x8xf32, #tpu.memory_space<vmem>> -> memref<128x8xf32, #tpu.memory_space<vmem>>
      %dma_start3A_181 = arith.constant 0 : i32
      %dma_start3A_182 = tpu.memref_slice %arg7[%dma_start3A_175, %dma_start3A_181] : memref<16x128xi32, #tpu.memory_space<vmem>> -> memref<1x128xi32, #tpu.memory_space<vmem>>
      %dma_start3A_183 = tpu.memref_squeeze %dma_start3A_182 : memref<1x128xi32, #tpu.memory_space<vmem>> -> memref<128xi32, #tpu.memory_space<vmem>>
      %dma_start3A_184 = arith.constant 0 : i32
      %dma_start3A_185 = arith.constant 0 : i32
      %dma_start3A_186 = tpu.memref_slice %arg3[%dma_start3A_184, %dma_start3A_185] : memref<2359296x8xf32, #tpu.memory_space<hbm>> -> memref<2359296x8xf32, #tpu.memory_space<hbm>>
      tpu.enqueue_indirect_dma source(%dma_start3A_186 : memref<2359296x8xf32, #tpu.memory_space<hbm>>) target(%dma_start3A_180 : memref<128x8xf32, #tpu.memory_space<vmem>>) offsets(%dma_start3A_183 : memref<128xi32, #tpu.memory_space<vmem>>) semaphore(%arg16 : memref<!tpu.dma_semaphore, #tpu.memory_space<semaphore_mem>>)
      %dma_start3A_187 = arith.constant 7 : i32
      %dma_start3A_188 = arith.constant 7 : i32
      %dma_start3A_189 = arith.constant 0 : i32
      %dma_start3A_190 = arith.constant 0 : i32
      %dma_start3A_191 = tpu.memref_slice %arg13[%dma_start3A_188, %dma_start3A_189, %dma_start3A_190] : memref<16x128x8xf32, #tpu.memory_space<vmem>> -> memref<1x128x8xf32, #tpu.memory_space<vmem>>
      %dma_start3A_192 = tpu.memref_squeeze %dma_start3A_191 : memref<1x128x8xf32, #tpu.memory_space<vmem>> -> memref<128x8xf32, #tpu.memory_space<vmem>>
      %dma_start3A_193 = arith.constant 0 : i32
      %dma_start3A_194 = tpu.memref_slice %arg6[%dma_start3A_187, %dma_start3A_193] : memref<16x128xi32, #tpu.memory_space<vmem>> -> memref<1x128xi32, #tpu.memory_space<vmem>>
      %dma_start3A_195 = tpu.memref_squeeze %dma_start3A_194 : memref<1x128xi32, #tpu.memory_space<vmem>> -> memref<128xi32, #tpu.memory_space<vmem>>
      %dma_start3A_196 = arith.constant 0 : i32
      %dma_start3A_197 = arith.constant 0 : i32
      %dma_start3A_198 = tpu.memref_slice %arg3[%dma_start3A_196, %dma_start3A_197] : memref<2359296x8xf32, #tpu.memory_space<hbm>> -> memref<2359296x8xf32, #tpu.memory_space<hbm>>
      tpu.enqueue_indirect_dma source(%dma_start3A_198 : memref<2359296x8xf32, #tpu.memory_space<hbm>>) target(%dma_start3A_192 : memref<128x8xf32, #tpu.memory_space<vmem>>) offsets(%dma_start3A_195 : memref<128xi32, #tpu.memory_space<vmem>>) semaphore(%arg16 : memref<!tpu.dma_semaphore, #tpu.memory_space<semaphore_mem>>)
      %dma_start3A_199 = arith.constant 7 : i32
      %dma_start3A_200 = arith.constant 7 : i32
      %dma_start3A_201 = arith.constant 0 : i32
      %dma_start3A_202 = arith.constant 0 : i32
      %dma_start3A_203 = tpu.memref_slice %arg14[%dma_start3A_200, %dma_start3A_201, %dma_start3A_202] : memref<16x128x8xf32, #tpu.memory_space<vmem>> -> memref<1x128x8xf32, #tpu.memory_space<vmem>>
      %dma_start3A_204 = tpu.memref_squeeze %dma_start3A_203 : memref<1x128x8xf32, #tpu.memory_space<vmem>> -> memref<128x8xf32, #tpu.memory_space<vmem>>
      %dma_start3A_205 = arith.constant 0 : i32
      %dma_start3A_206 = tpu.memref_slice %arg7[%dma_start3A_199, %dma_start3A_205] : memref<16x128xi32, #tpu.memory_space<vmem>> -> memref<1x128xi32, #tpu.memory_space<vmem>>
      %dma_start3A_207 = tpu.memref_squeeze %dma_start3A_206 : memref<1x128xi32, #tpu.memory_space<vmem>> -> memref<128xi32, #tpu.memory_space<vmem>>
      %dma_start3A_208 = arith.constant 0 : i32
      %dma_start3A_209 = arith.constant 0 : i32
      %dma_start3A_210 = tpu.memref_slice %arg3[%dma_start3A_208, %dma_start3A_209] : memref<2359296x8xf32, #tpu.memory_space<hbm>> -> memref<2359296x8xf32, #tpu.memory_space<hbm>>
      tpu.enqueue_indirect_dma source(%dma_start3A_210 : memref<2359296x8xf32, #tpu.memory_space<hbm>>) target(%dma_start3A_204 : memref<128x8xf32, #tpu.memory_space<vmem>>) offsets(%dma_start3A_207 : memref<128xi32, #tpu.memory_space<vmem>>) semaphore(%arg16 : memref<!tpu.dma_semaphore, #tpu.memory_space<semaphore_mem>>)
      %dma_start3A_211 = arith.constant 8 : i32
      %dma_start3A_212 = arith.constant 8 : i32
      %dma_start3A_213 = arith.constant 0 : i32
      %dma_start3A_214 = arith.constant 0 : i32
      %dma_start3A_215 = tpu.memref_slice %arg13[%dma_start3A_212, %dma_start3A_213, %dma_start3A_214] : memref<16x128x8xf32, #tpu.memory_space<vmem>> -> memref<1x128x8xf32, #tpu.memory_space<vmem>>
      %dma_start3A_216 = tpu.memref_squeeze %dma_start3A_215 : memref<1x128x8xf32, #tpu.memory_space<vmem>> -> memref<128x8xf32, #tpu.memory_space<vmem>>
      %dma_start3A_217 = arith.constant 0 : i32
      %dma_start3A_218 = tpu.memref_slice %arg6[%dma_start3A_211, %dma_start3A_217] : memref<16x128xi32, #tpu.memory_space<vmem>> -> memref<1x128xi32, #tpu.memory_space<vmem>>
      %dma_start3A_219 = tpu.memref_squeeze %dma_start3A_218 : memref<1x128xi32, #tpu.memory_space<vmem>> -> memref<128xi32, #tpu.memory_space<vmem>>
      %dma_start3A_220 = arith.constant 0 : i32
      %dma_start3A_221 = arith.constant 0 : i32
      %dma_start3A_222 = tpu.memref_slice %arg3[%dma_start3A_220, %dma_start3A_221] : memref<2359296x8xf32, #tpu.memory_space<hbm>> -> memref<2359296x8xf32, #tpu.memory_space<hbm>>
      tpu.enqueue_indirect_dma source(%dma_start3A_222 : memref<2359296x8xf32, #tpu.memory_space<hbm>>) target(%dma_start3A_216 : memref<128x8xf32, #tpu.memory_space<vmem>>) offsets(%dma_start3A_219 : memref<128xi32, #tpu.memory_space<vmem>>) semaphore(%arg16 : memref<!tpu.dma_semaphore, #tpu.memory_space<semaphore_mem>>)
      %dma_start3A_223 = arith.constant 8 : i32
      %dma_start3A_224 = arith.constant 8 : i32
      %dma_start3A_225 = arith.constant 0 : i32
      %dma_start3A_226 = arith.constant 0 : i32
      %dma_start3A_227 = tpu.memref_slice %arg14[%dma_start3A_224, %dma_start3A_225, %dma_start3A_226] : memref<16x128x8xf32, #tpu.memory_space<vmem>> -> memref<1x128x8xf32, #tpu.memory_space<vmem>>
      %dma_start3A_228 = tpu.memref_squeeze %dma_start3A_227 : memref<1x128x8xf32, #tpu.memory_space<vmem>> -> memref<128x8xf32, #tpu.memory_space<vmem>>
      %dma_start3A_229 = arith.constant 0 : i32
      %dma_start3A_230 = tpu.memref_slice %arg7[%dma_start3A_223, %dma_start3A_229] : memref<16x128xi32, #tpu.memory_space<vmem>> -> memref<1x128xi32, #tpu.memory_space<vmem>>
      %dma_start3A_231 = tpu.memref_squeeze %dma_start3A_230 : memref<1x128xi32, #tpu.memory_space<vmem>> -> memref<128xi32, #tpu.memory_space<vmem>>
      %dma_start3A_232 = arith.constant 0 : i32
      %dma_start3A_233 = arith.constant 0 : i32
      %dma_start3A_234 = tpu.memref_slice %arg3[%dma_start3A_232, %dma_start3A_233] : memref<2359296x8xf32, #tpu.memory_space<hbm>> -> memref<2359296x8xf32, #tpu.memory_space<hbm>>
      tpu.enqueue_indirect_dma source(%dma_start3A_234 : memref<2359296x8xf32, #tpu.memory_space<hbm>>) target(%dma_start3A_228 : memref<128x8xf32, #tpu.memory_space<vmem>>) offsets(%dma_start3A_231 : memref<128xi32, #tpu.memory_space<vmem>>) semaphore(%arg16 : memref<!tpu.dma_semaphore, #tpu.memory_space<semaphore_mem>>)
      %dma_start3A_235 = arith.constant 9 : i32
      %dma_start3A_236 = arith.constant 9 : i32
      %dma_start3A_237 = arith.constant 0 : i32
      %dma_start3A_238 = arith.constant 0 : i32
      %dma_start3A_239 = tpu.memref_slice %arg13[%dma_start3A_236, %dma_start3A_237, %dma_start3A_238] : memref<16x128x8xf32, #tpu.memory_space<vmem>> -> memref<1x128x8xf32, #tpu.memory_space<vmem>>
      %dma_start3A_240 = tpu.memref_squeeze %dma_start3A_239 : memref<1x128x8xf32, #tpu.memory_space<vmem>> -> memref<128x8xf32, #tpu.memory_space<vmem>>
      %dma_start3A_241 = arith.constant 0 : i32
      %dma_start3A_242 = tpu.memref_slice %arg6[%dma_start3A_235, %dma_start3A_241] : memref<16x128xi32, #tpu.memory_space<vmem>> -> memref<1x128xi32, #tpu.memory_space<vmem>>
      %dma_start3A_243 = tpu.memref_squeeze %dma_start3A_242 : memref<1x128xi32, #tpu.memory_space<vmem>> -> memref<128xi32, #tpu.memory_space<vmem>>
      %dma_start3A_244 = arith.constant 0 : i32
      %dma_start3A_245 = arith.constant 0 : i32
      %dma_start3A_246 = tpu.memref_slice %arg3[%dma_start3A_244, %dma_start3A_245] : memref<2359296x8xf32, #tpu.memory_space<hbm>> -> memref<2359296x8xf32, #tpu.memory_space<hbm>>
      tpu.enqueue_indirect_dma source(%dma_start3A_246 : memref<2359296x8xf32, #tpu.memory_space<hbm>>) target(%dma_start3A_240 : memref<128x8xf32, #tpu.memory_space<vmem>>) offsets(%dma_start3A_243 : memref<128xi32, #tpu.memory_space<vmem>>) semaphore(%arg16 : memref<!tpu.dma_semaphore, #tpu.memory_space<semaphore_mem>>)
      %dma_start3A_247 = arith.constant 9 : i32
      %dma_start3A_248 = arith.constant 9 : i32
      %dma_start3A_249 = arith.constant 0 : i32
      %dma_start3A_250 = arith.constant 0 : i32
      %dma_start3A_251 = tpu.memref_slice %arg14[%dma_start3A_248, %dma_start3A_249, %dma_start3A_250] : memref<16x128x8xf32, #tpu.memory_space<vmem>> -> memref<1x128x8xf32, #tpu.memory_space<vmem>>
      %dma_start3A_252 = tpu.memref_squeeze %dma_start3A_251 : memref<1x128x8xf32, #tpu.memory_space<vmem>> -> memref<128x8xf32, #tpu.memory_space<vmem>>
      %dma_start3A_253 = arith.constant 0 : i32
      %dma_start3A_254 = tpu.memref_slice %arg7[%dma_start3A_247, %dma_start3A_253] : memref<16x128xi32, #tpu.memory_space<vmem>> -> memref<1x128xi32, #tpu.memory_space<vmem>>
      %dma_start3A_255 = tpu.memref_squeeze %dma_start3A_254 : memref<1x128xi32, #tpu.memory_space<vmem>> -> memref<128xi32, #tpu.memory_space<vmem>>
      %dma_start3A_256 = arith.constant 0 : i32
      %dma_start3A_257 = arith.constant 0 : i32
      %dma_start3A_258 = tpu.memref_slice %arg3[%dma_start3A_256, %dma_start3A_257] : memref<2359296x8xf32, #tpu.memory_space<hbm>> -> memref<2359296x8xf32, #tpu.memory_space<hbm>>
      tpu.enqueue_indirect_dma source(%dma_start3A_258 : memref<2359296x8xf32, #tpu.memory_space<hbm>>) target(%dma_start3A_252 : memref<128x8xf32, #tpu.memory_space<vmem>>) offsets(%dma_start3A_255 : memref<128xi32, #tpu.memory_space<vmem>>) semaphore(%arg16 : memref<!tpu.dma_semaphore, #tpu.memory_space<semaphore_mem>>)
      %dma_start3A_259 = arith.constant 10 : i32
      %dma_start3A_260 = arith.constant 10 : i32
      %dma_start3A_261 = arith.constant 0 : i32
      %dma_start3A_262 = arith.constant 0 : i32
      %dma_start3A_263 = tpu.memref_slice %arg13[%dma_start3A_260, %dma_start3A_261, %dma_start3A_262] : memref<16x128x8xf32, #tpu.memory_space<vmem>> -> memref<1x128x8xf32, #tpu.memory_space<vmem>>
      %dma_start3A_264 = tpu.memref_squeeze %dma_start3A_263 : memref<1x128x8xf32, #tpu.memory_space<vmem>> -> memref<128x8xf32, #tpu.memory_space<vmem>>
      %dma_start3A_265 = arith.constant 0 : i32
      %dma_start3A_266 = tpu.memref_slice %arg6[%dma_start3A_259, %dma_start3A_265] : memref<16x128xi32, #tpu.memory_space<vmem>> -> memref<1x128xi32, #tpu.memory_space<vmem>>
      %dma_start3A_267 = tpu.memref_squeeze %dma_start3A_266 : memref<1x128xi32, #tpu.memory_space<vmem>> -> memref<128xi32, #tpu.memory_space<vmem>>
      %dma_start3A_268 = arith.constant 0 : i32
      %dma_start3A_269 = arith.constant 0 : i32
      %dma_start3A_270 = tpu.memref_slice %arg3[%dma_start3A_268, %dma_start3A_269] : memref<2359296x8xf32, #tpu.memory_space<hbm>> -> memref<2359296x8xf32, #tpu.memory_space<hbm>>
      tpu.enqueue_indirect_dma source(%dma_start3A_270 : memref<2359296x8xf32, #tpu.memory_space<hbm>>) target(%dma_start3A_264 : memref<128x8xf32, #tpu.memory_space<vmem>>) offsets(%dma_start3A_267 : memref<128xi32, #tpu.memory_space<vmem>>) semaphore(%arg16 : memref<!tpu.dma_semaphore, #tpu.memory_space<semaphore_mem>>)
      %dma_start3A_271 = arith.constant 10 : i32
      %dma_start3A_272 = arith.constant 10 : i32
      %dma_start3A_273 = arith.constant 0 : i32
      %dma_start3A_274 = arith.constant 0 : i32
      %dma_start3A_275 = tpu.memref_slice %arg14[%dma_start3A_272, %dma_start3A_273, %dma_start3A_274] : memref<16x128x8xf32, #tpu.memory_space<vmem>> -> memref<1x128x8xf32, #tpu.memory_space<vmem>>
      %dma_start3A_276 = tpu.memref_squeeze %dma_start3A_275 : memref<1x128x8xf32, #tpu.memory_space<vmem>> -> memref<128x8xf32, #tpu.memory_space<vmem>>
      %dma_start3A_277 = arith.constant 0 : i32
      %dma_start3A_278 = tpu.memref_slice %arg7[%dma_start3A_271, %dma_start3A_277] : memref<16x128xi32, #tpu.memory_space<vmem>> -> memref<1x128xi32, #tpu.memory_space<vmem>>
      %dma_start3A_279 = tpu.memref_squeeze %dma_start3A_278 : memref<1x128xi32, #tpu.memory_space<vmem>> -> memref<128xi32, #tpu.memory_space<vmem>>
      %dma_start3A_280 = arith.constant 0 : i32
      %dma_start3A_281 = arith.constant 0 : i32
      %dma_start3A_282 = tpu.memref_slice %arg3[%dma_start3A_280, %dma_start3A_281] : memref<2359296x8xf32, #tpu.memory_space<hbm>> -> memref<2359296x8xf32, #tpu.memory_space<hbm>>
      tpu.enqueue_indirect_dma source(%dma_start3A_282 : memref<2359296x8xf32, #tpu.memory_space<hbm>>) target(%dma_start3A_276 : memref<128x8xf32, #tpu.memory_space<vmem>>) offsets(%dma_start3A_279 : memref<128xi32, #tpu.memory_space<vmem>>) semaphore(%arg16 : memref<!tpu.dma_semaphore, #tpu.memory_space<semaphore_mem>>)
      %dma_start3A_283 = arith.constant 11 : i32
      %dma_start3A_284 = arith.constant 11 : i32
      %dma_start3A_285 = arith.constant 0 : i32
      %dma_start3A_286 = arith.constant 0 : i32
      %dma_start3A_287 = tpu.memref_slice %arg13[%dma_start3A_284, %dma_start3A_285, %dma_start3A_286] : memref<16x128x8xf32, #tpu.memory_space<vmem>> -> memref<1x128x8xf32, #tpu.memory_space<vmem>>
      %dma_start3A_288 = tpu.memref_squeeze %dma_start3A_287 : memref<1x128x8xf32, #tpu.memory_space<vmem>> -> memref<128x8xf32, #tpu.memory_space<vmem>>
      %dma_start3A_289 = arith.constant 0 : i32
      %dma_start3A_290 = tpu.memref_slice %arg6[%dma_start3A_283, %dma_start3A_289] : memref<16x128xi32, #tpu.memory_space<vmem>> -> memref<1x128xi32, #tpu.memory_space<vmem>>
      %dma_start3A_291 = tpu.memref_squeeze %dma_start3A_290 : memref<1x128xi32, #tpu.memory_space<vmem>> -> memref<128xi32, #tpu.memory_space<vmem>>
      %dma_start3A_292 = arith.constant 0 : i32
      %dma_start3A_293 = arith.constant 0 : i32
      %dma_start3A_294 = tpu.memref_slice %arg3[%dma_start3A_292, %dma_start3A_293] : memref<2359296x8xf32, #tpu.memory_space<hbm>> -> memref<2359296x8xf32, #tpu.memory_space<hbm>>
      tpu.enqueue_indirect_dma source(%dma_start3A_294 : memref<2359296x8xf32, #tpu.memory_space<hbm>>) target(%dma_start3A_288 : memref<128x8xf32, #tpu.memory_space<vmem>>) offsets(%dma_start3A_291 : memref<128xi32, #tpu.memory_space<vmem>>) semaphore(%arg16 : memref<!tpu.dma_semaphore, #tpu.memory_space<semaphore_mem>>)
      %dma_start3A_295 = arith.constant 11 : i32
      %dma_start3A_296 = arith.constant 11 : i32
      %dma_start3A_297 = arith.constant 0 : i32
      %dma_start3A_298 = arith.constant 0 : i32
      %dma_start3A_299 = tpu.memref_slice %arg14[%dma_start3A_296, %dma_start3A_297, %dma_start3A_298] : memref<16x128x8xf32, #tpu.memory_space<vmem>> -> memref<1x128x8xf32, #tpu.memory_space<vmem>>
      %dma_start3A_300 = tpu.memref_squeeze %dma_start3A_299 : memref<1x128x8xf32, #tpu.memory_space<vmem>> -> memref<128x8xf32, #tpu.memory_space<vmem>>
      %dma_start3A_301 = arith.constant 0 : i32
      %dma_start3A_302 = tpu.memref_slice %arg7[%dma_start3A_295, %dma_start3A_301] : memref<16x128xi32, #tpu.memory_space<vmem>> -> memref<1x128xi32, #tpu.memory_space<vmem>>
      %dma_start3A_303 = tpu.memref_squeeze %dma_start3A_302 : memref<1x128xi32, #tpu.memory_space<vmem>> -> memref<128xi32, #tpu.memory_space<vmem>>
      %dma_start3A_304 = arith.constant 0 : i32
      %dma_start3A_305 = arith.constant 0 : i32
      %dma_start3A_306 = tpu.memref_slice %arg3[%dma_start3A_304, %dma_start3A_305] : memref<2359296x8xf32, #tpu.memory_space<hbm>> -> memref<2359296x8xf32, #tpu.memory_space<hbm>>
      tpu.enqueue_indirect_dma source(%dma_start3A_306 : memref<2359296x8xf32, #tpu.memory_space<hbm>>) target(%dma_start3A_300 : memref<128x8xf32, #tpu.memory_space<vmem>>) offsets(%dma_start3A_303 : memref<128xi32, #tpu.memory_space<vmem>>) semaphore(%arg16 : memref<!tpu.dma_semaphore, #tpu.memory_space<semaphore_mem>>)
      %dma_start3A_307 = arith.constant 12 : i32
      %dma_start3A_308 = arith.constant 12 : i32
      %dma_start3A_309 = arith.constant 0 : i32
      %dma_start3A_310 = arith.constant 0 : i32
      %dma_start3A_311 = tpu.memref_slice %arg13[%dma_start3A_308, %dma_start3A_309, %dma_start3A_310] : memref<16x128x8xf32, #tpu.memory_space<vmem>> -> memref<1x128x8xf32, #tpu.memory_space<vmem>>
      %dma_start3A_312 = tpu.memref_squeeze %dma_start3A_311 : memref<1x128x8xf32, #tpu.memory_space<vmem>> -> memref<128x8xf32, #tpu.memory_space<vmem>>
      %dma_start3A_313 = arith.constant 0 : i32
      %dma_start3A_314 = tpu.memref_slice %arg6[%dma_start3A_307, %dma_start3A_313] : memref<16x128xi32, #tpu.memory_space<vmem>> -> memref<1x128xi32, #tpu.memory_space<vmem>>
      %dma_start3A_315 = tpu.memref_squeeze %dma_start3A_314 : memref<1x128xi32, #tpu.memory_space<vmem>> -> memref<128xi32, #tpu.memory_space<vmem>>
      %dma_start3A_316 = arith.constant 0 : i32
      %dma_start3A_317 = arith.constant 0 : i32
      %dma_start3A_318 = tpu.memref_slice %arg3[%dma_start3A_316, %dma_start3A_317] : memref<2359296x8xf32, #tpu.memory_space<hbm>> -> memref<2359296x8xf32, #tpu.memory_space<hbm>>
      tpu.enqueue_indirect_dma source(%dma_start3A_318 : memref<2359296x8xf32, #tpu.memory_space<hbm>>) target(%dma_start3A_312 : memref<128x8xf32, #tpu.memory_space<vmem>>) offsets(%dma_start3A_315 : memref<128xi32, #tpu.memory_space<vmem>>) semaphore(%arg16 : memref<!tpu.dma_semaphore, #tpu.memory_space<semaphore_mem>>)
      %dma_start3A_319 = arith.constant 12 : i32
      %dma_start3A_320 = arith.constant 12 : i32
      %dma_start3A_321 = arith.constant 0 : i32
      %dma_start3A_322 = arith.constant 0 : i32
      %dma_start3A_323 = tpu.memref_slice %arg14[%dma_start3A_320, %dma_start3A_321, %dma_start3A_322] : memref<16x128x8xf32, #tpu.memory_space<vmem>> -> memref<1x128x8xf32, #tpu.memory_space<vmem>>
      %dma_start3A_324 = tpu.memref_squeeze %dma_start3A_323 : memref<1x128x8xf32, #tpu.memory_space<vmem>> -> memref<128x8xf32, #tpu.memory_space<vmem>>
      %dma_start3A_325 = arith.constant 0 : i32
      %dma_start3A_326 = tpu.memref_slice %arg7[%dma_start3A_319, %dma_start3A_325] : memref<16x128xi32, #tpu.memory_space<vmem>> -> memref<1x128xi32, #tpu.memory_space<vmem>>
      %dma_start3A_327 = tpu.memref_squeeze %dma_start3A_326 : memref<1x128xi32, #tpu.memory_space<vmem>> -> memref<128xi32, #tpu.memory_space<vmem>>
      %dma_start3A_328 = arith.constant 0 : i32
      %dma_start3A_329 = arith.constant 0 : i32
      %dma_start3A_330 = tpu.memref_slice %arg3[%dma_start3A_328, %dma_start3A_329] : memref<2359296x8xf32, #tpu.memory_space<hbm>> -> memref<2359296x8xf32, #tpu.memory_space<hbm>>
      tpu.enqueue_indirect_dma source(%dma_start3A_330 : memref<2359296x8xf32, #tpu.memory_space<hbm>>) target(%dma_start3A_324 : memref<128x8xf32, #tpu.memory_space<vmem>>) offsets(%dma_start3A_327 : memref<128xi32, #tpu.memory_space<vmem>>) semaphore(%arg16 : memref<!tpu.dma_semaphore, #tpu.memory_space<semaphore_mem>>)
      %dma_start3A_331 = arith.constant 13 : i32
      %dma_start3A_332 = arith.constant 13 : i32
      %dma_start3A_333 = arith.constant 0 : i32
      %dma_start3A_334 = arith.constant 0 : i32
      %dma_start3A_335 = tpu.memref_slice %arg13[%dma_start3A_332, %dma_start3A_333, %dma_start3A_334] : memref<16x128x8xf32, #tpu.memory_space<vmem>> -> memref<1x128x8xf32, #tpu.memory_space<vmem>>
      %dma_start3A_336 = tpu.memref_squeeze %dma_start3A_335 : memref<1x128x8xf32, #tpu.memory_space<vmem>> -> memref<128x8xf32, #tpu.memory_space<vmem>>
      %dma_start3A_337 = arith.constant 0 : i32
      %dma_start3A_338 = tpu.memref_slice %arg6[%dma_start3A_331, %dma_start3A_337] : memref<16x128xi32, #tpu.memory_space<vmem>> -> memref<1x128xi32, #tpu.memory_space<vmem>>
      %dma_start3A_339 = tpu.memref_squeeze %dma_start3A_338 : memref<1x128xi32, #tpu.memory_space<vmem>> -> memref<128xi32, #tpu.memory_space<vmem>>
      %dma_start3A_340 = arith.constant 0 : i32
      %dma_start3A_341 = arith.constant 0 : i32
      %dma_start3A_342 = tpu.memref_slice %arg3[%dma_start3A_340, %dma_start3A_341] : memref<2359296x8xf32, #tpu.memory_space<hbm>> -> memref<2359296x8xf32, #tpu.memory_space<hbm>>
      tpu.enqueue_indirect_dma source(%dma_start3A_342 : memref<2359296x8xf32, #tpu.memory_space<hbm>>) target(%dma_start3A_336 : memref<128x8xf32, #tpu.memory_space<vmem>>) offsets(%dma_start3A_339 : memref<128xi32, #tpu.memory_space<vmem>>) semaphore(%arg16 : memref<!tpu.dma_semaphore, #tpu.memory_space<semaphore_mem>>)
      %dma_start3A_343 = arith.constant 13 : i32
      %dma_start3A_344 = arith.constant 13 : i32
      %dma_start3A_345 = arith.constant 0 : i32
      %dma_start3A_346 = arith.constant 0 : i32
      %dma_start3A_347 = tpu.memref_slice %arg14[%dma_start3A_344, %dma_start3A_345, %dma_start3A_346] : memref<16x128x8xf32, #tpu.memory_space<vmem>> -> memref<1x128x8xf32, #tpu.memory_space<vmem>>
      %dma_start3A_348 = tpu.memref_squeeze %dma_start3A_347 : memref<1x128x8xf32, #tpu.memory_space<vmem>> -> memref<128x8xf32, #tpu.memory_space<vmem>>
      %dma_start3A_349 = arith.constant 0 : i32
      %dma_start3A_350 = tpu.memref_slice %arg7[%dma_start3A_343, %dma_start3A_349] : memref<16x128xi32, #tpu.memory_space<vmem>> -> memref<1x128xi32, #tpu.memory_space<vmem>>
      %dma_start3A_351 = tpu.memref_squeeze %dma_start3A_350 : memref<1x128xi32, #tpu.memory_space<vmem>> -> memref<128xi32, #tpu.memory_space<vmem>>
      %dma_start3A_352 = arith.constant 0 : i32
      %dma_start3A_353 = arith.constant 0 : i32
      %dma_start3A_354 = tpu.memref_slice %arg3[%dma_start3A_352, %dma_start3A_353] : memref<2359296x8xf32, #tpu.memory_space<hbm>> -> memref<2359296x8xf32, #tpu.memory_space<hbm>>
      tpu.enqueue_indirect_dma source(%dma_start3A_354 : memref<2359296x8xf32, #tpu.memory_space<hbm>>) target(%dma_start3A_348 : memref<128x8xf32, #tpu.memory_space<vmem>>) offsets(%dma_start3A_351 : memref<128xi32, #tpu.memory_space<vmem>>) semaphore(%arg16 : memref<!tpu.dma_semaphore, #tpu.memory_space<semaphore_mem>>)
      %dma_start3A_355 = arith.constant 14 : i32
      %dma_start3A_356 = arith.constant 14 : i32
      %dma_start3A_357 = arith.constant 0 : i32
      %dma_start3A_358 = arith.constant 0 : i32
      %dma_start3A_359 = tpu.memref_slice %arg13[%dma_start3A_356, %dma_start3A_357, %dma_start3A_358] : memref<16x128x8xf32, #tpu.memory_space<vmem>> -> memref<1x128x8xf32, #tpu.memory_space<vmem>>
      %dma_start3A_360 = tpu.memref_squeeze %dma_start3A_359 : memref<1x128x8xf32, #tpu.memory_space<vmem>> -> memref<128x8xf32, #tpu.memory_space<vmem>>
      %dma_start3A_361 = arith.constant 0 : i32
      %dma_start3A_362 = tpu.memref_slice %arg6[%dma_start3A_355, %dma_start3A_361] : memref<16x128xi32, #tpu.memory_space<vmem>> -> memref<1x128xi32, #tpu.memory_space<vmem>>
      %dma_start3A_363 = tpu.memref_squeeze %dma_start3A_362 : memref<1x128xi32, #tpu.memory_space<vmem>> -> memref<128xi32, #tpu.memory_space<vmem>>
      %dma_start3A_364 = arith.constant 0 : i32
      %dma_start3A_365 = arith.constant 0 : i32
      %dma_start3A_366 = tpu.memref_slice %arg3[%dma_start3A_364, %dma_start3A_365] : memref<2359296x8xf32, #tpu.memory_space<hbm>> -> memref<2359296x8xf32, #tpu.memory_space<hbm>>
      tpu.enqueue_indirect_dma source(%dma_start3A_366 : memref<2359296x8xf32, #tpu.memory_space<hbm>>) target(%dma_start3A_360 : memref<128x8xf32, #tpu.memory_space<vmem>>) offsets(%dma_start3A_363 : memref<128xi32, #tpu.memory_space<vmem>>) semaphore(%arg16 : memref<!tpu.dma_semaphore, #tpu.memory_space<semaphore_mem>>)
      %dma_start3A_367 = arith.constant 14 : i32
      %dma_start3A_368 = arith.constant 14 : i32
      %dma_start3A_369 = arith.constant 0 : i32
      %dma_start3A_370 = arith.constant 0 : i32
      %dma_start3A_371 = tpu.memref_slice %arg14[%dma_start3A_368, %dma_start3A_369, %dma_start3A_370] : memref<16x128x8xf32, #tpu.memory_space<vmem>> -> memref<1x128x8xf32, #tpu.memory_space<vmem>>
      %dma_start3A_372 = tpu.memref_squeeze %dma_start3A_371 : memref<1x128x8xf32, #tpu.memory_space<vmem>> -> memref<128x8xf32, #tpu.memory_space<vmem>>
      %dma_start3A_373 = arith.constant 0 : i32
      %dma_start3A_374 = tpu.memref_slice %arg7[%dma_start3A_367, %dma_start3A_373] : memref<16x128xi32, #tpu.memory_space<vmem>> -> memref<1x128xi32, #tpu.memory_space<vmem>>
      %dma_start3A_375 = tpu.memref_squeeze %dma_start3A_374 : memref<1x128xi32, #tpu.memory_space<vmem>> -> memref<128xi32, #tpu.memory_space<vmem>>
      %dma_start3A_376 = arith.constant 0 : i32
      %dma_start3A_377 = arith.constant 0 : i32
      %dma_start3A_378 = tpu.memref_slice %arg3[%dma_start3A_376, %dma_start3A_377] : memref<2359296x8xf32, #tpu.memory_space<hbm>> -> memref<2359296x8xf32, #tpu.memory_space<hbm>>
      tpu.enqueue_indirect_dma source(%dma_start3A_378 : memref<2359296x8xf32, #tpu.memory_space<hbm>>) target(%dma_start3A_372 : memref<128x8xf32, #tpu.memory_space<vmem>>) offsets(%dma_start3A_375 : memref<128xi32, #tpu.memory_space<vmem>>) semaphore(%arg16 : memref<!tpu.dma_semaphore, #tpu.memory_space<semaphore_mem>>)
      %dma_start3A_379 = arith.constant 15 : i32
      %dma_start3A_380 = arith.constant 15 : i32
      %dma_start3A_381 = arith.constant 0 : i32
      %dma_start3A_382 = arith.constant 0 : i32
      %dma_start3A_383 = tpu.memref_slice %arg13[%dma_start3A_380, %dma_start3A_381, %dma_start3A_382] : memref<16x128x8xf32, #tpu.memory_space<vmem>> -> memref<1x128x8xf32, #tpu.memory_space<vmem>>
      %dma_start3A_384 = tpu.memref_squeeze %dma_start3A_383 : memref<1x128x8xf32, #tpu.memory_space<vmem>> -> memref<128x8xf32, #tpu.memory_space<vmem>>
      %dma_start3A_385 = arith.constant 0 : i32
      %dma_start3A_386 = tpu.memref_slice %arg6[%dma_start3A_379, %dma_start3A_385] : memref<16x128xi32, #tpu.memory_space<vmem>> -> memref<1x128xi32, #tpu.memory_space<vmem>>
      %dma_start3A_387 = tpu.memref_squeeze %dma_start3A_386 : memref<1x128xi32, #tpu.memory_space<vmem>> -> memref<128xi32, #tpu.memory_space<vmem>>
      %dma_start3A_388 = arith.constant 0 : i32
      %dma_start3A_389 = arith.constant 0 : i32
      %dma_start3A_390 = tpu.memref_slice %arg3[%dma_start3A_388, %dma_start3A_389] : memref<2359296x8xf32, #tpu.memory_space<hbm>> -> memref<2359296x8xf32, #tpu.memory_space<hbm>>
      tpu.enqueue_indirect_dma source(%dma_start3A_390 : memref<2359296x8xf32, #tpu.memory_space<hbm>>) target(%dma_start3A_384 : memref<128x8xf32, #tpu.memory_space<vmem>>) offsets(%dma_start3A_387 : memref<128xi32, #tpu.memory_space<vmem>>) semaphore(%arg16 : memref<!tpu.dma_semaphore, #tpu.memory_space<semaphore_mem>>)
      %dma_start3A_391 = arith.constant 15 : i32
      %dma_start3A_392 = arith.constant 15 : i32
      %dma_start3A_393 = arith.constant 0 : i32
      %dma_start3A_394 = arith.constant 0 : i32
      %dma_start3A_395 = tpu.memref_slice %arg14[%dma_start3A_392, %dma_start3A_393, %dma_start3A_394] : memref<16x128x8xf32, #tpu.memory_space<vmem>> -> memref<1x128x8xf32, #tpu.memory_space<vmem>>
      %dma_start3A_396 = tpu.memref_squeeze %dma_start3A_395 : memref<1x128x8xf32, #tpu.memory_space<vmem>> -> memref<128x8xf32, #tpu.memory_space<vmem>>
      %dma_start3A_397 = arith.constant 0 : i32
      %dma_start3A_398 = tpu.memref_slice %arg7[%dma_start3A_391, %dma_start3A_397] : memref<16x128xi32, #tpu.memory_space<vmem>> -> memref<1x128xi32, #tpu.memory_space<vmem>>
      %dma_start3A_399 = tpu.memref_squeeze %dma_start3A_398 : memref<1x128xi32, #tpu.memory_space<vmem>> -> memref<128xi32, #tpu.memory_space<vmem>>
      %dma_start3A_400 = arith.constant 0 : i32
      %dma_start3A_401 = arith.constant 0 : i32
      %dma_start3A_402 = tpu.memref_slice %arg3[%dma_start3A_400, %dma_start3A_401] : memref<2359296x8xf32, #tpu.memory_space<hbm>> -> memref<2359296x8xf32, #tpu.memory_space<hbm>>
      tpu.enqueue_indirect_dma source(%dma_start3A_402 : memref<2359296x8xf32, #tpu.memory_space<hbm>>) target(%dma_start3A_396 : memref<128x8xf32, #tpu.memory_space<vmem>>) offsets(%dma_start3A_399 : memref<128xi32, #tpu.memory_space<vmem>>) semaphore(%arg16 : memref<!tpu.dma_semaphore, #tpu.memory_space<semaphore_mem>>)
      %dma_wait3A = arith.constant 0 : i32
      %dma_wait3A_403 = arith.constant 0 : i32
      %dma_wait3A_404 = arith.constant 0 : i32
      %dma_wait3A_405 = arith.constant 0 : i32
      %dma_wait3A_406 = tpu.memref_slice %arg13[%dma_wait3A_403, %dma_wait3A_404, %dma_wait3A_405] : memref<16x128x8xf32, #tpu.memory_space<vmem>> -> memref<1x128x8xf32, #tpu.memory_space<vmem>>
      %dma_wait3A_407 = tpu.memref_squeeze %dma_wait3A_406 : memref<1x128x8xf32, #tpu.memory_space<vmem>> -> memref<128x8xf32, #tpu.memory_space<vmem>>
      %dma_wait3A_408 = arith.constant 0 : i32
      %dma_wait3A_409 = tpu.memref_slice %arg6[%dma_wait3A, %dma_wait3A_408] : memref<16x128xi32, #tpu.memory_space<vmem>> -> memref<1x128xi32, #tpu.memory_space<vmem>>
      %dma_wait3A_410 = tpu.memref_squeeze %dma_wait3A_409 : memref<1x128xi32, #tpu.memory_space<vmem>> -> memref<128xi32, #tpu.memory_space<vmem>>
      %dma_wait3A_411 = arith.constant 0 : i32
      %dma_wait3A_412 = arith.constant 0 : i32
      %dma_wait3A_413 = tpu.memref_slice %arg3[%dma_wait3A_411, %dma_wait3A_412] : memref<2359296x8xf32, #tpu.memory_space<hbm>> -> memref<2359296x8xf32, #tpu.memory_space<hbm>>
      tpu.wait_indirect_dma semaphore(%arg16 : memref<!tpu.dma_semaphore, #tpu.memory_space<semaphore_mem>>) src(%dma_wait3A_413 : memref<2359296x8xf32, #tpu.memory_space<hbm>>) dst(%dma_wait3A_407 : memref<128x8xf32, #tpu.memory_space<vmem>>)
      %dma_wait3A_414 = arith.constant 0 : i32
      %dma_wait3A_415 = arith.constant 0 : i32
      %dma_wait3A_416 = arith.constant 0 : i32
      %dma_wait3A_417 = arith.constant 0 : i32
      %dma_wait3A_418 = tpu.memref_slice %arg14[%dma_wait3A_415, %dma_wait3A_416, %dma_wait3A_417] : memref<16x128x8xf32, #tpu.memory_space<vmem>> -> memref<1x128x8xf32, #tpu.memory_space<vmem>>
      %dma_wait3A_419 = tpu.memref_squeeze %dma_wait3A_418 : memref<1x128x8xf32, #tpu.memory_space<vmem>> -> memref<128x8xf32, #tpu.memory_space<vmem>>
      %dma_wait3A_420 = arith.constant 0 : i32
      %dma_wait3A_421 = tpu.memref_slice %arg7[%dma_wait3A_414, %dma_wait3A_420] : memref<16x128xi32, #tpu.memory_space<vmem>> -> memref<1x128xi32, #tpu.memory_space<vmem>>
      %dma_wait3A_422 = tpu.memref_squeeze %dma_wait3A_421 : memref<1x128xi32, #tpu.memory_space<vmem>> -> memref<128xi32, #tpu.memory_space<vmem>>
      %dma_wait3A_423 = arith.constant 0 : i32
      %dma_wait3A_424 = arith.constant 0 : i32
      %dma_wait3A_425 = tpu.memref_slice %arg3[%dma_wait3A_423, %dma_wait3A_424] : memref<2359296x8xf32, #tpu.memory_space<hbm>> -> memref<2359296x8xf32, #tpu.memory_space<hbm>>
      tpu.wait_indirect_dma semaphore(%arg16 : memref<!tpu.dma_semaphore, #tpu.memory_space<semaphore_mem>>) src(%dma_wait3A_425 : memref<2359296x8xf32, #tpu.memory_space<hbm>>) dst(%dma_wait3A_419 : memref<128x8xf32, #tpu.memory_space<vmem>>)
      %dma_wait3A_426 = arith.constant 1 : i32
      %dma_wait3A_427 = arith.constant 1 : i32
      %dma_wait3A_428 = arith.constant 0 : i32
      %dma_wait3A_429 = arith.constant 0 : i32
      %dma_wait3A_430 = tpu.memref_slice %arg13[%dma_wait3A_427, %dma_wait3A_428, %dma_wait3A_429] : memref<16x128x8xf32, #tpu.memory_space<vmem>> -> memref<1x128x8xf32, #tpu.memory_space<vmem>>
      %dma_wait3A_431 = tpu.memref_squeeze %dma_wait3A_430 : memref<1x128x8xf32, #tpu.memory_space<vmem>> -> memref<128x8xf32, #tpu.memory_space<vmem>>
      %dma_wait3A_432 = arith.constant 0 : i32
      %dma_wait3A_433 = tpu.memref_slice %arg6[%dma_wait3A_426, %dma_wait3A_432] : memref<16x128xi32, #tpu.memory_space<vmem>> -> memref<1x128xi32, #tpu.memory_space<vmem>>
      %dma_wait3A_434 = tpu.memref_squeeze %dma_wait3A_433 : memref<1x128xi32, #tpu.memory_space<vmem>> -> memref<128xi32, #tpu.memory_space<vmem>>
      %dma_wait3A_435 = arith.constant 0 : i32
      %dma_wait3A_436 = arith.constant 0 : i32
      %dma_wait3A_437 = tpu.memref_slice %arg3[%dma_wait3A_435, %dma_wait3A_436] : memref<2359296x8xf32, #tpu.memory_space<hbm>> -> memref<2359296x8xf32, #tpu.memory_space<hbm>>
      tpu.wait_indirect_dma semaphore(%arg16 : memref<!tpu.dma_semaphore, #tpu.memory_space<semaphore_mem>>) src(%dma_wait3A_437 : memref<2359296x8xf32, #tpu.memory_space<hbm>>) dst(%dma_wait3A_431 : memref<128x8xf32, #tpu.memory_space<vmem>>)
      %dma_wait3A_438 = arith.constant 1 : i32
      %dma_wait3A_439 = arith.constant 1 : i32
      %dma_wait3A_440 = arith.constant 0 : i32
      %dma_wait3A_441 = arith.constant 0 : i32
      %dma_wait3A_442 = tpu.memref_slice %arg14[%dma_wait3A_439, %dma_wait3A_440, %dma_wait3A_441] : memref<16x128x8xf32, #tpu.memory_space<vmem>> -> memref<1x128x8xf32, #tpu.memory_space<vmem>>
      %dma_wait3A_443 = tpu.memref_squeeze %dma_wait3A_442 : memref<1x128x8xf32, #tpu.memory_space<vmem>> -> memref<128x8xf32, #tpu.memory_space<vmem>>
      %dma_wait3A_444 = arith.constant 0 : i32
      %dma_wait3A_445 = tpu.memref_slice %arg7[%dma_wait3A_438, %dma_wait3A_444] : memref<16x128xi32, #tpu.memory_space<vmem>> -> memref<1x128xi32, #tpu.memory_space<vmem>>
      %dma_wait3A_446 = tpu.memref_squeeze %dma_wait3A_445 : memref<1x128xi32, #tpu.memory_space<vmem>> -> memref<128xi32, #tpu.memory_space<vmem>>
      %dma_wait3A_447 = arith.constant 0 : i32
      %dma_wait3A_448 = arith.constant 0 : i32
      %dma_wait3A_449 = tpu.memref_slice %arg3[%dma_wait3A_447, %dma_wait3A_448] : memref<2359296x8xf32, #tpu.memory_space<hbm>> -> memref<2359296x8xf32, #tpu.memory_space<hbm>>
      tpu.wait_indirect_dma semaphore(%arg16 : memref<!tpu.dma_semaphore, #tpu.memory_space<semaphore_mem>>) src(%dma_wait3A_449 : memref<2359296x8xf32, #tpu.memory_space<hbm>>) dst(%dma_wait3A_443 : memref<128x8xf32, #tpu.memory_space<vmem>>)
      %dma_wait3A_450 = arith.constant 2 : i32
      %dma_wait3A_451 = arith.constant 2 : i32
      %dma_wait3A_452 = arith.constant 0 : i32
      %dma_wait3A_453 = arith.constant 0 : i32
      %dma_wait3A_454 = tpu.memref_slice %arg13[%dma_wait3A_451, %dma_wait3A_452, %dma_wait3A_453] : memref<16x128x8xf32, #tpu.memory_space<vmem>> -> memref<1x128x8xf32, #tpu.memory_space<vmem>>
      %dma_wait3A_455 = tpu.memref_squeeze %dma_wait3A_454 : memref<1x128x8xf32, #tpu.memory_space<vmem>> -> memref<128x8xf32, #tpu.memory_space<vmem>>
      %dma_wait3A_456 = arith.constant 0 : i32
      %dma_wait3A_457 = tpu.memref_slice %arg6[%dma_wait3A_450, %dma_wait3A_456] : memref<16x128xi32, #tpu.memory_space<vmem>> -> memref<1x128xi32, #tpu.memory_space<vmem>>
      %dma_wait3A_458 = tpu.memref_squeeze %dma_wait3A_457 : memref<1x128xi32, #tpu.memory_space<vmem>> -> memref<128xi32, #tpu.memory_space<vmem>>
      %dma_wait3A_459 = arith.constant 0 : i32
      %dma_wait3A_460 = arith.constant 0 : i32
      %dma_wait3A_461 = tpu.memref_slice %arg3[%dma_wait3A_459, %dma_wait3A_460] : memref<2359296x8xf32, #tpu.memory_space<hbm>> -> memref<2359296x8xf32, #tpu.memory_space<hbm>>
      tpu.wait_indirect_dma semaphore(%arg16 : memref<!tpu.dma_semaphore, #tpu.memory_space<semaphore_mem>>) src(%dma_wait3A_461 : memref<2359296x8xf32, #tpu.memory_space<hbm>>) dst(%dma_wait3A_455 : memref<128x8xf32, #tpu.memory_space<vmem>>)
      %dma_wait3A_462 = arith.constant 2 : i32
      %dma_wait3A_463 = arith.constant 2 : i32
      %dma_wait3A_464 = arith.constant 0 : i32
      %dma_wait3A_465 = arith.constant 0 : i32
      %dma_wait3A_466 = tpu.memref_slice %arg14[%dma_wait3A_463, %dma_wait3A_464, %dma_wait3A_465] : memref<16x128x8xf32, #tpu.memory_space<vmem>> -> memref<1x128x8xf32, #tpu.memory_space<vmem>>
      %dma_wait3A_467 = tpu.memref_squeeze %dma_wait3A_466 : memref<1x128x8xf32, #tpu.memory_space<vmem>> -> memref<128x8xf32, #tpu.memory_space<vmem>>
      %dma_wait3A_468 = arith.constant 0 : i32
      %dma_wait3A_469 = tpu.memref_slice %arg7[%dma_wait3A_462, %dma_wait3A_468] : memref<16x128xi32, #tpu.memory_space<vmem>> -> memref<1x128xi32, #tpu.memory_space<vmem>>
      %dma_wait3A_470 = tpu.memref_squeeze %dma_wait3A_469 : memref<1x128xi32, #tpu.memory_space<vmem>> -> memref<128xi32, #tpu.memory_space<vmem>>
      %dma_wait3A_471 = arith.constant 0 : i32
      %dma_wait3A_472 = arith.constant 0 : i32
      %dma_wait3A_473 = tpu.memref_slice %arg3[%dma_wait3A_471, %dma_wait3A_472] : memref<2359296x8xf32, #tpu.memory_space<hbm>> -> memref<2359296x8xf32, #tpu.memory_space<hbm>>
      tpu.wait_indirect_dma semaphore(%arg16 : memref<!tpu.dma_semaphore, #tpu.memory_space<semaphore_mem>>) src(%dma_wait3A_473 : memref<2359296x8xf32, #tpu.memory_space<hbm>>) dst(%dma_wait3A_467 : memref<128x8xf32, #tpu.memory_space<vmem>>)
      %dma_wait3A_474 = arith.constant 3 : i32
      %dma_wait3A_475 = arith.constant 3 : i32
      %dma_wait3A_476 = arith.constant 0 : i32
      %dma_wait3A_477 = arith.constant 0 : i32
      %dma_wait3A_478 = tpu.memref_slice %arg13[%dma_wait3A_475, %dma_wait3A_476, %dma_wait3A_477] : memref<16x128x8xf32, #tpu.memory_space<vmem>> -> memref<1x128x8xf32, #tpu.memory_space<vmem>>
      %dma_wait3A_479 = tpu.memref_squeeze %dma_wait3A_478 : memref<1x128x8xf32, #tpu.memory_space<vmem>> -> memref<128x8xf32, #tpu.memory_space<vmem>>
      %dma_wait3A_480 = arith.constant 0 : i32
      %dma_wait3A_481 = tpu.memref_slice %arg6[%dma_wait3A_474, %dma_wait3A_480] : memref<16x128xi32, #tpu.memory_space<vmem>> -> memref<1x128xi32, #tpu.memory_space<vmem>>
      %dma_wait3A_482 = tpu.memref_squeeze %dma_wait3A_481 : memref<1x128xi32, #tpu.memory_space<vmem>> -> memref<128xi32, #tpu.memory_space<vmem>>
      %dma_wait3A_483 = arith.constant 0 : i32
      %dma_wait3A_484 = arith.constant 0 : i32
      %dma_wait3A_485 = tpu.memref_slice %arg3[%dma_wait3A_483, %dma_wait3A_484] : memref<2359296x8xf32, #tpu.memory_space<hbm>> -> memref<2359296x8xf32, #tpu.memory_space<hbm>>
      tpu.wait_indirect_dma semaphore(%arg16 : memref<!tpu.dma_semaphore, #tpu.memory_space<semaphore_mem>>) src(%dma_wait3A_485 : memref<2359296x8xf32, #tpu.memory_space<hbm>>) dst(%dma_wait3A_479 : memref<128x8xf32, #tpu.memory_space<vmem>>)
      %dma_wait3A_486 = arith.constant 3 : i32
      %dma_wait3A_487 = arith.constant 3 : i32
      %dma_wait3A_488 = arith.constant 0 : i32
      %dma_wait3A_489 = arith.constant 0 : i32
      %dma_wait3A_490 = tpu.memref_slice %arg14[%dma_wait3A_487, %dma_wait3A_488, %dma_wait3A_489] : memref<16x128x8xf32, #tpu.memory_space<vmem>> -> memref<1x128x8xf32, #tpu.memory_space<vmem>>
      %dma_wait3A_491 = tpu.memref_squeeze %dma_wait3A_490 : memref<1x128x8xf32, #tpu.memory_space<vmem>> -> memref<128x8xf32, #tpu.memory_space<vmem>>
      %dma_wait3A_492 = arith.constant 0 : i32
      %dma_wait3A_493 = tpu.memref_slice %arg7[%dma_wait3A_486, %dma_wait3A_492] : memref<16x128xi32, #tpu.memory_space<vmem>> -> memref<1x128xi32, #tpu.memory_space<vmem>>
      %dma_wait3A_494 = tpu.memref_squeeze %dma_wait3A_493 : memref<1x128xi32, #tpu.memory_space<vmem>> -> memref<128xi32, #tpu.memory_space<vmem>>
      %dma_wait3A_495 = arith.constant 0 : i32
      %dma_wait3A_496 = arith.constant 0 : i32
      %dma_wait3A_497 = tpu.memref_slice %arg3[%dma_wait3A_495, %dma_wait3A_496] : memref<2359296x8xf32, #tpu.memory_space<hbm>> -> memref<2359296x8xf32, #tpu.memory_space<hbm>>
      tpu.wait_indirect_dma semaphore(%arg16 : memref<!tpu.dma_semaphore, #tpu.memory_space<semaphore_mem>>) src(%dma_wait3A_497 : memref<2359296x8xf32, #tpu.memory_space<hbm>>) dst(%dma_wait3A_491 : memref<128x8xf32, #tpu.memory_space<vmem>>)
      %dma_wait3A_498 = arith.constant 4 : i32
      %dma_wait3A_499 = arith.constant 4 : i32
      %dma_wait3A_500 = arith.constant 0 : i32
      %dma_wait3A_501 = arith.constant 0 : i32
      %dma_wait3A_502 = tpu.memref_slice %arg13[%dma_wait3A_499, %dma_wait3A_500, %dma_wait3A_501] : memref<16x128x8xf32, #tpu.memory_space<vmem>> -> memref<1x128x8xf32, #tpu.memory_space<vmem>>
      %dma_wait3A_503 = tpu.memref_squeeze %dma_wait3A_502 : memref<1x128x8xf32, #tpu.memory_space<vmem>> -> memref<128x8xf32, #tpu.memory_space<vmem>>
      %dma_wait3A_504 = arith.constant 0 : i32
      %dma_wait3A_505 = tpu.memref_slice %arg6[%dma_wait3A_498, %dma_wait3A_504] : memref<16x128xi32, #tpu.memory_space<vmem>> -> memref<1x128xi32, #tpu.memory_space<vmem>>
      %dma_wait3A_506 = tpu.memref_squeeze %dma_wait3A_505 : memref<1x128xi32, #tpu.memory_space<vmem>> -> memref<128xi32, #tpu.memory_space<vmem>>
      %dma_wait3A_507 = arith.constant 0 : i32
      %dma_wait3A_508 = arith.constant 0 : i32
      %dma_wait3A_509 = tpu.memref_slice %arg3[%dma_wait3A_507, %dma_wait3A_508] : memref<2359296x8xf32, #tpu.memory_space<hbm>> -> memref<2359296x8xf32, #tpu.memory_space<hbm>>
      tpu.wait_indirect_dma semaphore(%arg16 : memref<!tpu.dma_semaphore, #tpu.memory_space<semaphore_mem>>) src(%dma_wait3A_509 : memref<2359296x8xf32, #tpu.memory_space<hbm>>) dst(%dma_wait3A_503 : memref<128x8xf32, #tpu.memory_space<vmem>>)
      %dma_wait3A_510 = arith.constant 4 : i32
      %dma_wait3A_511 = arith.constant 4 : i32
      %dma_wait3A_512 = arith.constant 0 : i32
      %dma_wait3A_513 = arith.constant 0 : i32
      %dma_wait3A_514 = tpu.memref_slice %arg14[%dma_wait3A_511, %dma_wait3A_512, %dma_wait3A_513] : memref<16x128x8xf32, #tpu.memory_space<vmem>> -> memref<1x128x8xf32, #tpu.memory_space<vmem>>
      %dma_wait3A_515 = tpu.memref_squeeze %dma_wait3A_514 : memref<1x128x8xf32, #tpu.memory_space<vmem>> -> memref<128x8xf32, #tpu.memory_space<vmem>>
      %dma_wait3A_516 = arith.constant 0 : i32
      %dma_wait3A_517 = tpu.memref_slice %arg7[%dma_wait3A_510, %dma_wait3A_516] : memref<16x128xi32, #tpu.memory_space<vmem>> -> memref<1x128xi32, #tpu.memory_space<vmem>>
      %dma_wait3A_518 = tpu.memref_squeeze %dma_wait3A_517 : memref<1x128xi32, #tpu.memory_space<vmem>> -> memref<128xi32, #tpu.memory_space<vmem>>
      %dma_wait3A_519 = arith.constant 0 : i32
      %dma_wait3A_520 = arith.constant 0 : i32
      %dma_wait3A_521 = tpu.memref_slice %arg3[%dma_wait3A_519, %dma_wait3A_520] : memref<2359296x8xf32, #tpu.memory_space<hbm>> -> memref<2359296x8xf32, #tpu.memory_space<hbm>>
      tpu.wait_indirect_dma semaphore(%arg16 : memref<!tpu.dma_semaphore, #tpu.memory_space<semaphore_mem>>) src(%dma_wait3A_521 : memref<2359296x8xf32, #tpu.memory_space<hbm>>) dst(%dma_wait3A_515 : memref<128x8xf32, #tpu.memory_space<vmem>>)
      %dma_wait3A_522 = arith.constant 5 : i32
      %dma_wait3A_523 = arith.constant 5 : i32
      %dma_wait3A_524 = arith.constant 0 : i32
      %dma_wait3A_525 = arith.constant 0 : i32
      %dma_wait3A_526 = tpu.memref_slice %arg13[%dma_wait3A_523, %dma_wait3A_524, %dma_wait3A_525] : memref<16x128x8xf32, #tpu.memory_space<vmem>> -> memref<1x128x8xf32, #tpu.memory_space<vmem>>
      %dma_wait3A_527 = tpu.memref_squeeze %dma_wait3A_526 : memref<1x128x8xf32, #tpu.memory_space<vmem>> -> memref<128x8xf32, #tpu.memory_space<vmem>>
      %dma_wait3A_528 = arith.constant 0 : i32
      %dma_wait3A_529 = tpu.memref_slice %arg6[%dma_wait3A_522, %dma_wait3A_528] : memref<16x128xi32, #tpu.memory_space<vmem>> -> memref<1x128xi32, #tpu.memory_space<vmem>>
      %dma_wait3A_530 = tpu.memref_squeeze %dma_wait3A_529 : memref<1x128xi32, #tpu.memory_space<vmem>> -> memref<128xi32, #tpu.memory_space<vmem>>
      %dma_wait3A_531 = arith.constant 0 : i32
      %dma_wait3A_532 = arith.constant 0 : i32
      %dma_wait3A_533 = tpu.memref_slice %arg3[%dma_wait3A_531, %dma_wait3A_532] : memref<2359296x8xf32, #tpu.memory_space<hbm>> -> memref<2359296x8xf32, #tpu.memory_space<hbm>>
      tpu.wait_indirect_dma semaphore(%arg16 : memref<!tpu.dma_semaphore, #tpu.memory_space<semaphore_mem>>) src(%dma_wait3A_533 : memref<2359296x8xf32, #tpu.memory_space<hbm>>) dst(%dma_wait3A_527 : memref<128x8xf32, #tpu.memory_space<vmem>>)
      %dma_wait3A_534 = arith.constant 5 : i32
      %dma_wait3A_535 = arith.constant 5 : i32
      %dma_wait3A_536 = arith.constant 0 : i32
      %dma_wait3A_537 = arith.constant 0 : i32
      %dma_wait3A_538 = tpu.memref_slice %arg14[%dma_wait3A_535, %dma_wait3A_536, %dma_wait3A_537] : memref<16x128x8xf32, #tpu.memory_space<vmem>> -> memref<1x128x8xf32, #tpu.memory_space<vmem>>
      %dma_wait3A_539 = tpu.memref_squeeze %dma_wait3A_538 : memref<1x128x8xf32, #tpu.memory_space<vmem>> -> memref<128x8xf32, #tpu.memory_space<vmem>>
      %dma_wait3A_540 = arith.constant 0 : i32
      %dma_wait3A_541 = tpu.memref_slice %arg7[%dma_wait3A_534, %dma_wait3A_540] : memref<16x128xi32, #tpu.memory_space<vmem>> -> memref<1x128xi32, #tpu.memory_space<vmem>>
      %dma_wait3A_542 = tpu.memref_squeeze %dma_wait3A_541 : memref<1x128xi32, #tpu.memory_space<vmem>> -> memref<128xi32, #tpu.memory_space<vmem>>
      %dma_wait3A_543 = arith.constant 0 : i32
      %dma_wait3A_544 = arith.constant 0 : i32
      %dma_wait3A_545 = tpu.memref_slice %arg3[%dma_wait3A_543, %dma_wait3A_544] : memref<2359296x8xf32, #tpu.memory_space<hbm>> -> memref<2359296x8xf32, #tpu.memory_space<hbm>>
      tpu.wait_indirect_dma semaphore(%arg16 : memref<!tpu.dma_semaphore, #tpu.memory_space<semaphore_mem>>) src(%dma_wait3A_545 : memref<2359296x8xf32, #tpu.memory_space<hbm>>) dst(%dma_wait3A_539 : memref<128x8xf32, #tpu.memory_space<vmem>>)
      %dma_wait3A_546 = arith.constant 6 : i32
      %dma_wait3A_547 = arith.constant 6 : i32
      %dma_wait3A_548 = arith.constant 0 : i32
      %dma_wait3A_549 = arith.constant 0 : i32
      %dma_wait3A_550 = tpu.memref_slice %arg13[%dma_wait3A_547, %dma_wait3A_548, %dma_wait3A_549] : memref<16x128x8xf32, #tpu.memory_space<vmem>> -> memref<1x128x8xf32, #tpu.memory_space<vmem>>
      %dma_wait3A_551 = tpu.memref_squeeze %dma_wait3A_550 : memref<1x128x8xf32, #tpu.memory_space<vmem>> -> memref<128x8xf32, #tpu.memory_space<vmem>>
      %dma_wait3A_552 = arith.constant 0 : i32
      %dma_wait3A_553 = tpu.memref_slice %arg6[%dma_wait3A_546, %dma_wait3A_552] : memref<16x128xi32, #tpu.memory_space<vmem>> -> memref<1x128xi32, #tpu.memory_space<vmem>>
      %dma_wait3A_554 = tpu.memref_squeeze %dma_wait3A_553 : memref<1x128xi32, #tpu.memory_space<vmem>> -> memref<128xi32, #tpu.memory_space<vmem>>
      %dma_wait3A_555 = arith.constant 0 : i32
      %dma_wait3A_556 = arith.constant 0 : i32
      %dma_wait3A_557 = tpu.memref_slice %arg3[%dma_wait3A_555, %dma_wait3A_556] : memref<2359296x8xf32, #tpu.memory_space<hbm>> -> memref<2359296x8xf32, #tpu.memory_space<hbm>>
      tpu.wait_indirect_dma semaphore(%arg16 : memref<!tpu.dma_semaphore, #tpu.memory_space<semaphore_mem>>) src(%dma_wait3A_557 : memref<2359296x8xf32, #tpu.memory_space<hbm>>) dst(%dma_wait3A_551 : memref<128x8xf32, #tpu.memory_space<vmem>>)
      %dma_wait3A_558 = arith.constant 6 : i32
      %dma_wait3A_559 = arith.constant 6 : i32
      %dma_wait3A_560 = arith.constant 0 : i32
      %dma_wait3A_561 = arith.constant 0 : i32
      %dma_wait3A_562 = tpu.memref_slice %arg14[%dma_wait3A_559, %dma_wait3A_560, %dma_wait3A_561] : memref<16x128x8xf32, #tpu.memory_space<vmem>> -> memref<1x128x8xf32, #tpu.memory_space<vmem>>
      %dma_wait3A_563 = tpu.memref_squeeze %dma_wait3A_562 : memref<1x128x8xf32, #tpu.memory_space<vmem>> -> memref<128x8xf32, #tpu.memory_space<vmem>>
      %dma_wait3A_564 = arith.constant 0 : i32
      %dma_wait3A_565 = tpu.memref_slice %arg7[%dma_wait3A_558, %dma_wait3A_564] : memref<16x128xi32, #tpu.memory_space<vmem>> -> memref<1x128xi32, #tpu.memory_space<vmem>>
      %dma_wait3A_566 = tpu.memref_squeeze %dma_wait3A_565 : memref<1x128xi32, #tpu.memory_space<vmem>> -> memref<128xi32, #tpu.memory_space<vmem>>
      %dma_wait3A_567 = arith.constant 0 : i32
      %dma_wait3A_568 = arith.constant 0 : i32
      %dma_wait3A_569 = tpu.memref_slice %arg3[%dma_wait3A_567, %dma_wait3A_568] : memref<2359296x8xf32, #tpu.memory_space<hbm>> -> memref<2359296x8xf32, #tpu.memory_space<hbm>>
      tpu.wait_indirect_dma semaphore(%arg16 : memref<!tpu.dma_semaphore, #tpu.memory_space<semaphore_mem>>) src(%dma_wait3A_569 : memref<2359296x8xf32, #tpu.memory_space<hbm>>) dst(%dma_wait3A_563 : memref<128x8xf32, #tpu.memory_space<vmem>>)
      %dma_wait3A_570 = arith.constant 7 : i32
      %dma_wait3A_571 = arith.constant 7 : i32
      %dma_wait3A_572 = arith.constant 0 : i32
      %dma_wait3A_573 = arith.constant 0 : i32
      %dma_wait3A_574 = tpu.memref_slice %arg13[%dma_wait3A_571, %dma_wait3A_572, %dma_wait3A_573] : memref<16x128x8xf32, #tpu.memory_space<vmem>> -> memref<1x128x8xf32, #tpu.memory_space<vmem>>
      %dma_wait3A_575 = tpu.memref_squeeze %dma_wait3A_574 : memref<1x128x8xf32, #tpu.memory_space<vmem>> -> memref<128x8xf32, #tpu.memory_space<vmem>>
      %dma_wait3A_576 = arith.constant 0 : i32
      %dma_wait3A_577 = tpu.memref_slice %arg6[%dma_wait3A_570, %dma_wait3A_576] : memref<16x128xi32, #tpu.memory_space<vmem>> -> memref<1x128xi32, #tpu.memory_space<vmem>>
      %dma_wait3A_578 = tpu.memref_squeeze %dma_wait3A_577 : memref<1x128xi32, #tpu.memory_space<vmem>> -> memref<128xi32, #tpu.memory_space<vmem>>
      %dma_wait3A_579 = arith.constant 0 : i32
      %dma_wait3A_580 = arith.constant 0 : i32
      %dma_wait3A_581 = tpu.memref_slice %arg3[%dma_wait3A_579, %dma_wait3A_580] : memref<2359296x8xf32, #tpu.memory_space<hbm>> -> memref<2359296x8xf32, #tpu.memory_space<hbm>>
      tpu.wait_indirect_dma semaphore(%arg16 : memref<!tpu.dma_semaphore, #tpu.memory_space<semaphore_mem>>) src(%dma_wait3A_581 : memref<2359296x8xf32, #tpu.memory_space<hbm>>) dst(%dma_wait3A_575 : memref<128x8xf32, #tpu.memory_space<vmem>>)
      %dma_wait3A_582 = arith.constant 7 : i32
      %dma_wait3A_583 = arith.constant 7 : i32
      %dma_wait3A_584 = arith.constant 0 : i32
      %dma_wait3A_585 = arith.constant 0 : i32
      %dma_wait3A_586 = tpu.memref_slice %arg14[%dma_wait3A_583, %dma_wait3A_584, %dma_wait3A_585] : memref<16x128x8xf32, #tpu.memory_space<vmem>> -> memref<1x128x8xf32, #tpu.memory_space<vmem>>
      %dma_wait3A_587 = tpu.memref_squeeze %dma_wait3A_586 : memref<1x128x8xf32, #tpu.memory_space<vmem>> -> memref<128x8xf32, #tpu.memory_space<vmem>>
      %dma_wait3A_588 = arith.constant 0 : i32
      %dma_wait3A_589 = tpu.memref_slice %arg7[%dma_wait3A_582, %dma_wait3A_588] : memref<16x128xi32, #tpu.memory_space<vmem>> -> memref<1x128xi32, #tpu.memory_space<vmem>>
      %dma_wait3A_590 = tpu.memref_squeeze %dma_wait3A_589 : memref<1x128xi32, #tpu.memory_space<vmem>> -> memref<128xi32, #tpu.memory_space<vmem>>
      %dma_wait3A_591 = arith.constant 0 : i32
      %dma_wait3A_592 = arith.constant 0 : i32
      %dma_wait3A_593 = tpu.memref_slice %arg3[%dma_wait3A_591, %dma_wait3A_592] : memref<2359296x8xf32, #tpu.memory_space<hbm>> -> memref<2359296x8xf32, #tpu.memory_space<hbm>>
      tpu.wait_indirect_dma semaphore(%arg16 : memref<!tpu.dma_semaphore, #tpu.memory_space<semaphore_mem>>) src(%dma_wait3A_593 : memref<2359296x8xf32, #tpu.memory_space<hbm>>) dst(%dma_wait3A_587 : memref<128x8xf32, #tpu.memory_space<vmem>>)
      %dma_wait3A_594 = arith.constant 8 : i32
      %dma_wait3A_595 = arith.constant 8 : i32
      %dma_wait3A_596 = arith.constant 0 : i32
      %dma_wait3A_597 = arith.constant 0 : i32
      %dma_wait3A_598 = tpu.memref_slice %arg13[%dma_wait3A_595, %dma_wait3A_596, %dma_wait3A_597] : memref<16x128x8xf32, #tpu.memory_space<vmem>> -> memref<1x128x8xf32, #tpu.memory_space<vmem>>
      %dma_wait3A_599 = tpu.memref_squeeze %dma_wait3A_598 : memref<1x128x8xf32, #tpu.memory_space<vmem>> -> memref<128x8xf32, #tpu.memory_space<vmem>>
      %dma_wait3A_600 = arith.constant 0 : i32
      %dma_wait3A_601 = tpu.memref_slice %arg6[%dma_wait3A_594, %dma_wait3A_600] : memref<16x128xi32, #tpu.memory_space<vmem>> -> memref<1x128xi32, #tpu.memory_space<vmem>>
      %dma_wait3A_602 = tpu.memref_squeeze %dma_wait3A_601 : memref<1x128xi32, #tpu.memory_space<vmem>> -> memref<128xi32, #tpu.memory_space<vmem>>
      %dma_wait3A_603 = arith.constant 0 : i32
      %dma_wait3A_604 = arith.constant 0 : i32
      %dma_wait3A_605 = tpu.memref_slice %arg3[%dma_wait3A_603, %dma_wait3A_604] : memref<2359296x8xf32, #tpu.memory_space<hbm>> -> memref<2359296x8xf32, #tpu.memory_space<hbm>>
      tpu.wait_indirect_dma semaphore(%arg16 : memref<!tpu.dma_semaphore, #tpu.memory_space<semaphore_mem>>) src(%dma_wait3A_605 : memref<2359296x8xf32, #tpu.memory_space<hbm>>) dst(%dma_wait3A_599 : memref<128x8xf32, #tpu.memory_space<vmem>>)
      %dma_wait3A_606 = arith.constant 8 : i32
      %dma_wait3A_607 = arith.constant 8 : i32
      %dma_wait3A_608 = arith.constant 0 : i32
      %dma_wait3A_609 = arith.constant 0 : i32
      %dma_wait3A_610 = tpu.memref_slice %arg14[%dma_wait3A_607, %dma_wait3A_608, %dma_wait3A_609] : memref<16x128x8xf32, #tpu.memory_space<vmem>> -> memref<1x128x8xf32, #tpu.memory_space<vmem>>
      %dma_wait3A_611 = tpu.memref_squeeze %dma_wait3A_610 : memref<1x128x8xf32, #tpu.memory_space<vmem>> -> memref<128x8xf32, #tpu.memory_space<vmem>>
      %dma_wait3A_612 = arith.constant 0 : i32
      %dma_wait3A_613 = tpu.memref_slice %arg7[%dma_wait3A_606, %dma_wait3A_612] : memref<16x128xi32, #tpu.memory_space<vmem>> -> memref<1x128xi32, #tpu.memory_space<vmem>>
      %dma_wait3A_614 = tpu.memref_squeeze %dma_wait3A_613 : memref<1x128xi32, #tpu.memory_space<vmem>> -> memref<128xi32, #tpu.memory_space<vmem>>
      %dma_wait3A_615 = arith.constant 0 : i32
      %dma_wait3A_616 = arith.constant 0 : i32
      %dma_wait3A_617 = tpu.memref_slice %arg3[%dma_wait3A_615, %dma_wait3A_616] : memref<2359296x8xf32, #tpu.memory_space<hbm>> -> memref<2359296x8xf32, #tpu.memory_space<hbm>>
      tpu.wait_indirect_dma semaphore(%arg16 : memref<!tpu.dma_semaphore, #tpu.memory_space<semaphore_mem>>) src(%dma_wait3A_617 : memref<2359296x8xf32, #tpu.memory_space<hbm>>) dst(%dma_wait3A_611 : memref<128x8xf32, #tpu.memory_space<vmem>>)
      %dma_wait3A_618 = arith.constant 9 : i32
      %dma_wait3A_619 = arith.constant 9 : i32
      %dma_wait3A_620 = arith.constant 0 : i32
      %dma_wait3A_621 = arith.constant 0 : i32
      %dma_wait3A_622 = tpu.memref_slice %arg13[%dma_wait3A_619, %dma_wait3A_620, %dma_wait3A_621] : memref<16x128x8xf32, #tpu.memory_space<vmem>> -> memref<1x128x8xf32, #tpu.memory_space<vmem>>
      %dma_wait3A_623 = tpu.memref_squeeze %dma_wait3A_622 : memref<1x128x8xf32, #tpu.memory_space<vmem>> -> memref<128x8xf32, #tpu.memory_space<vmem>>
      %dma_wait3A_624 = arith.constant 0 : i32
      %dma_wait3A_625 = tpu.memref_slice %arg6[%dma_wait3A_618, %dma_wait3A_624] : memref<16x128xi32, #tpu.memory_space<vmem>> -> memref<1x128xi32, #tpu.memory_space<vmem>>
      %dma_wait3A_626 = tpu.memref_squeeze %dma_wait3A_625 : memref<1x128xi32, #tpu.memory_space<vmem>> -> memref<128xi32, #tpu.memory_space<vmem>>
      %dma_wait3A_627 = arith.constant 0 : i32
      %dma_wait3A_628 = arith.constant 0 : i32
      %dma_wait3A_629 = tpu.memref_slice %arg3[%dma_wait3A_627, %dma_wait3A_628] : memref<2359296x8xf32, #tpu.memory_space<hbm>> -> memref<2359296x8xf32, #tpu.memory_space<hbm>>
      tpu.wait_indirect_dma semaphore(%arg16 : memref<!tpu.dma_semaphore, #tpu.memory_space<semaphore_mem>>) src(%dma_wait3A_629 : memref<2359296x8xf32, #tpu.memory_space<hbm>>) dst(%dma_wait3A_623 : memref<128x8xf32, #tpu.memory_space<vmem>>)
      %dma_wait3A_630 = arith.constant 9 : i32
      %dma_wait3A_631 = arith.constant 9 : i32
      %dma_wait3A_632 = arith.constant 0 : i32
      %dma_wait3A_633 = arith.constant 0 : i32
      %dma_wait3A_634 = tpu.memref_slice %arg14[%dma_wait3A_631, %dma_wait3A_632, %dma_wait3A_633] : memref<16x128x8xf32, #tpu.memory_space<vmem>> -> memref<1x128x8xf32, #tpu.memory_space<vmem>>
      %dma_wait3A_635 = tpu.memref_squeeze %dma_wait3A_634 : memref<1x128x8xf32, #tpu.memory_space<vmem>> -> memref<128x8xf32, #tpu.memory_space<vmem>>
      %dma_wait3A_636 = arith.constant 0 : i32
      %dma_wait3A_637 = tpu.memref_slice %arg7[%dma_wait3A_630, %dma_wait3A_636] : memref<16x128xi32, #tpu.memory_space<vmem>> -> memref<1x128xi32, #tpu.memory_space<vmem>>
      %dma_wait3A_638 = tpu.memref_squeeze %dma_wait3A_637 : memref<1x128xi32, #tpu.memory_space<vmem>> -> memref<128xi32, #tpu.memory_space<vmem>>
      %dma_wait3A_639 = arith.constant 0 : i32
      %dma_wait3A_640 = arith.constant 0 : i32
      %dma_wait3A_641 = tpu.memref_slice %arg3[%dma_wait3A_639, %dma_wait3A_640] : memref<2359296x8xf32, #tpu.memory_space<hbm>> -> memref<2359296x8xf32, #tpu.memory_space<hbm>>
      tpu.wait_indirect_dma semaphore(%arg16 : memref<!tpu.dma_semaphore, #tpu.memory_space<semaphore_mem>>) src(%dma_wait3A_641 : memref<2359296x8xf32, #tpu.memory_space<hbm>>) dst(%dma_wait3A_635 : memref<128x8xf32, #tpu.memory_space<vmem>>)
      %dma_wait3A_642 = arith.constant 10 : i32
      %dma_wait3A_643 = arith.constant 10 : i32
      %dma_wait3A_644 = arith.constant 0 : i32
      %dma_wait3A_645 = arith.constant 0 : i32
      %dma_wait3A_646 = tpu.memref_slice %arg13[%dma_wait3A_643, %dma_wait3A_644, %dma_wait3A_645] : memref<16x128x8xf32, #tpu.memory_space<vmem>> -> memref<1x128x8xf32, #tpu.memory_space<vmem>>
      %dma_wait3A_647 = tpu.memref_squeeze %dma_wait3A_646 : memref<1x128x8xf32, #tpu.memory_space<vmem>> -> memref<128x8xf32, #tpu.memory_space<vmem>>
      %dma_wait3A_648 = arith.constant 0 : i32
      %dma_wait3A_649 = tpu.memref_slice %arg6[%dma_wait3A_642, %dma_wait3A_648] : memref<16x128xi32, #tpu.memory_space<vmem>> -> memref<1x128xi32, #tpu.memory_space<vmem>>
      %dma_wait3A_650 = tpu.memref_squeeze %dma_wait3A_649 : memref<1x128xi32, #tpu.memory_space<vmem>> -> memref<128xi32, #tpu.memory_space<vmem>>
      %dma_wait3A_651 = arith.constant 0 : i32
      %dma_wait3A_652 = arith.constant 0 : i32
      %dma_wait3A_653 = tpu.memref_slice %arg3[%dma_wait3A_651, %dma_wait3A_652] : memref<2359296x8xf32, #tpu.memory_space<hbm>> -> memref<2359296x8xf32, #tpu.memory_space<hbm>>
      tpu.wait_indirect_dma semaphore(%arg16 : memref<!tpu.dma_semaphore, #tpu.memory_space<semaphore_mem>>) src(%dma_wait3A_653 : memref<2359296x8xf32, #tpu.memory_space<hbm>>) dst(%dma_wait3A_647 : memref<128x8xf32, #tpu.memory_space<vmem>>)
      %dma_wait3A_654 = arith.constant 10 : i32
      %dma_wait3A_655 = arith.constant 10 : i32
      %dma_wait3A_656 = arith.constant 0 : i32
      %dma_wait3A_657 = arith.constant 0 : i32
      %dma_wait3A_658 = tpu.memref_slice %arg14[%dma_wait3A_655, %dma_wait3A_656, %dma_wait3A_657] : memref<16x128x8xf32, #tpu.memory_space<vmem>> -> memref<1x128x8xf32, #tpu.memory_space<vmem>>
      %dma_wait3A_659 = tpu.memref_squeeze %dma_wait3A_658 : memref<1x128x8xf32, #tpu.memory_space<vmem>> -> memref<128x8xf32, #tpu.memory_space<vmem>>
      %dma_wait3A_660 = arith.constant 0 : i32
      %dma_wait3A_661 = tpu.memref_slice %arg7[%dma_wait3A_654, %dma_wait3A_660] : memref<16x128xi32, #tpu.memory_space<vmem>> -> memref<1x128xi32, #tpu.memory_space<vmem>>
      %dma_wait3A_662 = tpu.memref_squeeze %dma_wait3A_661 : memref<1x128xi32, #tpu.memory_space<vmem>> -> memref<128xi32, #tpu.memory_space<vmem>>
      %dma_wait3A_663 = arith.constant 0 : i32
      %dma_wait3A_664 = arith.constant 0 : i32
      %dma_wait3A_665 = tpu.memref_slice %arg3[%dma_wait3A_663, %dma_wait3A_664] : memref<2359296x8xf32, #tpu.memory_space<hbm>> -> memref<2359296x8xf32, #tpu.memory_space<hbm>>
      tpu.wait_indirect_dma semaphore(%arg16 : memref<!tpu.dma_semaphore, #tpu.memory_space<semaphore_mem>>) src(%dma_wait3A_665 : memref<2359296x8xf32, #tpu.memory_space<hbm>>) dst(%dma_wait3A_659 : memref<128x8xf32, #tpu.memory_space<vmem>>)
      %dma_wait3A_666 = arith.constant 11 : i32
      %dma_wait3A_667 = arith.constant 11 : i32
      %dma_wait3A_668 = arith.constant 0 : i32
      %dma_wait3A_669 = arith.constant 0 : i32
      %dma_wait3A_670 = tpu.memref_slice %arg13[%dma_wait3A_667, %dma_wait3A_668, %dma_wait3A_669] : memref<16x128x8xf32, #tpu.memory_space<vmem>> -> memref<1x128x8xf32, #tpu.memory_space<vmem>>
      %dma_wait3A_671 = tpu.memref_squeeze %dma_wait3A_670 : memref<1x128x8xf32, #tpu.memory_space<vmem>> -> memref<128x8xf32, #tpu.memory_space<vmem>>
      %dma_wait3A_672 = arith.constant 0 : i32
      %dma_wait3A_673 = tpu.memref_slice %arg6[%dma_wait3A_666, %dma_wait3A_672] : memref<16x128xi32, #tpu.memory_space<vmem>> -> memref<1x128xi32, #tpu.memory_space<vmem>>
      %dma_wait3A_674 = tpu.memref_squeeze %dma_wait3A_673 : memref<1x128xi32, #tpu.memory_space<vmem>> -> memref<128xi32, #tpu.memory_space<vmem>>
      %dma_wait3A_675 = arith.constant 0 : i32
      %dma_wait3A_676 = arith.constant 0 : i32
      %dma_wait3A_677 = tpu.memref_slice %arg3[%dma_wait3A_675, %dma_wait3A_676] : memref<2359296x8xf32, #tpu.memory_space<hbm>> -> memref<2359296x8xf32, #tpu.memory_space<hbm>>
      tpu.wait_indirect_dma semaphore(%arg16 : memref<!tpu.dma_semaphore, #tpu.memory_space<semaphore_mem>>) src(%dma_wait3A_677 : memref<2359296x8xf32, #tpu.memory_space<hbm>>) dst(%dma_wait3A_671 : memref<128x8xf32, #tpu.memory_space<vmem>>)
      %dma_wait3A_678 = arith.constant 11 : i32
      %dma_wait3A_679 = arith.constant 11 : i32
      %dma_wait3A_680 = arith.constant 0 : i32
      %dma_wait3A_681 = arith.constant 0 : i32
      %dma_wait3A_682 = tpu.memref_slice %arg14[%dma_wait3A_679, %dma_wait3A_680, %dma_wait3A_681] : memref<16x128x8xf32, #tpu.memory_space<vmem>> -> memref<1x128x8xf32, #tpu.memory_space<vmem>>
      %dma_wait3A_683 = tpu.memref_squeeze %dma_wait3A_682 : memref<1x128x8xf32, #tpu.memory_space<vmem>> -> memref<128x8xf32, #tpu.memory_space<vmem>>
      %dma_wait3A_684 = arith.constant 0 : i32
      %dma_wait3A_685 = tpu.memref_slice %arg7[%dma_wait3A_678, %dma_wait3A_684] : memref<16x128xi32, #tpu.memory_space<vmem>> -> memref<1x128xi32, #tpu.memory_space<vmem>>
      %dma_wait3A_686 = tpu.memref_squeeze %dma_wait3A_685 : memref<1x128xi32, #tpu.memory_space<vmem>> -> memref<128xi32, #tpu.memory_space<vmem>>
      %dma_wait3A_687 = arith.constant 0 : i32
      %dma_wait3A_688 = arith.constant 0 : i32
      %dma_wait3A_689 = tpu.memref_slice %arg3[%dma_wait3A_687, %dma_wait3A_688] : memref<2359296x8xf32, #tpu.memory_space<hbm>> -> memref<2359296x8xf32, #tpu.memory_space<hbm>>
      tpu.wait_indirect_dma semaphore(%arg16 : memref<!tpu.dma_semaphore, #tpu.memory_space<semaphore_mem>>) src(%dma_wait3A_689 : memref<2359296x8xf32, #tpu.memory_space<hbm>>) dst(%dma_wait3A_683 : memref<128x8xf32, #tpu.memory_space<vmem>>)
      %dma_wait3A_690 = arith.constant 12 : i32
      %dma_wait3A_691 = arith.constant 12 : i32
      %dma_wait3A_692 = arith.constant 0 : i32
      %dma_wait3A_693 = arith.constant 0 : i32
      %dma_wait3A_694 = tpu.memref_slice %arg13[%dma_wait3A_691, %dma_wait3A_692, %dma_wait3A_693] : memref<16x128x8xf32, #tpu.memory_space<vmem>> -> memref<1x128x8xf32, #tpu.memory_space<vmem>>
      %dma_wait3A_695 = tpu.memref_squeeze %dma_wait3A_694 : memref<1x128x8xf32, #tpu.memory_space<vmem>> -> memref<128x8xf32, #tpu.memory_space<vmem>>
      %dma_wait3A_696 = arith.constant 0 : i32
      %dma_wait3A_697 = tpu.memref_slice %arg6[%dma_wait3A_690, %dma_wait3A_696] : memref<16x128xi32, #tpu.memory_space<vmem>> -> memref<1x128xi32, #tpu.memory_space<vmem>>
      %dma_wait3A_698 = tpu.memref_squeeze %dma_wait3A_697 : memref<1x128xi32, #tpu.memory_space<vmem>> -> memref<128xi32, #tpu.memory_space<vmem>>
      %dma_wait3A_699 = arith.constant 0 : i32
      %dma_wait3A_700 = arith.constant 0 : i32
      %dma_wait3A_701 = tpu.memref_slice %arg3[%dma_wait3A_699, %dma_wait3A_700] : memref<2359296x8xf32, #tpu.memory_space<hbm>> -> memref<2359296x8xf32, #tpu.memory_space<hbm>>
      tpu.wait_indirect_dma semaphore(%arg16 : memref<!tpu.dma_semaphore, #tpu.memory_space<semaphore_mem>>) src(%dma_wait3A_701 : memref<2359296x8xf32, #tpu.memory_space<hbm>>) dst(%dma_wait3A_695 : memref<128x8xf32, #tpu.memory_space<vmem>>)
      %dma_wait3A_702 = arith.constant 12 : i32
      %dma_wait3A_703 = arith.constant 12 : i32
      %dma_wait3A_704 = arith.constant 0 : i32
      %dma_wait3A_705 = arith.constant 0 : i32
      %dma_wait3A_706 = tpu.memref_slice %arg14[%dma_wait3A_703, %dma_wait3A_704, %dma_wait3A_705] : memref<16x128x8xf32, #tpu.memory_space<vmem>> -> memref<1x128x8xf32, #tpu.memory_space<vmem>>
      %dma_wait3A_707 = tpu.memref_squeeze %dma_wait3A_706 : memref<1x128x8xf32, #tpu.memory_space<vmem>> -> memref<128x8xf32, #tpu.memory_space<vmem>>
      %dma_wait3A_708 = arith.constant 0 : i32
      %dma_wait3A_709 = tpu.memref_slice %arg7[%dma_wait3A_702, %dma_wait3A_708] : memref<16x128xi32, #tpu.memory_space<vmem>> -> memref<1x128xi32, #tpu.memory_space<vmem>>
      %dma_wait3A_710 = tpu.memref_squeeze %dma_wait3A_709 : memref<1x128xi32, #tpu.memory_space<vmem>> -> memref<128xi32, #tpu.memory_space<vmem>>
      %dma_wait3A_711 = arith.constant 0 : i32
      %dma_wait3A_712 = arith.constant 0 : i32
      %dma_wait3A_713 = tpu.memref_slice %arg3[%dma_wait3A_711, %dma_wait3A_712] : memref<2359296x8xf32, #tpu.memory_space<hbm>> -> memref<2359296x8xf32, #tpu.memory_space<hbm>>
      tpu.wait_indirect_dma semaphore(%arg16 : memref<!tpu.dma_semaphore, #tpu.memory_space<semaphore_mem>>) src(%dma_wait3A_713 : memref<2359296x8xf32, #tpu.memory_space<hbm>>) dst(%dma_wait3A_707 : memref<128x8xf32, #tpu.memory_space<vmem>>)
      %dma_wait3A_714 = arith.constant 13 : i32
      %dma_wait3A_715 = arith.constant 13 : i32
      %dma_wait3A_716 = arith.constant 0 : i32
      %dma_wait3A_717 = arith.constant 0 : i32
      %dma_wait3A_718 = tpu.memref_slice %arg13[%dma_wait3A_715, %dma_wait3A_716, %dma_wait3A_717] : memref<16x128x8xf32, #tpu.memory_space<vmem>> -> memref<1x128x8xf32, #tpu.memory_space<vmem>>
      %dma_wait3A_719 = tpu.memref_squeeze %dma_wait3A_718 : memref<1x128x8xf32, #tpu.memory_space<vmem>> -> memref<128x8xf32, #tpu.memory_space<vmem>>
      %dma_wait3A_720 = arith.constant 0 : i32
      %dma_wait3A_721 = tpu.memref_slice %arg6[%dma_wait3A_714, %dma_wait3A_720] : memref<16x128xi32, #tpu.memory_space<vmem>> -> memref<1x128xi32, #tpu.memory_space<vmem>>
      %dma_wait3A_722 = tpu.memref_squeeze %dma_wait3A_721 : memref<1x128xi32, #tpu.memory_space<vmem>> -> memref<128xi32, #tpu.memory_space<vmem>>
      %dma_wait3A_723 = arith.constant 0 : i32
      %dma_wait3A_724 = arith.constant 0 : i32
      %dma_wait3A_725 = tpu.memref_slice %arg3[%dma_wait3A_723, %dma_wait3A_724] : memref<2359296x8xf32, #tpu.memory_space<hbm>> -> memref<2359296x8xf32, #tpu.memory_space<hbm>>
      tpu.wait_indirect_dma semaphore(%arg16 : memref<!tpu.dma_semaphore, #tpu.memory_space<semaphore_mem>>) src(%dma_wait3A_725 : memref<2359296x8xf32, #tpu.memory_space<hbm>>) dst(%dma_wait3A_719 : memref<128x8xf32, #tpu.memory_space<vmem>>)
      %dma_wait3A_726 = arith.constant 13 : i32
      %dma_wait3A_727 = arith.constant 13 : i32
      %dma_wait3A_728 = arith.constant 0 : i32
      %dma_wait3A_729 = arith.constant 0 : i32
      %dma_wait3A_730 = tpu.memref_slice %arg14[%dma_wait3A_727, %dma_wait3A_728, %dma_wait3A_729] : memref<16x128x8xf32, #tpu.memory_space<vmem>> -> memref<1x128x8xf32, #tpu.memory_space<vmem>>
      %dma_wait3A_731 = tpu.memref_squeeze %dma_wait3A_730 : memref<1x128x8xf32, #tpu.memory_space<vmem>> -> memref<128x8xf32, #tpu.memory_space<vmem>>
      %dma_wait3A_732 = arith.constant 0 : i32
      %dma_wait3A_733 = tpu.memref_slice %arg7[%dma_wait3A_726, %dma_wait3A_732] : memref<16x128xi32, #tpu.memory_space<vmem>> -> memref<1x128xi32, #tpu.memory_space<vmem>>
      %dma_wait3A_734 = tpu.memref_squeeze %dma_wait3A_733 : memref<1x128xi32, #tpu.memory_space<vmem>> -> memref<128xi32, #tpu.memory_space<vmem>>
      %dma_wait3A_735 = arith.constant 0 : i32
      %dma_wait3A_736 = arith.constant 0 : i32
      %dma_wait3A_737 = tpu.memref_slice %arg3[%dma_wait3A_735, %dma_wait3A_736] : memref<2359296x8xf32, #tpu.memory_space<hbm>> -> memref<2359296x8xf32, #tpu.memory_space<hbm>>
      tpu.wait_indirect_dma semaphore(%arg16 : memref<!tpu.dma_semaphore, #tpu.memory_space<semaphore_mem>>) src(%dma_wait3A_737 : memref<2359296x8xf32, #tpu.memory_space<hbm>>) dst(%dma_wait3A_731 : memref<128x8xf32, #tpu.memory_space<vmem>>)
      %dma_wait3A_738 = arith.constant 14 : i32
      %dma_wait3A_739 = arith.constant 14 : i32
      %dma_wait3A_740 = arith.constant 0 : i32
      %dma_wait3A_741 = arith.constant 0 : i32
      %dma_wait3A_742 = tpu.memref_slice %arg13[%dma_wait3A_739, %dma_wait3A_740, %dma_wait3A_741] : memref<16x128x8xf32, #tpu.memory_space<vmem>> -> memref<1x128x8xf32, #tpu.memory_space<vmem>>
      %dma_wait3A_743 = tpu.memref_squeeze %dma_wait3A_742 : memref<1x128x8xf32, #tpu.memory_space<vmem>> -> memref<128x8xf32, #tpu.memory_space<vmem>>
      %dma_wait3A_744 = arith.constant 0 : i32
      %dma_wait3A_745 = tpu.memref_slice %arg6[%dma_wait3A_738, %dma_wait3A_744] : memref<16x128xi32, #tpu.memory_space<vmem>> -> memref<1x128xi32, #tpu.memory_space<vmem>>
      %dma_wait3A_746 = tpu.memref_squeeze %dma_wait3A_745 : memref<1x128xi32, #tpu.memory_space<vmem>> -> memref<128xi32, #tpu.memory_space<vmem>>
      %dma_wait3A_747 = arith.constant 0 : i32
      %dma_wait3A_748 = arith.constant 0 : i32
      %dma_wait3A_749 = tpu.memref_slice %arg3[%dma_wait3A_747, %dma_wait3A_748] : memref<2359296x8xf32, #tpu.memory_space<hbm>> -> memref<2359296x8xf32, #tpu.memory_space<hbm>>
      tpu.wait_indirect_dma semaphore(%arg16 : memref<!tpu.dma_semaphore, #tpu.memory_space<semaphore_mem>>) src(%dma_wait3A_749 : memref<2359296x8xf32, #tpu.memory_space<hbm>>) dst(%dma_wait3A_743 : memref<128x8xf32, #tpu.memory_space<vmem>>)
      %dma_wait3A_750 = arith.constant 14 : i32
      %dma_wait3A_751 = arith.constant 14 : i32
      %dma_wait3A_752 = arith.constant 0 : i32
      %dma_wait3A_753 = arith.constant 0 : i32
      %dma_wait3A_754 = tpu.memref_slice %arg14[%dma_wait3A_751, %dma_wait3A_752, %dma_wait3A_753] : memref<16x128x8xf32, #tpu.memory_space<vmem>> -> memref<1x128x8xf32, #tpu.memory_space<vmem>>
      %dma_wait3A_755 = tpu.memref_squeeze %dma_wait3A_754 : memref<1x128x8xf32, #tpu.memory_space<vmem>> -> memref<128x8xf32, #tpu.memory_space<vmem>>
      %dma_wait3A_756 = arith.constant 0 : i32
      %dma_wait3A_757 = tpu.memref_slice %arg7[%dma_wait3A_750, %dma_wait3A_756] : memref<16x128xi32, #tpu.memory_space<vmem>> -> memref<1x128xi32, #tpu.memory_space<vmem>>
      %dma_wait3A_758 = tpu.memref_squeeze %dma_wait3A_757 : memref<1x128xi32, #tpu.memory_space<vmem>> -> memref<128xi32, #tpu.memory_space<vmem>>
      %dma_wait3A_759 = arith.constant 0 : i32
      %dma_wait3A_760 = arith.constant 0 : i32
      %dma_wait3A_761 = tpu.memref_slice %arg3[%dma_wait3A_759, %dma_wait3A_760] : memref<2359296x8xf32, #tpu.memory_space<hbm>> -> memref<2359296x8xf32, #tpu.memory_space<hbm>>
      tpu.wait_indirect_dma semaphore(%arg16 : memref<!tpu.dma_semaphore, #tpu.memory_space<semaphore_mem>>) src(%dma_wait3A_761 : memref<2359296x8xf32, #tpu.memory_space<hbm>>) dst(%dma_wait3A_755 : memref<128x8xf32, #tpu.memory_space<vmem>>)
      %dma_wait3A_762 = arith.constant 15 : i32
      %dma_wait3A_763 = arith.constant 15 : i32
      %dma_wait3A_764 = arith.constant 0 : i32
      %dma_wait3A_765 = arith.constant 0 : i32
      %dma_wait3A_766 = tpu.memref_slice %arg13[%dma_wait3A_763, %dma_wait3A_764, %dma_wait3A_765] : memref<16x128x8xf32, #tpu.memory_space<vmem>> -> memref<1x128x8xf32, #tpu.memory_space<vmem>>
      %dma_wait3A_767 = tpu.memref_squeeze %dma_wait3A_766 : memref<1x128x8xf32, #tpu.memory_space<vmem>> -> memref<128x8xf32, #tpu.memory_space<vmem>>
      %dma_wait3A_768 = arith.constant 0 : i32
      %dma_wait3A_769 = tpu.memref_slice %arg6[%dma_wait3A_762, %dma_wait3A_768] : memref<16x128xi32, #tpu.memory_space<vmem>> -> memref<1x128xi32, #tpu.memory_space<vmem>>
      %dma_wait3A_770 = tpu.memref_squeeze %dma_wait3A_769 : memref<1x128xi32, #tpu.memory_space<vmem>> -> memref<128xi32, #tpu.memory_space<vmem>>
      %dma_wait3A_771 = arith.constant 0 : i32
      %dma_wait3A_772 = arith.constant 0 : i32
      %dma_wait3A_773 = tpu.memref_slice %arg3[%dma_wait3A_771, %dma_wait3A_772] : memref<2359296x8xf32, #tpu.memory_space<hbm>> -> memref<2359296x8xf32, #tpu.memory_space<hbm>>
      tpu.wait_indirect_dma semaphore(%arg16 : memref<!tpu.dma_semaphore, #tpu.memory_space<semaphore_mem>>) src(%dma_wait3A_773 : memref<2359296x8xf32, #tpu.memory_space<hbm>>) dst(%dma_wait3A_767 : memref<128x8xf32, #tpu.memory_space<vmem>>)
      %dma_wait3A_774 = arith.constant 15 : i32
      %dma_wait3A_775 = arith.constant 15 : i32
      %dma_wait3A_776 = arith.constant 0 : i32
      %dma_wait3A_777 = arith.constant 0 : i32
      %dma_wait3A_778 = tpu.memref_slice %arg14[%dma_wait3A_775, %dma_wait3A_776, %dma_wait3A_777] : memref<16x128x8xf32, #tpu.memory_space<vmem>> -> memref<1x128x8xf32, #tpu.memory_space<vmem>>
      %dma_wait3A_779 = tpu.memref_squeeze %dma_wait3A_778 : memref<1x128x8xf32, #tpu.memory_space<vmem>> -> memref<128x8xf32, #tpu.memory_space<vmem>>
      %dma_wait3A_780 = arith.constant 0 : i32
      %dma_wait3A_781 = tpu.memref_slice %arg7[%dma_wait3A_774, %dma_wait3A_780] : memref<16x128xi32, #tpu.memory_space<vmem>> -> memref<1x128xi32, #tpu.memory_space<vmem>>
      %dma_wait3A_782 = tpu.memref_squeeze %dma_wait3A_781 : memref<1x128xi32, #tpu.memory_space<vmem>> -> memref<128xi32, #tpu.memory_space<vmem>>
      %dma_wait3A_783 = arith.constant 0 : i32
      %dma_wait3A_784 = arith.constant 0 : i32
      %dma_wait3A_785 = tpu.memref_slice %arg3[%dma_wait3A_783, %dma_wait3A_784] : memref<2359296x8xf32, #tpu.memory_space<hbm>> -> memref<2359296x8xf32, #tpu.memory_space<hbm>>
      tpu.wait_indirect_dma semaphore(%arg16 : memref<!tpu.dma_semaphore, #tpu.memory_space<semaphore_mem>>) src(%dma_wait3A_785 : memref<2359296x8xf32, #tpu.memory_space<hbm>>) dst(%dma_wait3A_779 : memref<128x8xf32, #tpu.memory_space<vmem>>)
      %scan3A_786 = arith.constant 0 : i32
      %scan3A_787 = arith.constant 0 : i32
      %scan3A_788 = arith.constant 24 : i32
      %scan3A_789 = arith.addi %scan3A_787, %scan3A_788 : i32
      %scan3A_790 = arith.constant 1 : i32
      scf.for %scan3A_794 = %scan3A_787 to %scan3A_789 step %scan3A_790  : i32 {
        %mul3A_795 = arith.constant 2 : i32
        %mul3A_796 = arith.muli %scan3A_794, %mul3A_795 : i32
        %mul3A_797 = arith.constant 64 : i32
        %mul3A_798 = arith.muli %mul3A_796, %mul3A_797 : i32
        %add3A_799 = arith.constant 0 : i32
        %add3A_800 = arith.addi %mul3A_798, %add3A_799 : i32
        %add3A_801 = vector.broadcast %add3A_800 : i32 to vector<16xi32>
        %add3A_802 = arith.addi %iota3A, %add3A_801 : vector<16xi32>
        %mul3A_803 = arith.constant 21846 : i32
        %mul3A_804 = vector.broadcast %mul3A_803 : i32 to vector<16xi32>
        %mul3A_805 = arith.muli %add3A_802, %mul3A_804 : vector<16xi32>
        %shift_right_logical3A = arith.constant 16 : i32
        %shift_right_logical3A_806 = vector.broadcast %shift_right_logical3A : i32 to vector<16xi32>
        %shift_right_logical3A_807 = arith.shrui %mul3A_805, %shift_right_logical3A_806 : vector<16xi32>
        %shift_right_logical3A_808 = arith.constant 6 : i32
        %shift_right_logical3A_809 = vector.broadcast %shift_right_logical3A_808 : i32 to vector<16xi32>
        %shift_right_logical3A_810 = arith.shrui %shift_right_logical3A_807, %shift_right_logical3A_809 : vector<16xi32>
        %and3A = arith.constant 63 : i32
        %and3A_811 = vector.broadcast %and3A : i32 to vector<16xi32>
        %and3A_812 = arith.andi %shift_right_logical3A_807, %and3A_811 : vector<16xi32>
        %mul3A_813 = arith.constant 2 : i32
        %mul3A_814 = vector.broadcast %mul3A_813 : i32 to vector<16xi32>
        %mul3A_815 = arith.muli %and3A_812, %mul3A_814 : vector<16xi32>
        %mul3A_816 = arith.constant 3 : i32
        %mul3A_817 = vector.broadcast %mul3A_816 : i32 to vector<16xi32>
        %mul3A_818 = arith.muli %shift_right_logical3A_807, %mul3A_817 : vector<16xi32>
        %sub3A = arith.subi %add3A_802, %mul3A_818 : vector<16xi32>
        %gather3A = tpu.vector_load_idx %arg11[%shift_right_logical3A_807] : memref<1024xf32, #tpu.memory_space<vmem>>[vector<16xi32>], vector<16xf32>,
        %gather3A_819 = tpu.vector_load_idx %arg12[%shift_right_logical3A_807] : memref<1024xf32, #tpu.memory_space<vmem>>[vector<16xi32>], vector<16xf32>,
        %gather3A_820 = tpu.vector_load_idx %arg8[%shift_right_logical3A_807] : memref<1024xi32, #tpu.memory_space<vmem>>[vector<16xi32>], vector<16xi32>,
        %add3A_821 = arith.addi %gather3A_820, %sub3A : vector<16xi32>
        %gather3A_822 = tpu.vector_load_idx %arg9[%shift_right_logical3A_807] : memref<1024xi32, #tpu.memory_space<vmem>>[vector<16xi32>], vector<16xi32>,
        %add3A_823 = arith.addi %gather3A_822, %sub3A : vector<16xi32>
        %gather3A_824 = tpu.vector_load_idx %arg10[%shift_right_logical3A_807] : memref<1024xi32, #tpu.memory_space<vmem>>[vector<16xi32>], vector<16xi32>,
        %add3A_825 = arith.addi %add3A_821, %gather3A_824 : vector<16xi32>
        %add3A_826 = arith.addi %add3A_823, %gather3A_824 : vector<16xi32>
        %shift_right_logical3A_827 = arith.constant 3 : i32
        %shift_right_logical3A_828 = vector.broadcast %shift_right_logical3A_827 : i32 to vector<16xi32>
        %shift_right_logical3A_829 = arith.shrui %add3A_821, %shift_right_logical3A_828 : vector<16xi32>
        %add3A_830 = arith.addi %mul3A_815, %shift_right_logical3A_829 : vector<16xi32>
        %and3A_831 = arith.constant 7 : i32
        %and3A_832 = vector.broadcast %and3A_831 : i32 to vector<16xi32>
        %and3A_833 = arith.andi %add3A_821, %and3A_832 : vector<16xi32>
        %gather3A_834 = tpu.vector_load_idx %arg13[%shift_right_logical3A_810, %add3A_830, %and3A_833] : memref<16x128x8xf32, #tpu.memory_space<vmem>>[vector<16xi32>, vector<16xi32>, vector<16xi32>], vector<16xf32>,
        %shift_right_logical3A_835 = arith.constant 3 : i32
        %shift_right_logical3A_836 = vector.broadcast %shift_right_logical3A_835 : i32 to vector<16xi32>
        %shift_right_logical3A_837 = arith.shrui %add3A_825, %shift_right_logical3A_836 : vector<16xi32>
        %add3A_838 = arith.addi %mul3A_815, %shift_right_logical3A_837 : vector<16xi32>
        %and3A_839 = arith.constant 7 : i32
        %and3A_840 = vector.broadcast %and3A_839 : i32 to vector<16xi32>
        %and3A_841 = arith.andi %add3A_825, %and3A_840 : vector<16xi32>
        %gather3A_842 = tpu.vector_load_idx %arg13[%shift_right_logical3A_810, %add3A_838, %and3A_841] : memref<16x128x8xf32, #tpu.memory_space<vmem>>[vector<16xi32>, vector<16xi32>, vector<16xi32>], vector<16xf32>,
        %shift_right_logical3A_843 = arith.constant 3 : i32
        %shift_right_logical3A_844 = vector.broadcast %shift_right_logical3A_843 : i32 to vector<16xi32>
        %shift_right_logical3A_845 = arith.shrui %add3A_823, %shift_right_logical3A_844 : vector<16xi32>
        %add3A_846 = arith.addi %mul3A_815, %shift_right_logical3A_845 : vector<16xi32>
        %and3A_847 = arith.constant 7 : i32
        %and3A_848 = vector.broadcast %and3A_847 : i32 to vector<16xi32>
        %and3A_849 = arith.andi %add3A_823, %and3A_848 : vector<16xi32>
        %gather3A_850 = tpu.vector_load_idx %arg14[%shift_right_logical3A_810, %add3A_846, %and3A_849] : memref<16x128x8xf32, #tpu.memory_space<vmem>>[vector<16xi32>, vector<16xi32>, vector<16xi32>], vector<16xf32>,
        %shift_right_logical3A_851 = arith.constant 3 : i32
        %shift_right_logical3A_852 = vector.broadcast %shift_right_logical3A_851 : i32 to vector<16xi32>
        %shift_right_logical3A_853 = arith.shrui %add3A_826, %shift_right_logical3A_852 : vector<16xi32>
        %add3A_854 = arith.addi %mul3A_815, %shift_right_logical3A_853 : vector<16xi32>
        %and3A_855 = arith.constant 7 : i32
        %and3A_856 = vector.broadcast %and3A_855 : i32 to vector<16xi32>
        %and3A_857 = arith.andi %add3A_826, %and3A_856 : vector<16xi32>
        %gather3A_858 = tpu.vector_load_idx %arg14[%shift_right_logical3A_810, %add3A_854, %and3A_857] : memref<16x128x8xf32, #tpu.memory_space<vmem>>[vector<16xi32>, vector<16xi32>, vector<16xi32>], vector<16xf32>,
        %sub3A_859 = arith.constant 1.000000e+00 : f32
        %sub3A_860 = vector.broadcast %sub3A_859 : f32 to vector<16xf32>
        %sub3A_861 = arith.subf %sub3A_860, %gather3A : vector<16xf32>
        %mul3A_862 = arith.mulf %sub3A_861, %gather3A_834 : vector<16xf32>
        %mul3A_863 = arith.mulf %gather3A, %gather3A_842 : vector<16xf32>
        %add3A_864 = arith.addf %mul3A_862, %mul3A_863 : vector<16xf32>
        %sub3A_865 = arith.constant 1.000000e+00 : f32
        %sub3A_866 = vector.broadcast %sub3A_865 : f32 to vector<16xf32>
        %sub3A_867 = arith.subf %sub3A_866, %gather3A : vector<16xf32>
        %mul3A_868 = arith.mulf %sub3A_867, %gather3A_850 : vector<16xf32>
        %mul3A_869 = arith.mulf %gather3A, %gather3A_858 : vector<16xf32>
        %add3A_870 = arith.addf %mul3A_868, %mul3A_869 : vector<16xf32>
        %sub3A_871 = arith.constant 1.000000e+00 : f32
        %sub3A_872 = vector.broadcast %sub3A_871 : f32 to vector<16xf32>
        %sub3A_873 = arith.subf %sub3A_872, %gather3A_819 : vector<16xf32>
        %mul3A_874 = arith.mulf %sub3A_873, %add3A_864 : vector<16xf32>
        %mul3A_875 = arith.mulf %gather3A_819, %add3A_870 : vector<16xf32>
        %add3A_876 = arith.addf %mul3A_874, %mul3A_875 : vector<16xf32>
        %swap3A = arith.index_cast %add3A_800 : i32 to index
        %swap3A_877 = tpu.vector_load %arg15[%swap3A] {strides = array<i32>} : memref<3072xf32, #tpu.memory_space<vmem>>, vector<16xf32>,
        tpu.vector_store %arg15[%swap3A], %add3A_876 {strides = array<i32>} : memref<3072xf32, #tpu.memory_space<vmem>>, vector<16xf32>,
        %mul3A_878 = arith.constant 2 : i32
        %mul3A_879 = arith.muli %scan3A_794, %mul3A_878 : i32
        %mul3A_880 = arith.constant 64 : i32
        %mul3A_881 = arith.muli %mul3A_879, %mul3A_880 : i32
        %add3A_882 = arith.constant 16 : i32
        %add3A_883 = arith.addi %mul3A_881, %add3A_882 : i32
        %add3A_884 = vector.broadcast %add3A_883 : i32 to vector<16xi32>
        %add3A_885 = arith.addi %iota3A, %add3A_884 : vector<16xi32>
        %mul3A_886 = arith.constant 21846 : i32
        %mul3A_887 = vector.broadcast %mul3A_886 : i32 to vector<16xi32>
        %mul3A_888 = arith.muli %add3A_885, %mul3A_887 : vector<16xi32>
        %shift_right_logical3A_889 = arith.constant 16 : i32
        %shift_right_logical3A_890 = vector.broadcast %shift_right_logical3A_889 : i32 to vector<16xi32>
        %shift_right_logical3A_891 = arith.shrui %mul3A_888, %shift_right_logical3A_890 : vector<16xi32>
        %shift_right_logical3A_892 = arith.constant 6 : i32
        %shift_right_logical3A_893 = vector.broadcast %shift_right_logical3A_892 : i32 to vector<16xi32>
        %shift_right_logical3A_894 = arith.shrui %shift_right_logical3A_891, %shift_right_logical3A_893 : vector<16xi32>
        %and3A_895 = arith.constant 63 : i32
        %and3A_896 = vector.broadcast %and3A_895 : i32 to vector<16xi32>
        %and3A_897 = arith.andi %shift_right_logical3A_891, %and3A_896 : vector<16xi32>
        %mul3A_898 = arith.constant 2 : i32
        %mul3A_899 = vector.broadcast %mul3A_898 : i32 to vector<16xi32>
        %mul3A_900 = arith.muli %and3A_897, %mul3A_899 : vector<16xi32>
        %mul3A_901 = arith.constant 3 : i32
        %mul3A_902 = vector.broadcast %mul3A_901 : i32 to vector<16xi32>
        %mul3A_903 = arith.muli %shift_right_logical3A_891, %mul3A_902 : vector<16xi32>
        %sub3A_904 = arith.subi %add3A_885, %mul3A_903 : vector<16xi32>
        %gather3A_905 = tpu.vector_load_idx %arg11[%shift_right_logical3A_891] : memref<1024xf32, #tpu.memory_space<vmem>>[vector<16xi32>], vector<16xf32>,
        %gather3A_906 = tpu.vector_load_idx %arg12[%shift_right_logical3A_891] : memref<1024xf32, #tpu.memory_space<vmem>>[vector<16xi32>], vector<16xf32>,
        %gather3A_907 = tpu.vector_load_idx %arg8[%shift_right_logical3A_891] : memref<1024xi32, #tpu.memory_space<vmem>>[vector<16xi32>], vector<16xi32>,
        %add3A_908 = arith.addi %gather3A_907, %sub3A_904 : vector<16xi32>
        %gather3A_909 = tpu.vector_load_idx %arg9[%shift_right_logical3A_891] : memref<1024xi32, #tpu.memory_space<vmem>>[vector<16xi32>], vector<16xi32>,
        %add3A_910 = arith.addi %gather3A_909, %sub3A_904 : vector<16xi32>
        %gather3A_911 = tpu.vector_load_idx %arg10[%shift_right_logical3A_891] : memref<1024xi32, #tpu.memory_space<vmem>>[vector<16xi32>], vector<16xi32>,
        %add3A_912 = arith.addi %add3A_908, %gather3A_911 : vector<16xi32>
        %add3A_913 = arith.addi %add3A_910, %gather3A_911 : vector<16xi32>
        %shift_right_logical3A_914 = arith.constant 3 : i32
        %shift_right_logical3A_915 = vector.broadcast %shift_right_logical3A_914 : i32 to vector<16xi32>
        %shift_right_logical3A_916 = arith.shrui %add3A_908, %shift_right_logical3A_915 : vector<16xi32>
        %add3A_917 = arith.addi %mul3A_900, %shift_right_logical3A_916 : vector<16xi32>
        %and3A_918 = arith.constant 7 : i32
        %and3A_919 = vector.broadcast %and3A_918 : i32 to vector<16xi32>
        %and3A_920 = arith.andi %add3A_908, %and3A_919 : vector<16xi32>
        %gather3A_921 = tpu.vector_load_idx %arg13[%shift_right_logical3A_894, %add3A_917, %and3A_920] : memref<16x128x8xf32, #tpu.memory_space<vmem>>[vector<16xi32>, vector<16xi32>, vector<16xi32>], vector<16xf32>,
        %shift_right_logical3A_922 = arith.constant 3 : i32
        %shift_right_logical3A_923 = vector.broadcast %shift_right_logical3A_922 : i32 to vector<16xi32>
        %shift_right_logical3A_924 = arith.shrui %add3A_912, %shift_right_logical3A_923 : vector<16xi32>
        %add3A_925 = arith.addi %mul3A_900, %shift_right_logical3A_924 : vector<16xi32>
        %and3A_926 = arith.constant 7 : i32
        %and3A_927 = vector.broadcast %and3A_926 : i32 to vector<16xi32>
        %and3A_928 = arith.andi %add3A_912, %and3A_927 : vector<16xi32>
        %gather3A_929 = tpu.vector_load_idx %arg13[%shift_right_logical3A_894, %add3A_925, %and3A_928] : memref<16x128x8xf32, #tpu.memory_space<vmem>>[vector<16xi32>, vector<16xi32>, vector<16xi32>], vector<16xf32>,
        %shift_right_logical3A_930 = arith.constant 3 : i32
        %shift_right_logical3A_931 = vector.broadcast %shift_right_logical3A_930 : i32 to vector<16xi32>
        %shift_right_logical3A_932 = arith.shrui %add3A_910, %shift_right_logical3A_931 : vector<16xi32>
        %add3A_933 = arith.addi %mul3A_900, %shift_right_logical3A_932 : vector<16xi32>
        %and3A_934 = arith.constant 7 : i32
        %and3A_935 = vector.broadcast %and3A_934 : i32 to vector<16xi32>
        %and3A_936 = arith.andi %add3A_910, %and3A_935 : vector<16xi32>
        %gather3A_937 = tpu.vector_load_idx %arg14[%shift_right_logical3A_894, %add3A_933, %and3A_936] : memref<16x128x8xf32, #tpu.memory_space<vmem>>[vector<16xi32>, vector<16xi32>, vector<16xi32>], vector<16xf32>,
        %shift_right_logical3A_938 = arith.constant 3 : i32
        %shift_right_logical3A_939 = vector.broadcast %shift_right_logical3A_938 : i32 to vector<16xi32>
        %shift_right_logical3A_940 = arith.shrui %add3A_913, %shift_right_logical3A_939 : vector<16xi32>
        %add3A_941 = arith.addi %mul3A_900, %shift_right_logical3A_940 : vector<16xi32>
        %and3A_942 = arith.constant 7 : i32
        %and3A_943 = vector.broadcast %and3A_942 : i32 to vector<16xi32>
        %and3A_944 = arith.andi %add3A_913, %and3A_943 : vector<16xi32>
        %gather3A_945 = tpu.vector_load_idx %arg14[%shift_right_logical3A_894, %add3A_941, %and3A_944] : memref<16x128x8xf32, #tpu.memory_space<vmem>>[vector<16xi32>, vector<16xi32>, vector<16xi32>], vector<16xf32>,
        %sub3A_946 = arith.constant 1.000000e+00 : f32
        %sub3A_947 = vector.broadcast %sub3A_946 : f32 to vector<16xf32>
        %sub3A_948 = arith.subf %sub3A_947, %gather3A_905 : vector<16xf32>
        %mul3A_949 = arith.mulf %sub3A_948, %gather3A_921 : vector<16xf32>
        %mul3A_950 = arith.mulf %gather3A_905, %gather3A_929 : vector<16xf32>
        %add3A_951 = arith.addf %mul3A_949, %mul3A_950 : vector<16xf32>
        %sub3A_952 = arith.constant 1.000000e+00 : f32
        %sub3A_953 = vector.broadcast %sub3A_952 : f32 to vector<16xf32>
        %sub3A_954 = arith.subf %sub3A_953, %gather3A_905 : vector<16xf32>
        %mul3A_955 = arith.mulf %sub3A_954, %gather3A_937 : vector<16xf32>
        %mul3A_956 = arith.mulf %gather3A_905, %gather3A_945 : vector<16xf32>
        %add3A_957 = arith.addf %mul3A_955, %mul3A_956 : vector<16xf32>
        %sub3A_958 = arith.constant 1.000000e+00 : f32
        %sub3A_959 = vector.broadcast %sub3A_958 : f32 to vector<16xf32>
        %sub3A_960 = arith.subf %sub3A_959, %gather3A_906 : vector<16xf32>
        %mul3A_961 = arith.mulf %sub3A_960, %add3A_951 : vector<16xf32>
        %mul3A_962 = arith.mulf %gather3A_906, %add3A_957 : vector<16xf32>
        %add3A_963 = arith.addf %mul3A_961, %mul3A_962 : vector<16xf32>
        %swap3A_964 = arith.index_cast %add3A_883 : i32 to index
        %swap3A_965 = tpu.vector_load %arg15[%swap3A_964] {strides = array<i32>} : memref<3072xf32, #tpu.memory_space<vmem>>, vector<16xf32>,
        tpu.vector_store %arg15[%swap3A_964], %add3A_963 {strides = array<i32>} : memref<3072xf32, #tpu.memory_space<vmem>>, vector<16xf32>,
        %mul3A_966 = arith.constant 2 : i32
        %mul3A_967 = arith.muli %scan3A_794, %mul3A_966 : i32
        %mul3A_968 = arith.constant 64 : i32
        %mul3A_969 = arith.muli %mul3A_967, %mul3A_968 : i32
        %add3A_970 = arith.constant 32 : i32
        %add3A_971 = arith.addi %mul3A_969, %add3A_970 : i32
        %add3A_972 = vector.broadcast %add3A_971 : i32 to vector<16xi32>
        %add3A_973 = arith.addi %iota3A, %add3A_972 : vector<16xi32>
        %mul3A_974 = arith.constant 21846 : i32
        %mul3A_975 = vector.broadcast %mul3A_974 : i32 to vector<16xi32>
        %mul3A_976 = arith.muli %add3A_973, %mul3A_975 : vector<16xi32>
        %shift_right_logical3A_977 = arith.constant 16 : i32
        %shift_right_logical3A_978 = vector.broadcast %shift_right_logical3A_977 : i32 to vector<16xi32>
        %shift_right_logical3A_979 = arith.shrui %mul3A_976, %shift_right_logical3A_978 : vector<16xi32>
        %shift_right_logical3A_980 = arith.constant 6 : i32
        %shift_right_logical3A_981 = vector.broadcast %shift_right_logical3A_980 : i32 to vector<16xi32>
        %shift_right_logical3A_982 = arith.shrui %shift_right_logical3A_979, %shift_right_logical3A_981 : vector<16xi32>
        %and3A_983 = arith.constant 63 : i32
        %and3A_984 = vector.broadcast %and3A_983 : i32 to vector<16xi32>
        %and3A_985 = arith.andi %shift_right_logical3A_979, %and3A_984 : vector<16xi32>
        %mul3A_986 = arith.constant 2 : i32
        %mul3A_987 = vector.broadcast %mul3A_986 : i32 to vector<16xi32>
        %mul3A_988 = arith.muli %and3A_985, %mul3A_987 : vector<16xi32>
        %mul3A_989 = arith.constant 3 : i32
        %mul3A_990 = vector.broadcast %mul3A_989 : i32 to vector<16xi32>
        %mul3A_991 = arith.muli %shift_right_logical3A_979, %mul3A_990 : vector<16xi32>
        %sub3A_992 = arith.subi %add3A_973, %mul3A_991 : vector<16xi32>
        %gather3A_993 = tpu.vector_load_idx %arg11[%shift_right_logical3A_979] : memref<1024xf32, #tpu.memory_space<vmem>>[vector<16xi32>], vector<16xf32>,
        %gather3A_994 = tpu.vector_load_idx %arg12[%shift_right_logical3A_979] : memref<1024xf32, #tpu.memory_space<vmem>>[vector<16xi32>], vector<16xf32>,
        %gather3A_995 = tpu.vector_load_idx %arg8[%shift_right_logical3A_979] : memref<1024xi32, #tpu.memory_space<vmem>>[vector<16xi32>], vector<16xi32>,
        %add3A_996 = arith.addi %gather3A_995, %sub3A_992 : vector<16xi32>
        %gather3A_997 = tpu.vector_load_idx %arg9[%shift_right_logical3A_979] : memref<1024xi32, #tpu.memory_space<vmem>>[vector<16xi32>], vector<16xi32>,
        %add3A_998 = arith.addi %gather3A_997, %sub3A_992 : vector<16xi32>
        %gather3A_999 = tpu.vector_load_idx %arg10[%shift_right_logical3A_979] : memref<1024xi32, #tpu.memory_space<vmem>>[vector<16xi32>], vector<16xi32>,
        %add3A_1000 = arith.addi %add3A_996, %gather3A_999 : vector<16xi32>
        %add3A_1001 = arith.addi %add3A_998, %gather3A_999 : vector<16xi32>
        %shift_right_logical3A_1002 = arith.constant 3 : i32
        %shift_right_logical3A_1003 = vector.broadcast %shift_right_logical3A_1002 : i32 to vector<16xi32>
        %shift_right_logical3A_1004 = arith.shrui %add3A_996, %shift_right_logical3A_1003 : vector<16xi32>
        %add3A_1005 = arith.addi %mul3A_988, %shift_right_logical3A_1004 : vector<16xi32>
        %and3A_1006 = arith.constant 7 : i32
        %and3A_1007 = vector.broadcast %and3A_1006 : i32 to vector<16xi32>
        %and3A_1008 = arith.andi %add3A_996, %and3A_1007 : vector<16xi32>
        %gather3A_1009 = tpu.vector_load_idx %arg13[%shift_right_logical3A_982, %add3A_1005, %and3A_1008] : memref<16x128x8xf32, #tpu.memory_space<vmem>>[vector<16xi32>, vector<16xi32>, vector<16xi32>], vector<16xf32>,
        %shift_right_logical3A_1010 = arith.constant 3 : i32
        %shift_right_logical3A_1011 = vector.broadcast %shift_right_logical3A_1010 : i32 to vector<16xi32>
        %shift_right_logical3A_1012 = arith.shrui %add3A_1000, %shift_right_logical3A_1011 : vector<16xi32>
        %add3A_1013 = arith.addi %mul3A_988, %shift_right_logical3A_1012 : vector<16xi32>
        %and3A_1014 = arith.constant 7 : i32
        %and3A_1015 = vector.broadcast %and3A_1014 : i32 to vector<16xi32>
        %and3A_1016 = arith.andi %add3A_1000, %and3A_1015 : vector<16xi32>
        %gather3A_1017 = tpu.vector_load_idx %arg13[%shift_right_logical3A_982, %add3A_1013, %and3A_1016] : memref<16x128x8xf32, #tpu.memory_space<vmem>>[vector<16xi32>, vector<16xi32>, vector<16xi32>], vector<16xf32>,
        %shift_right_logical3A_1018 = arith.constant 3 : i32
        %shift_right_logical3A_1019 = vector.broadcast %shift_right_logical3A_1018 : i32 to vector<16xi32>
        %shift_right_logical3A_1020 = arith.shrui %add3A_998, %shift_right_logical3A_1019 : vector<16xi32>
        %add3A_1021 = arith.addi %mul3A_988, %shift_right_logical3A_1020 : vector<16xi32>
        %and3A_1022 = arith.constant 7 : i32
        %and3A_1023 = vector.broadcast %and3A_1022 : i32 to vector<16xi32>
        %and3A_1024 = arith.andi %add3A_998, %and3A_1023 : vector<16xi32>
        %gather3A_1025 = tpu.vector_load_idx %arg14[%shift_right_logical3A_982, %add3A_1021, %and3A_1024] : memref<16x128x8xf32, #tpu.memory_space<vmem>>[vector<16xi32>, vector<16xi32>, vector<16xi32>], vector<16xf32>,
        %shift_right_logical3A_1026 = arith.constant 3 : i32
        %shift_right_logical3A_1027 = vector.broadcast %shift_right_logical3A_1026 : i32 to vector<16xi32>
        %shift_right_logical3A_1028 = arith.shrui %add3A_1001, %shift_right_logical3A_1027 : vector<16xi32>
        %add3A_1029 = arith.addi %mul3A_988, %shift_right_logical3A_1028 : vector<16xi32>
        %and3A_1030 = arith.constant 7 : i32
        %and3A_1031 = vector.broadcast %and3A_1030 : i32 to vector<16xi32>
        %and3A_1032 = arith.andi %add3A_1001, %and3A_1031 : vector<16xi32>
        %gather3A_1033 = tpu.vector_load_idx %arg14[%shift_right_logical3A_982, %add3A_1029, %and3A_1032] : memref<16x128x8xf32, #tpu.memory_space<vmem>>[vector<16xi32>, vector<16xi32>, vector<16xi32>], vector<16xf32>,
        %sub3A_1034 = arith.constant 1.000000e+00 : f32
        %sub3A_1035 = vector.broadcast %sub3A_1034 : f32 to vector<16xf32>
        %sub3A_1036 = arith.subf %sub3A_1035, %gather3A_993 : vector<16xf32>
        %mul3A_1037 = arith.mulf %sub3A_1036, %gather3A_1009 : vector<16xf32>
        %mul3A_1038 = arith.mulf %gather3A_993, %gather3A_1017 : vector<16xf32>
        %add3A_1039 = arith.addf %mul3A_1037, %mul3A_1038 : vector<16xf32>
        %sub3A_1040 = arith.constant 1.000000e+00 : f32
        %sub3A_1041 = vector.broadcast %sub3A_1040 : f32 to vector<16xf32>
        %sub3A_1042 = arith.subf %sub3A_1041, %gather3A_993 : vector<16xf32>
        %mul3A_1043 = arith.mulf %sub3A_1042, %gather3A_1025 : vector<16xf32>
        %mul3A_1044 = arith.mulf %gather3A_993, %gather3A_1033 : vector<16xf32>
        %add3A_1045 = arith.addf %mul3A_1043, %mul3A_1044 : vector<16xf32>
        %sub3A_1046 = arith.constant 1.000000e+00 : f32
        %sub3A_1047 = vector.broadcast %sub3A_1046 : f32 to vector<16xf32>
        %sub3A_1048 = arith.subf %sub3A_1047, %gather3A_994 : vector<16xf32>
        %mul3A_1049 = arith.mulf %sub3A_1048, %add3A_1039 : vector<16xf32>
        %mul3A_1050 = arith.mulf %gather3A_994, %add3A_1045 : vector<16xf32>
        %add3A_1051 = arith.addf %mul3A_1049, %mul3A_1050 : vector<16xf32>
        %swap3A_1052 = arith.index_cast %add3A_971 : i32 to index
        %swap3A_1053 = tpu.vector_load %arg15[%swap3A_1052] {strides = array<i32>} : memref<3072xf32, #tpu.memory_space<vmem>>, vector<16xf32>,
        tpu.vector_store %arg15[%swap3A_1052], %add3A_1051 {strides = array<i32>} : memref<3072xf32, #tpu.memory_space<vmem>>, vector<16xf32>,
        %mul3A_1054 = arith.constant 2 : i32
        %mul3A_1055 = arith.muli %scan3A_794, %mul3A_1054 : i32
        %mul3A_1056 = arith.constant 64 : i32
        %mul3A_1057 = arith.muli %mul3A_1055, %mul3A_1056 : i32
        %add3A_1058 = arith.constant 48 : i32
        %add3A_1059 = arith.addi %mul3A_1057, %add3A_1058 : i32
        %add3A_1060 = vector.broadcast %add3A_1059 : i32 to vector<16xi32>
        %add3A_1061 = arith.addi %iota3A, %add3A_1060 : vector<16xi32>
        %mul3A_1062 = arith.constant 21846 : i32
        %mul3A_1063 = vector.broadcast %mul3A_1062 : i32 to vector<16xi32>
        %mul3A_1064 = arith.muli %add3A_1061, %mul3A_1063 : vector<16xi32>
        %shift_right_logical3A_1065 = arith.constant 16 : i32
        %shift_right_logical3A_1066 = vector.broadcast %shift_right_logical3A_1065 : i32 to vector<16xi32>
        %shift_right_logical3A_1067 = arith.shrui %mul3A_1064, %shift_right_logical3A_1066 : vector<16xi32>
        %shift_right_logical3A_1068 = arith.constant 6 : i32
        %shift_right_logical3A_1069 = vector.broadcast %shift_right_logical3A_1068 : i32 to vector<16xi32>
        %shift_right_logical3A_1070 = arith.shrui %shift_right_logical3A_1067, %shift_right_logical3A_1069 : vector<16xi32>
        %and3A_1071 = arith.constant 63 : i32
        %and3A_1072 = vector.broadcast %and3A_1071 : i32 to vector<16xi32>
        %and3A_1073 = arith.andi %shift_right_logical3A_1067, %and3A_1072 : vector<16xi32>
        %mul3A_1074 = arith.constant 2 : i32
        %mul3A_1075 = vector.broadcast %mul3A_1074 : i32 to vector<16xi32>
        %mul3A_1076 = arith.muli %and3A_1073, %mul3A_1075 : vector<16xi32>
        %mul3A_1077 = arith.constant 3 : i32
        %mul3A_1078 = vector.broadcast %mul3A_1077 : i32 to vector<16xi32>
        %mul3A_1079 = arith.muli %shift_right_logical3A_1067, %mul3A_1078 : vector<16xi32>
        %sub3A_1080 = arith.subi %add3A_1061, %mul3A_1079 : vector<16xi32>
        %gather3A_1081 = tpu.vector_load_idx %arg11[%shift_right_logical3A_1067] : memref<1024xf32, #tpu.memory_space<vmem>>[vector<16xi32>], vector<16xf32>,
        %gather3A_1082 = tpu.vector_load_idx %arg12[%shift_right_logical3A_1067] : memref<1024xf32, #tpu.memory_space<vmem>>[vector<16xi32>], vector<16xf32>,
        %gather3A_1083 = tpu.vector_load_idx %arg8[%shift_right_logical3A_1067] : memref<1024xi32, #tpu.memory_space<vmem>>[vector<16xi32>], vector<16xi32>,
        %add3A_1084 = arith.addi %gather3A_1083, %sub3A_1080 : vector<16xi32>
        %gather3A_1085 = tpu.vector_load_idx %arg9[%shift_right_logical3A_1067] : memref<1024xi32, #tpu.memory_space<vmem>>[vector<16xi32>], vector<16xi32>,
        %add3A_1086 = arith.addi %gather3A_1085, %sub3A_1080 : vector<16xi32>
        %gather3A_1087 = tpu.vector_load_idx %arg10[%shift_right_logical3A_1067] : memref<1024xi32, #tpu.memory_space<vmem>>[vector<16xi32>], vector<16xi32>,
        %add3A_1088 = arith.addi %add3A_1084, %gather3A_1087 : vector<16xi32>
        %add3A_1089 = arith.addi %add3A_1086, %gather3A_1087 : vector<16xi32>
        %shift_right_logical3A_1090 = arith.constant 3 : i32
        %shift_right_logical3A_1091 = vector.broadcast %shift_right_logical3A_1090 : i32 to vector<16xi32>
        %shift_right_logical3A_1092 = arith.shrui %add3A_1084, %shift_right_logical3A_1091 : vector<16xi32>
        %add3A_1093 = arith.addi %mul3A_1076, %shift_right_logical3A_1092 : vector<16xi32>
        %and3A_1094 = arith.constant 7 : i32
        %and3A_1095 = vector.broadcast %and3A_1094 : i32 to vector<16xi32>
        %and3A_1096 = arith.andi %add3A_1084, %and3A_1095 : vector<16xi32>
        %gather3A_1097 = tpu.vector_load_idx %arg13[%shift_right_logical3A_1070, %add3A_1093, %and3A_1096] : memref<16x128x8xf32, #tpu.memory_space<vmem>>[vector<16xi32>, vector<16xi32>, vector<16xi32>], vector<16xf32>,
        %shift_right_logical3A_1098 = arith.constant 3 : i32
        %shift_right_logical3A_1099 = vector.broadcast %shift_right_logical3A_1098 : i32 to vector<16xi32>
        %shift_right_logical3A_1100 = arith.shrui %add3A_1088, %shift_right_logical3A_1099 : vector<16xi32>
        %add3A_1101 = arith.addi %mul3A_1076, %shift_right_logical3A_1100 : vector<16xi32>
        %and3A_1102 = arith.constant 7 : i32
        %and3A_1103 = vector.broadcast %and3A_1102 : i32 to vector<16xi32>
        %and3A_1104 = arith.andi %add3A_1088, %and3A_1103 : vector<16xi32>
        %gather3A_1105 = tpu.vector_load_idx %arg13[%shift_right_logical3A_1070, %add3A_1101, %and3A_1104] : memref<16x128x8xf32, #tpu.memory_space<vmem>>[vector<16xi32>, vector<16xi32>, vector<16xi32>], vector<16xf32>,
        %shift_right_logical3A_1106 = arith.constant 3 : i32
        %shift_right_logical3A_1107 = vector.broadcast %shift_right_logical3A_1106 : i32 to vector<16xi32>
        %shift_right_logical3A_1108 = arith.shrui %add3A_1086, %shift_right_logical3A_1107 : vector<16xi32>
        %add3A_1109 = arith.addi %mul3A_1076, %shift_right_logical3A_1108 : vector<16xi32>
        %and3A_1110 = arith.constant 7 : i32
        %and3A_1111 = vector.broadcast %and3A_1110 : i32 to vector<16xi32>
        %and3A_1112 = arith.andi %add3A_1086, %and3A_1111 : vector<16xi32>
        %gather3A_1113 = tpu.vector_load_idx %arg14[%shift_right_logical3A_1070, %add3A_1109, %and3A_1112] : memref<16x128x8xf32, #tpu.memory_space<vmem>>[vector<16xi32>, vector<16xi32>, vector<16xi32>], vector<16xf32>,
        %shift_right_logical3A_1114 = arith.constant 3 : i32
        %shift_right_logical3A_1115 = vector.broadcast %shift_right_logical3A_1114 : i32 to vector<16xi32>
        %shift_right_logical3A_1116 = arith.shrui %add3A_1089, %shift_right_logical3A_1115 : vector<16xi32>
        %add3A_1117 = arith.addi %mul3A_1076, %shift_right_logical3A_1116 : vector<16xi32>
        %and3A_1118 = arith.constant 7 : i32
        %and3A_1119 = vector.broadcast %and3A_1118 : i32 to vector<16xi32>
        %and3A_1120 = arith.andi %add3A_1089, %and3A_1119 : vector<16xi32>
        %gather3A_1121 = tpu.vector_load_idx %arg14[%shift_right_logical3A_1070, %add3A_1117, %and3A_1120] : memref<16x128x8xf32, #tpu.memory_space<vmem>>[vector<16xi32>, vector<16xi32>, vector<16xi32>], vector<16xf32>,
        %sub3A_1122 = arith.constant 1.000000e+00 : f32
        %sub3A_1123 = vector.broadcast %sub3A_1122 : f32 to vector<16xf32>
        %sub3A_1124 = arith.subf %sub3A_1123, %gather3A_1081 : vector<16xf32>
        %mul3A_1125 = arith.mulf %sub3A_1124, %gather3A_1097 : vector<16xf32>
        %mul3A_1126 = arith.mulf %gather3A_1081, %gather3A_1105 : vector<16xf32>
        %add3A_1127 = arith.addf %mul3A_1125, %mul3A_1126 : vector<16xf32>
        %sub3A_1128 = arith.constant 1.000000e+00 : f32
        %sub3A_1129 = vector.broadcast %sub3A_1128 : f32 to vector<16xf32>
        %sub3A_1130 = arith.subf %sub3A_1129, %gather3A_1081 : vector<16xf32>
        %mul3A_1131 = arith.mulf %sub3A_1130, %gather3A_1113 : vector<16xf32>
        %mul3A_1132 = arith.mulf %gather3A_1081, %gather3A_1121 : vector<16xf32>
        %add3A_1133 = arith.addf %mul3A_1131, %mul3A_1132 : vector<16xf32>
        %sub3A_1134 = arith.constant 1.000000e+00 : f32
        %sub3A_1135 = vector.broadcast %sub3A_1134 : f32 to vector<16xf32>
        %sub3A_1136 = arith.subf %sub3A_1135, %gather3A_1082 : vector<16xf32>
        %mul3A_1137 = arith.mulf %sub3A_1136, %add3A_1127 : vector<16xf32>
        %mul3A_1138 = arith.mulf %gather3A_1082, %add3A_1133 : vector<16xf32>
        %add3A_1139 = arith.addf %mul3A_1137, %mul3A_1138 : vector<16xf32>
        %swap3A_1140 = arith.index_cast %add3A_1059 : i32 to index
        %swap3A_1141 = tpu.vector_load %arg15[%swap3A_1140] {strides = array<i32>} : memref<3072xf32, #tpu.memory_space<vmem>>, vector<16xf32>,
        tpu.vector_store %arg15[%swap3A_1140], %add3A_1139 {strides = array<i32>} : memref<3072xf32, #tpu.memory_space<vmem>>, vector<16xf32>,
        %mul3A_1142 = arith.constant 2 : i32
        %mul3A_1143 = arith.muli %scan3A_794, %mul3A_1142 : i32
        %mul3A_1144 = arith.constant 64 : i32
        %mul3A_1145 = arith.muli %mul3A_1143, %mul3A_1144 : i32
        %add3A_1146 = arith.constant 64 : i32
        %add3A_1147 = arith.addi %mul3A_1145, %add3A_1146 : i32
        %add3A_1148 = vector.broadcast %add3A_1147 : i32 to vector<16xi32>
        %add3A_1149 = arith.addi %iota3A, %add3A_1148 : vector<16xi32>
        %mul3A_1150 = arith.constant 21846 : i32
        %mul3A_1151 = vector.broadcast %mul3A_1150 : i32 to vector<16xi32>
        %mul3A_1152 = arith.muli %add3A_1149, %mul3A_1151 : vector<16xi32>
        %shift_right_logical3A_1153 = arith.constant 16 : i32
        %shift_right_logical3A_1154 = vector.broadcast %shift_right_logical3A_1153 : i32 to vector<16xi32>
        %shift_right_logical3A_1155 = arith.shrui %mul3A_1152, %shift_right_logical3A_1154 : vector<16xi32>
        %shift_right_logical3A_1156 = arith.constant 6 : i32
        %shift_right_logical3A_1157 = vector.broadcast %shift_right_logical3A_1156 : i32 to vector<16xi32>
        %shift_right_logical3A_1158 = arith.shrui %shift_right_logical3A_1155, %shift_right_logical3A_1157 : vector<16xi32>
        %and3A_1159 = arith.constant 63 : i32
        %and3A_1160 = vector.broadcast %and3A_1159 : i32 to vector<16xi32>
        %and3A_1161 = arith.andi %shift_right_logical3A_1155, %and3A_1160 : vector<16xi32>
        %mul3A_1162 = arith.constant 2 : i32
        %mul3A_1163 = vector.broadcast %mul3A_1162 : i32 to vector<16xi32>
        %mul3A_1164 = arith.muli %and3A_1161, %mul3A_1163 : vector<16xi32>
        %mul3A_1165 = arith.constant 3 : i32
        %mul3A_1166 = vector.broadcast %mul3A_1165 : i32 to vector<16xi32>
        %mul3A_1167 = arith.muli %shift_right_logical3A_1155, %mul3A_1166 : vector<16xi32>
        %sub3A_1168 = arith.subi %add3A_1149, %mul3A_1167 : vector<16xi32>
        %gather3A_1169 = tpu.vector_load_idx %arg11[%shift_right_logical3A_1155] : memref<1024xf32, #tpu.memory_space<vmem>>[vector<16xi32>], vector<16xf32>,
        %gather3A_1170 = tpu.vector_load_idx %arg12[%shift_right_logical3A_1155] : memref<1024xf32, #tpu.memory_space<vmem>>[vector<16xi32>], vector<16xf32>,
        %gather3A_1171 = tpu.vector_load_idx %arg8[%shift_right_logical3A_1155] : memref<1024xi32, #tpu.memory_space<vmem>>[vector<16xi32>], vector<16xi32>,
        %add3A_1172 = arith.addi %gather3A_1171, %sub3A_1168 : vector<16xi32>
        %gather3A_1173 = tpu.vector_load_idx %arg9[%shift_right_logical3A_1155] : memref<1024xi32, #tpu.memory_space<vmem>>[vector<16xi32>], vector<16xi32>,
        %add3A_1174 = arith.addi %gather3A_1173, %sub3A_1168 : vector<16xi32>
        %gather3A_1175 = tpu.vector_load_idx %arg10[%shift_right_logical3A_1155] : memref<1024xi32, #tpu.memory_space<vmem>>[vector<16xi32>], vector<16xi32>,
        %add3A_1176 = arith.addi %add3A_1172, %gather3A_1175 : vector<16xi32>
        %add3A_1177 = arith.addi %add3A_1174, %gather3A_1175 : vector<16xi32>
        %shift_right_logical3A_1178 = arith.constant 3 : i32
        %shift_right_logical3A_1179 = vector.broadcast %shift_right_logical3A_1178 : i32 to vector<16xi32>
        %shift_right_logical3A_1180 = arith.shrui %add3A_1172, %shift_right_logical3A_1179 : vector<16xi32>
        %add3A_1181 = arith.addi %mul3A_1164, %shift_right_logical3A_1180 : vector<16xi32>
        %and3A_1182 = arith.constant 7 : i32
        %and3A_1183 = vector.broadcast %and3A_1182 : i32 to vector<16xi32>
        %and3A_1184 = arith.andi %add3A_1172, %and3A_1183 : vector<16xi32>
        %gather3A_1185 = tpu.vector_load_idx %arg13[%shift_right_logical3A_1158, %add3A_1181, %and3A_1184] : memref<16x128x8xf32, #tpu.memory_space<vmem>>[vector<16xi32>, vector<16xi32>, vector<16xi32>], vector<16xf32>,
        %shift_right_logical3A_1186 = arith.constant 3 : i32
        %shift_right_logical3A_1187 = vector.broadcast %shift_right_logical3A_1186 : i32 to vector<16xi32>
        %shift_right_logical3A_1188 = arith.shrui %add3A_1176, %shift_right_logical3A_1187 : vector<16xi32>
        %add3A_1189 = arith.addi %mul3A_1164, %shift_right_logical3A_1188 : vector<16xi32>
        %and3A_1190 = arith.constant 7 : i32
        %and3A_1191 = vector.broadcast %and3A_1190 : i32 to vector<16xi32>
        %and3A_1192 = arith.andi %add3A_1176, %and3A_1191 : vector<16xi32>
        %gather3A_1193 = tpu.vector_load_idx %arg13[%shift_right_logical3A_1158, %add3A_1189, %and3A_1192] : memref<16x128x8xf32, #tpu.memory_space<vmem>>[vector<16xi32>, vector<16xi32>, vector<16xi32>], vector<16xf32>,
        %shift_right_logical3A_1194 = arith.constant 3 : i32
        %shift_right_logical3A_1195 = vector.broadcast %shift_right_logical3A_1194 : i32 to vector<16xi32>
        %shift_right_logical3A_1196 = arith.shrui %add3A_1174, %shift_right_logical3A_1195 : vector<16xi32>
        %add3A_1197 = arith.addi %mul3A_1164, %shift_right_logical3A_1196 : vector<16xi32>
        %and3A_1198 = arith.constant 7 : i32
        %and3A_1199 = vector.broadcast %and3A_1198 : i32 to vector<16xi32>
        %and3A_1200 = arith.andi %add3A_1174, %and3A_1199 : vector<16xi32>
        %gather3A_1201 = tpu.vector_load_idx %arg14[%shift_right_logical3A_1158, %add3A_1197, %and3A_1200] : memref<16x128x8xf32, #tpu.memory_space<vmem>>[vector<16xi32>, vector<16xi32>, vector<16xi32>], vector<16xf32>,
        %shift_right_logical3A_1202 = arith.constant 3 : i32
        %shift_right_logical3A_1203 = vector.broadcast %shift_right_logical3A_1202 : i32 to vector<16xi32>
        %shift_right_logical3A_1204 = arith.shrui %add3A_1177, %shift_right_logical3A_1203 : vector<16xi32>
        %add3A_1205 = arith.addi %mul3A_1164, %shift_right_logical3A_1204 : vector<16xi32>
        %and3A_1206 = arith.constant 7 : i32
        %and3A_1207 = vector.broadcast %and3A_1206 : i32 to vector<16xi32>
        %and3A_1208 = arith.andi %add3A_1177, %and3A_1207 : vector<16xi32>
        %gather3A_1209 = tpu.vector_load_idx %arg14[%shift_right_logical3A_1158, %add3A_1205, %and3A_1208] : memref<16x128x8xf32, #tpu.memory_space<vmem>>[vector<16xi32>, vector<16xi32>, vector<16xi32>], vector<16xf32>,
        %sub3A_1210 = arith.constant 1.000000e+00 : f32
        %sub3A_1211 = vector.broadcast %sub3A_1210 : f32 to vector<16xf32>
        %sub3A_1212 = arith.subf %sub3A_1211, %gather3A_1169 : vector<16xf32>
        %mul3A_1213 = arith.mulf %sub3A_1212, %gather3A_1185 : vector<16xf32>
        %mul3A_1214 = arith.mulf %gather3A_1169, %gather3A_1193 : vector<16xf32>
        %add3A_1215 = arith.addf %mul3A_1213, %mul3A_1214 : vector<16xf32>
        %sub3A_1216 = arith.constant 1.000000e+00 : f32
        %sub3A_1217 = vector.broadcast %sub3A_1216 : f32 to vector<16xf32>
        %sub3A_1218 = arith.subf %sub3A_1217, %gather3A_1169 : vector<16xf32>
        %mul3A_1219 = arith.mulf %sub3A_1218, %gather3A_1201 : vector<16xf32>
        %mul3A_1220 = arith.mulf %gather3A_1169, %gather3A_1209 : vector<16xf32>
        %add3A_1221 = arith.addf %mul3A_1219, %mul3A_1220 : vector<16xf32>
        %sub3A_1222 = arith.constant 1.000000e+00 : f32
        %sub3A_1223 = vector.broadcast %sub3A_1222 : f32 to vector<16xf32>
        %sub3A_1224 = arith.subf %sub3A_1223, %gather3A_1170 : vector<16xf32>
        %mul3A_1225 = arith.mulf %sub3A_1224, %add3A_1215 : vector<16xf32>
        %mul3A_1226 = arith.mulf %gather3A_1170, %add3A_1221 : vector<16xf32>
        %add3A_1227 = arith.addf %mul3A_1225, %mul3A_1226 : vector<16xf32>
        %swap3A_1228 = arith.index_cast %add3A_1147 : i32 to index
        %swap3A_1229 = tpu.vector_load %arg15[%swap3A_1228] {strides = array<i32>} : memref<3072xf32, #tpu.memory_space<vmem>>, vector<16xf32>,
        tpu.vector_store %arg15[%swap3A_1228], %add3A_1227 {strides = array<i32>} : memref<3072xf32, #tpu.memory_space<vmem>>, vector<16xf32>,
        %mul3A_1230 = arith.constant 2 : i32
        %mul3A_1231 = arith.muli %scan3A_794, %mul3A_1230 : i32
        %mul3A_1232 = arith.constant 64 : i32
        %mul3A_1233 = arith.muli %mul3A_1231, %mul3A_1232 : i32
        %add3A_1234 = arith.constant 80 : i32
        %add3A_1235 = arith.addi %mul3A_1233, %add3A_1234 : i32
        %add3A_1236 = vector.broadcast %add3A_1235 : i32 to vector<16xi32>
        %add3A_1237 = arith.addi %iota3A, %add3A_1236 : vector<16xi32>
        %mul3A_1238 = arith.constant 21846 : i32
        %mul3A_1239 = vector.broadcast %mul3A_1238 : i32 to vector<16xi32>
        %mul3A_1240 = arith.muli %add3A_1237, %mul3A_1239 : vector<16xi32>
        %shift_right_logical3A_1241 = arith.constant 16 : i32
        %shift_right_logical3A_1242 = vector.broadcast %shift_right_logical3A_1241 : i32 to vector<16xi32>
        %shift_right_logical3A_1243 = arith.shrui %mul3A_1240, %shift_right_logical3A_1242 : vector<16xi32>
        %shift_right_logical3A_1244 = arith.constant 6 : i32
        %shift_right_logical3A_1245 = vector.broadcast %shift_right_logical3A_1244 : i32 to vector<16xi32>
        %shift_right_logical3A_1246 = arith.shrui %shift_right_logical3A_1243, %shift_right_logical3A_1245 : vector<16xi32>
        %and3A_1247 = arith.constant 63 : i32
        %and3A_1248 = vector.broadcast %and3A_1247 : i32 to vector<16xi32>
        %and3A_1249 = arith.andi %shift_right_logical3A_1243, %and3A_1248 : vector<16xi32>
        %mul3A_1250 = arith.constant 2 : i32
        %mul3A_1251 = vector.broadcast %mul3A_1250 : i32 to vector<16xi32>
        %mul3A_1252 = arith.muli %and3A_1249, %mul3A_1251 : vector<16xi32>
        %mul3A_1253 = arith.constant 3 : i32
        %mul3A_1254 = vector.broadcast %mul3A_1253 : i32 to vector<16xi32>
        %mul3A_1255 = arith.muli %shift_right_logical3A_1243, %mul3A_1254 : vector<16xi32>
        %sub3A_1256 = arith.subi %add3A_1237, %mul3A_1255 : vector<16xi32>
        %gather3A_1257 = tpu.vector_load_idx %arg11[%shift_right_logical3A_1243] : memref<1024xf32, #tpu.memory_space<vmem>>[vector<16xi32>], vector<16xf32>,
        %gather3A_1258 = tpu.vector_load_idx %arg12[%shift_right_logical3A_1243] : memref<1024xf32, #tpu.memory_space<vmem>>[vector<16xi32>], vector<16xf32>,
        %gather3A_1259 = tpu.vector_load_idx %arg8[%shift_right_logical3A_1243] : memref<1024xi32, #tpu.memory_space<vmem>>[vector<16xi32>], vector<16xi32>,
        %add3A_1260 = arith.addi %gather3A_1259, %sub3A_1256 : vector<16xi32>
        %gather3A_1261 = tpu.vector_load_idx %arg9[%shift_right_logical3A_1243] : memref<1024xi32, #tpu.memory_space<vmem>>[vector<16xi32>], vector<16xi32>,
        %add3A_1262 = arith.addi %gather3A_1261, %sub3A_1256 : vector<16xi32>
        %gather3A_1263 = tpu.vector_load_idx %arg10[%shift_right_logical3A_1243] : memref<1024xi32, #tpu.memory_space<vmem>>[vector<16xi32>], vector<16xi32>,
        %add3A_1264 = arith.addi %add3A_1260, %gather3A_1263 : vector<16xi32>
        %add3A_1265 = arith.addi %add3A_1262, %gather3A_1263 : vector<16xi32>
        %shift_right_logical3A_1266 = arith.constant 3 : i32
        %shift_right_logical3A_1267 = vector.broadcast %shift_right_logical3A_1266 : i32 to vector<16xi32>
        %shift_right_logical3A_1268 = arith.shrui %add3A_1260, %shift_right_logical3A_1267 : vector<16xi32>
        %add3A_1269 = arith.addi %mul3A_1252, %shift_right_logical3A_1268 : vector<16xi32>
        %and3A_1270 = arith.constant 7 : i32
        %and3A_1271 = vector.broadcast %and3A_1270 : i32 to vector<16xi32>
        %and3A_1272 = arith.andi %add3A_1260, %and3A_1271 : vector<16xi32>
        %gather3A_1273 = tpu.vector_load_idx %arg13[%shift_right_logical3A_1246, %add3A_1269, %and3A_1272] : memref<16x128x8xf32, #tpu.memory_space<vmem>>[vector<16xi32>, vector<16xi32>, vector<16xi32>], vector<16xf32>,
        %shift_right_logical3A_1274 = arith.constant 3 : i32
        %shift_right_logical3A_1275 = vector.broadcast %shift_right_logical3A_1274 : i32 to vector<16xi32>
        %shift_right_logical3A_1276 = arith.shrui %add3A_1264, %shift_right_logical3A_1275 : vector<16xi32>
        %add3A_1277 = arith.addi %mul3A_1252, %shift_right_logical3A_1276 : vector<16xi32>
        %and3A_1278 = arith.constant 7 : i32
        %and3A_1279 = vector.broadcast %and3A_1278 : i32 to vector<16xi32>
        %and3A_1280 = arith.andi %add3A_1264, %and3A_1279 : vector<16xi32>
        %gather3A_1281 = tpu.vector_load_idx %arg13[%shift_right_logical3A_1246, %add3A_1277, %and3A_1280] : memref<16x128x8xf32, #tpu.memory_space<vmem>>[vector<16xi32>, vector<16xi32>, vector<16xi32>], vector<16xf32>,
        %shift_right_logical3A_1282 = arith.constant 3 : i32
        %shift_right_logical3A_1283 = vector.broadcast %shift_right_logical3A_1282 : i32 to vector<16xi32>
        %shift_right_logical3A_1284 = arith.shrui %add3A_1262, %shift_right_logical3A_1283 : vector<16xi32>
        %add3A_1285 = arith.addi %mul3A_1252, %shift_right_logical3A_1284 : vector<16xi32>
        %and3A_1286 = arith.constant 7 : i32
        %and3A_1287 = vector.broadcast %and3A_1286 : i32 to vector<16xi32>
        %and3A_1288 = arith.andi %add3A_1262, %and3A_1287 : vector<16xi32>
        %gather3A_1289 = tpu.vector_load_idx %arg14[%shift_right_logical3A_1246, %add3A_1285, %and3A_1288] : memref<16x128x8xf32, #tpu.memory_space<vmem>>[vector<16xi32>, vector<16xi32>, vector<16xi32>], vector<16xf32>,
        %shift_right_logical3A_1290 = arith.constant 3 : i32
        %shift_right_logical3A_1291 = vector.broadcast %shift_right_logical3A_1290 : i32 to vector<16xi32>
        %shift_right_logical3A_1292 = arith.shrui %add3A_1265, %shift_right_logical3A_1291 : vector<16xi32>
        %add3A_1293 = arith.addi %mul3A_1252, %shift_right_logical3A_1292 : vector<16xi32>
        %and3A_1294 = arith.constant 7 : i32
        %and3A_1295 = vector.broadcast %and3A_1294 : i32 to vector<16xi32>
        %and3A_1296 = arith.andi %add3A_1265, %and3A_1295 : vector<16xi32>
        %gather3A_1297 = tpu.vector_load_idx %arg14[%shift_right_logical3A_1246, %add3A_1293, %and3A_1296] : memref<16x128x8xf32, #tpu.memory_space<vmem>>[vector<16xi32>, vector<16xi32>, vector<16xi32>], vector<16xf32>,
        %sub3A_1298 = arith.constant 1.000000e+00 : f32
        %sub3A_1299 = vector.broadcast %sub3A_1298 : f32 to vector<16xf32>
        %sub3A_1300 = arith.subf %sub3A_1299, %gather3A_1257 : vector<16xf32>
        %mul3A_1301 = arith.mulf %sub3A_1300, %gather3A_1273 : vector<16xf32>
        %mul3A_1302 = arith.mulf %gather3A_1257, %gather3A_1281 : vector<16xf32>
        %add3A_1303 = arith.addf %mul3A_1301, %mul3A_1302 : vector<16xf32>
        %sub3A_1304 = arith.constant 1.000000e+00 : f32
        %sub3A_1305 = vector.broadcast %sub3A_1304 : f32 to vector<16xf32>
        %sub3A_1306 = arith.subf %sub3A_1305, %gather3A_1257 : vector<16xf32>
        %mul3A_1307 = arith.mulf %sub3A_1306, %gather3A_1289 : vector<16xf32>
        %mul3A_1308 = arith.mulf %gather3A_1257, %gather3A_1297 : vector<16xf32>
        %add3A_1309 = arith.addf %mul3A_1307, %mul3A_1308 : vector<16xf32>
        %sub3A_1310 = arith.constant 1.000000e+00 : f32
        %sub3A_1311 = vector.broadcast %sub3A_1310 : f32 to vector<16xf32>
        %sub3A_1312 = arith.subf %sub3A_1311, %gather3A_1258 : vector<16xf32>
        %mul3A_1313 = arith.mulf %sub3A_1312, %add3A_1303 : vector<16xf32>
        %mul3A_1314 = arith.mulf %gather3A_1258, %add3A_1309 : vector<16xf32>
        %add3A_1315 = arith.addf %mul3A_1313, %mul3A_1314 : vector<16xf32>
        %swap3A_1316 = arith.index_cast %add3A_1235 : i32 to index
        %swap3A_1317 = tpu.vector_load %arg15[%swap3A_1316] {strides = array<i32>} : memref<3072xf32, #tpu.memory_space<vmem>>, vector<16xf32>,
        tpu.vector_store %arg15[%swap3A_1316], %add3A_1315 {strides = array<i32>} : memref<3072xf32, #tpu.memory_space<vmem>>, vector<16xf32>,
        %mul3A_1318 = arith.constant 2 : i32
        %mul3A_1319 = arith.muli %scan3A_794, %mul3A_1318 : i32
        %mul3A_1320 = arith.constant 64 : i32
        %mul3A_1321 = arith.muli %mul3A_1319, %mul3A_1320 : i32
        %add3A_1322 = arith.constant 96 : i32
        %add3A_1323 = arith.addi %mul3A_1321, %add3A_1322 : i32
        %add3A_1324 = vector.broadcast %add3A_1323 : i32 to vector<16xi32>
        %add3A_1325 = arith.addi %iota3A, %add3A_1324 : vector<16xi32>
        %mul3A_1326 = arith.constant 21846 : i32
        %mul3A_1327 = vector.broadcast %mul3A_1326 : i32 to vector<16xi32>
        %mul3A_1328 = arith.muli %add3A_1325, %mul3A_1327 : vector<16xi32>
        %shift_right_logical3A_1329 = arith.constant 16 : i32
        %shift_right_logical3A_1330 = vector.broadcast %shift_right_logical3A_1329 : i32 to vector<16xi32>
        %shift_right_logical3A_1331 = arith.shrui %mul3A_1328, %shift_right_logical3A_1330 : vector<16xi32>
        %shift_right_logical3A_1332 = arith.constant 6 : i32
        %shift_right_logical3A_1333 = vector.broadcast %shift_right_logical3A_1332 : i32 to vector<16xi32>
        %shift_right_logical3A_1334 = arith.shrui %shift_right_logical3A_1331, %shift_right_logical3A_1333 : vector<16xi32>
        %and3A_1335 = arith.constant 63 : i32
        %and3A_1336 = vector.broadcast %and3A_1335 : i32 to vector<16xi32>
        %and3A_1337 = arith.andi %shift_right_logical3A_1331, %and3A_1336 : vector<16xi32>
        %mul3A_1338 = arith.constant 2 : i32
        %mul3A_1339 = vector.broadcast %mul3A_1338 : i32 to vector<16xi32>
        %mul3A_1340 = arith.muli %and3A_1337, %mul3A_1339 : vector<16xi32>
        %mul3A_1341 = arith.constant 3 : i32
        %mul3A_1342 = vector.broadcast %mul3A_1341 : i32 to vector<16xi32>
        %mul3A_1343 = arith.muli %shift_right_logical3A_1331, %mul3A_1342 : vector<16xi32>
        %sub3A_1344 = arith.subi %add3A_1325, %mul3A_1343 : vector<16xi32>
        %gather3A_1345 = tpu.vector_load_idx %arg11[%shift_right_logical3A_1331] : memref<1024xf32, #tpu.memory_space<vmem>>[vector<16xi32>], vector<16xf32>,
        %gather3A_1346 = tpu.vector_load_idx %arg12[%shift_right_logical3A_1331] : memref<1024xf32, #tpu.memory_space<vmem>>[vector<16xi32>], vector<16xf32>,
        %gather3A_1347 = tpu.vector_load_idx %arg8[%shift_right_logical3A_1331] : memref<1024xi32, #tpu.memory_space<vmem>>[vector<16xi32>], vector<16xi32>,
        %add3A_1348 = arith.addi %gather3A_1347, %sub3A_1344 : vector<16xi32>
        %gather3A_1349 = tpu.vector_load_idx %arg9[%shift_right_logical3A_1331] : memref<1024xi32, #tpu.memory_space<vmem>>[vector<16xi32>], vector<16xi32>,
        %add3A_1350 = arith.addi %gather3A_1349, %sub3A_1344 : vector<16xi32>
        %gather3A_1351 = tpu.vector_load_idx %arg10[%shift_right_logical3A_1331] : memref<1024xi32, #tpu.memory_space<vmem>>[vector<16xi32>], vector<16xi32>,
        %add3A_1352 = arith.addi %add3A_1348, %gather3A_1351 : vector<16xi32>
        %add3A_1353 = arith.addi %add3A_1350, %gather3A_1351 : vector<16xi32>
        %shift_right_logical3A_1354 = arith.constant 3 : i32
        %shift_right_logical3A_1355 = vector.broadcast %shift_right_logical3A_1354 : i32 to vector<16xi32>
        %shift_right_logical3A_1356 = arith.shrui %add3A_1348, %shift_right_logical3A_1355 : vector<16xi32>
        %add3A_1357 = arith.addi %mul3A_1340, %shift_right_logical3A_1356 : vector<16xi32>
        %and3A_1358 = arith.constant 7 : i32
        %and3A_1359 = vector.broadcast %and3A_1358 : i32 to vector<16xi32>
        %and3A_1360 = arith.andi %add3A_1348, %and3A_1359 : vector<16xi32>
        %gather3A_1361 = tpu.vector_load_idx %arg13[%shift_right_logical3A_1334, %add3A_1357, %and3A_1360] : memref<16x128x8xf32, #tpu.memory_space<vmem>>[vector<16xi32>, vector<16xi32>, vector<16xi32>], vector<16xf32>,
        %shift_right_logical3A_1362 = arith.constant 3 : i32
        %shift_right_logical3A_1363 = vector.broadcast %shift_right_logical3A_1362 : i32 to vector<16xi32>
        %shift_right_logical3A_1364 = arith.shrui %add3A_1352, %shift_right_logical3A_1363 : vector<16xi32>
        %add3A_1365 = arith.addi %mul3A_1340, %shift_right_logical3A_1364 : vector<16xi32>
        %and3A_1366 = arith.constant 7 : i32
        %and3A_1367 = vector.broadcast %and3A_1366 : i32 to vector<16xi32>
        %and3A_1368 = arith.andi %add3A_1352, %and3A_1367 : vector<16xi32>
        %gather3A_1369 = tpu.vector_load_idx %arg13[%shift_right_logical3A_1334, %add3A_1365, %and3A_1368] : memref<16x128x8xf32, #tpu.memory_space<vmem>>[vector<16xi32>, vector<16xi32>, vector<16xi32>], vector<16xf32>,
        %shift_right_logical3A_1370 = arith.constant 3 : i32
        %shift_right_logical3A_1371 = vector.broadcast %shift_right_logical3A_1370 : i32 to vector<16xi32>
        %shift_right_logical3A_1372 = arith.shrui %add3A_1350, %shift_right_logical3A_1371 : vector<16xi32>
        %add3A_1373 = arith.addi %mul3A_1340, %shift_right_logical3A_1372 : vector<16xi32>
        %and3A_1374 = arith.constant 7 : i32
        %and3A_1375 = vector.broadcast %and3A_1374 : i32 to vector<16xi32>
        %and3A_1376 = arith.andi %add3A_1350, %and3A_1375 : vector<16xi32>
        %gather3A_1377 = tpu.vector_load_idx %arg14[%shift_right_logical3A_1334, %add3A_1373, %and3A_1376] : memref<16x128x8xf32, #tpu.memory_space<vmem>>[vector<16xi32>, vector<16xi32>, vector<16xi32>], vector<16xf32>,
        %shift_right_logical3A_1378 = arith.constant 3 : i32
        %shift_right_logical3A_1379 = vector.broadcast %shift_right_logical3A_1378 : i32 to vector<16xi32>
        %shift_right_logical3A_1380 = arith.shrui %add3A_1353, %shift_right_logical3A_1379 : vector<16xi32>
        %add3A_1381 = arith.addi %mul3A_1340, %shift_right_logical3A_1380 : vector<16xi32>
        %and3A_1382 = arith.constant 7 : i32
        %and3A_1383 = vector.broadcast %and3A_1382 : i32 to vector<16xi32>
        %and3A_1384 = arith.andi %add3A_1353, %and3A_1383 : vector<16xi32>
        %gather3A_1385 = tpu.vector_load_idx %arg14[%shift_right_logical3A_1334, %add3A_1381, %and3A_1384] : memref<16x128x8xf32, #tpu.memory_space<vmem>>[vector<16xi32>, vector<16xi32>, vector<16xi32>], vector<16xf32>,
        %sub3A_1386 = arith.constant 1.000000e+00 : f32
        %sub3A_1387 = vector.broadcast %sub3A_1386 : f32 to vector<16xf32>
        %sub3A_1388 = arith.subf %sub3A_1387, %gather3A_1345 : vector<16xf32>
        %mul3A_1389 = arith.mulf %sub3A_1388, %gather3A_1361 : vector<16xf32>
        %mul3A_1390 = arith.mulf %gather3A_1345, %gather3A_1369 : vector<16xf32>
        %add3A_1391 = arith.addf %mul3A_1389, %mul3A_1390 : vector<16xf32>
        %sub3A_1392 = arith.constant 1.000000e+00 : f32
        %sub3A_1393 = vector.broadcast %sub3A_1392 : f32 to vector<16xf32>
        %sub3A_1394 = arith.subf %sub3A_1393, %gather3A_1345 : vector<16xf32>
        %mul3A_1395 = arith.mulf %sub3A_1394, %gather3A_1377 : vector<16xf32>
        %mul3A_1396 = arith.mulf %gather3A_1345, %gather3A_1385 : vector<16xf32>
        %add3A_1397 = arith.addf %mul3A_1395, %mul3A_1396 : vector<16xf32>
        %sub3A_1398 = arith.constant 1.000000e+00 : f32
        %sub3A_1399 = vector.broadcast %sub3A_1398 : f32 to vector<16xf32>
        %sub3A_1400 = arith.subf %sub3A_1399, %gather3A_1346 : vector<16xf32>
        %mul3A_1401 = arith.mulf %sub3A_1400, %add3A_1391 : vector<16xf32>
        %mul3A_1402 = arith.mulf %gather3A_1346, %add3A_1397 : vector<16xf32>
        %add3A_1403 = arith.addf %mul3A_1401, %mul3A_1402 : vector<16xf32>
        %swap3A_1404 = arith.index_cast %add3A_1323 : i32 to index
        %swap3A_1405 = tpu.vector_load %arg15[%swap3A_1404] {strides = array<i32>} : memref<3072xf32, #tpu.memory_space<vmem>>, vector<16xf32>,
        tpu.vector_store %arg15[%swap3A_1404], %add3A_1403 {strides = array<i32>} : memref<3072xf32, #tpu.memory_space<vmem>>, vector<16xf32>,
        %mul3A_1406 = arith.constant 2 : i32
        %mul3A_1407 = arith.muli %scan3A_794, %mul3A_1406 : i32
        %mul3A_1408 = arith.constant 64 : i32
        %mul3A_1409 = arith.muli %mul3A_1407, %mul3A_1408 : i32
        %add3A_1410 = arith.constant 112 : i32
        %add3A_1411 = arith.addi %mul3A_1409, %add3A_1410 : i32
        %add3A_1412 = vector.broadcast %add3A_1411 : i32 to vector<16xi32>
        %add3A_1413 = arith.addi %iota3A, %add3A_1412 : vector<16xi32>
        %mul3A_1414 = arith.constant 21846 : i32
        %mul3A_1415 = vector.broadcast %mul3A_1414 : i32 to vector<16xi32>
        %mul3A_1416 = arith.muli %add3A_1413, %mul3A_1415 : vector<16xi32>
        %shift_right_logical3A_1417 = arith.constant 16 : i32
        %shift_right_logical3A_1418 = vector.broadcast %shift_right_logical3A_1417 : i32 to vector<16xi32>
        %shift_right_logical3A_1419 = arith.shrui %mul3A_1416, %shift_right_logical3A_1418 : vector<16xi32>
        %shift_right_logical3A_1420 = arith.constant 6 : i32
        %shift_right_logical3A_1421 = vector.broadcast %shift_right_logical3A_1420 : i32 to vector<16xi32>
        %shift_right_logical3A_1422 = arith.shrui %shift_right_logical3A_1419, %shift_right_logical3A_1421 : vector<16xi32>
        %and3A_1423 = arith.constant 63 : i32
        %and3A_1424 = vector.broadcast %and3A_1423 : i32 to vector<16xi32>
        %and3A_1425 = arith.andi %shift_right_logical3A_1419, %and3A_1424 : vector<16xi32>
        %mul3A_1426 = arith.constant 2 : i32
        %mul3A_1427 = vector.broadcast %mul3A_1426 : i32 to vector<16xi32>
        %mul3A_1428 = arith.muli %and3A_1425, %mul3A_1427 : vector<16xi32>
        %mul3A_1429 = arith.constant 3 : i32
        %mul3A_1430 = vector.broadcast %mul3A_1429 : i32 to vector<16xi32>
        %mul3A_1431 = arith.muli %shift_right_logical3A_1419, %mul3A_1430 : vector<16xi32>
        %sub3A_1432 = arith.subi %add3A_1413, %mul3A_1431 : vector<16xi32>
        %gather3A_1433 = tpu.vector_load_idx %arg11[%shift_right_logical3A_1419] : memref<1024xf32, #tpu.memory_space<vmem>>[vector<16xi32>], vector<16xf32>,
        %gather3A_1434 = tpu.vector_load_idx %arg12[%shift_right_logical3A_1419] : memref<1024xf32, #tpu.memory_space<vmem>>[vector<16xi32>], vector<16xf32>,
        %gather3A_1435 = tpu.vector_load_idx %arg8[%shift_right_logical3A_1419] : memref<1024xi32, #tpu.memory_space<vmem>>[vector<16xi32>], vector<16xi32>,
        %add3A_1436 = arith.addi %gather3A_1435, %sub3A_1432 : vector<16xi32>
        %gather3A_1437 = tpu.vector_load_idx %arg9[%shift_right_logical3A_1419] : memref<1024xi32, #tpu.memory_space<vmem>>[vector<16xi32>], vector<16xi32>,
        %add3A_1438 = arith.addi %gather3A_1437, %sub3A_1432 : vector<16xi32>
        %gather3A_1439 = tpu.vector_load_idx %arg10[%shift_right_logical3A_1419] : memref<1024xi32, #tpu.memory_space<vmem>>[vector<16xi32>], vector<16xi32>,
        %add3A_1440 = arith.addi %add3A_1436, %gather3A_1439 : vector<16xi32>
        %add3A_1441 = arith.addi %add3A_1438, %gather3A_1439 : vector<16xi32>
        %shift_right_logical3A_1442 = arith.constant 3 : i32
        %shift_right_logical3A_1443 = vector.broadcast %shift_right_logical3A_1442 : i32 to vector<16xi32>
        %shift_right_logical3A_1444 = arith.shrui %add3A_1436, %shift_right_logical3A_1443 : vector<16xi32>
        %add3A_1445 = arith.addi %mul3A_1428, %shift_right_logical3A_1444 : vector<16xi32>
        %and3A_1446 = arith.constant 7 : i32
        %and3A_1447 = vector.broadcast %and3A_1446 : i32 to vector<16xi32>
        %and3A_1448 = arith.andi %add3A_1436, %and3A_1447 : vector<16xi32>
        %gather3A_1449 = tpu.vector_load_idx %arg13[%shift_right_logical3A_1422, %add3A_1445, %and3A_1448] : memref<16x128x8xf32, #tpu.memory_space<vmem>>[vector<16xi32>, vector<16xi32>, vector<16xi32>], vector<16xf32>,
        %shift_right_logical3A_1450 = arith.constant 3 : i32
        %shift_right_logical3A_1451 = vector.broadcast %shift_right_logical3A_1450 : i32 to vector<16xi32>
        %shift_right_logical3A_1452 = arith.shrui %add3A_1440, %shift_right_logical3A_1451 : vector<16xi32>
        %add3A_1453 = arith.addi %mul3A_1428, %shift_right_logical3A_1452 : vector<16xi32>
        %and3A_1454 = arith.constant 7 : i32
        %and3A_1455 = vector.broadcast %and3A_1454 : i32 to vector<16xi32>
        %and3A_1456 = arith.andi %add3A_1440, %and3A_1455 : vector<16xi32>
        %gather3A_1457 = tpu.vector_load_idx %arg13[%shift_right_logical3A_1422, %add3A_1453, %and3A_1456] : memref<16x128x8xf32, #tpu.memory_space<vmem>>[vector<16xi32>, vector<16xi32>, vector<16xi32>], vector<16xf32>,
        %shift_right_logical3A_1458 = arith.constant 3 : i32
        %shift_right_logical3A_1459 = vector.broadcast %shift_right_logical3A_1458 : i32 to vector<16xi32>
        %shift_right_logical3A_1460 = arith.shrui %add3A_1438, %shift_right_logical3A_1459 : vector<16xi32>
        %add3A_1461 = arith.addi %mul3A_1428, %shift_right_logical3A_1460 : vector<16xi32>
        %and3A_1462 = arith.constant 7 : i32
        %and3A_1463 = vector.broadcast %and3A_1462 : i32 to vector<16xi32>
        %and3A_1464 = arith.andi %add3A_1438, %and3A_1463 : vector<16xi32>
        %gather3A_1465 = tpu.vector_load_idx %arg14[%shift_right_logical3A_1422, %add3A_1461, %and3A_1464] : memref<16x128x8xf32, #tpu.memory_space<vmem>>[vector<16xi32>, vector<16xi32>, vector<16xi32>], vector<16xf32>,
        %shift_right_logical3A_1466 = arith.constant 3 : i32
        %shift_right_logical3A_1467 = vector.broadcast %shift_right_logical3A_1466 : i32 to vector<16xi32>
        %shift_right_logical3A_1468 = arith.shrui %add3A_1441, %shift_right_logical3A_1467 : vector<16xi32>
        %add3A_1469 = arith.addi %mul3A_1428, %shift_right_logical3A_1468 : vector<16xi32>
        %and3A_1470 = arith.constant 7 : i32
        %and3A_1471 = vector.broadcast %and3A_1470 : i32 to vector<16xi32>
        %and3A_1472 = arith.andi %add3A_1441, %and3A_1471 : vector<16xi32>
        %gather3A_1473 = tpu.vector_load_idx %arg14[%shift_right_logical3A_1422, %add3A_1469, %and3A_1472] : memref<16x128x8xf32, #tpu.memory_space<vmem>>[vector<16xi32>, vector<16xi32>, vector<16xi32>], vector<16xf32>,
        %sub3A_1474 = arith.constant 1.000000e+00 : f32
        %sub3A_1475 = vector.broadcast %sub3A_1474 : f32 to vector<16xf32>
        %sub3A_1476 = arith.subf %sub3A_1475, %gather3A_1433 : vector<16xf32>
        %mul3A_1477 = arith.mulf %sub3A_1476, %gather3A_1449 : vector<16xf32>
        %mul3A_1478 = arith.mulf %gather3A_1433, %gather3A_1457 : vector<16xf32>
        %add3A_1479 = arith.addf %mul3A_1477, %mul3A_1478 : vector<16xf32>
        %sub3A_1480 = arith.constant 1.000000e+00 : f32
        %sub3A_1481 = vector.broadcast %sub3A_1480 : f32 to vector<16xf32>
        %sub3A_1482 = arith.subf %sub3A_1481, %gather3A_1433 : vector<16xf32>
        %mul3A_1483 = arith.mulf %sub3A_1482, %gather3A_1465 : vector<16xf32>
        %mul3A_1484 = arith.mulf %gather3A_1433, %gather3A_1473 : vector<16xf32>
        %add3A_1485 = arith.addf %mul3A_1483, %mul3A_1484 : vector<16xf32>
        %sub3A_1486 = arith.constant 1.000000e+00 : f32
        %sub3A_1487 = vector.broadcast %sub3A_1486 : f32 to vector<16xf32>
        %sub3A_1488 = arith.subf %sub3A_1487, %gather3A_1434 : vector<16xf32>
        %mul3A_1489 = arith.mulf %sub3A_1488, %add3A_1479 : vector<16xf32>
        %mul3A_1490 = arith.mulf %gather3A_1434, %add3A_1485 : vector<16xf32>
        %add3A_1491 = arith.addf %mul3A_1489, %mul3A_1490 : vector<16xf32>
        %swap3A_1492 = arith.index_cast %add3A_1411 : i32 to index
        %swap3A_1493 = tpu.vector_load %arg15[%swap3A_1492] {strides = array<i32>} : memref<3072xf32, #tpu.memory_space<vmem>>, vector<16xf32>,
        tpu.vector_store %arg15[%swap3A_1492], %add3A_1491 {strides = array<i32>} : memref<3072xf32, #tpu.memory_space<vmem>>, vector<16xf32>,
      }
      %scan3A_791 = arith.constant 24 : i32
      %mul3A_792 = arith.constant 3 : i32
      %mul3A_793 = arith.muli %add3A_11, %mul3A_792 : i32
      "tpu.region"() ({
        %run_scoped3A = tpu.sem_alloc : memref<!tpu.dma_semaphore, #tpu.memory_space<semaphore_mem>>
        %dma_start3A_794 = tpu.memref_slice %arg4[%mul3A_793] : memref<3145728xf32, #tpu.memory_space<hbm>> -> memref<3072xf32, #tpu.memory_space<hbm>>
        %dma_start3A_795 = tpu.memref_slice %arg4[%mul3A_793] : memref<3145728xf32, #tpu.memory_space<hbm>> -> memref<3072xf32, #tpu.memory_space<hbm>>
        tpu.enqueue_dma source(%arg15 : memref<3072xf32, #tpu.memory_space<vmem>>) target(%dma_start3A_795 : memref<3072xf32, #tpu.memory_space<hbm>>) target_semaphore(%run_scoped3A : memref<!tpu.dma_semaphore, #tpu.memory_space<semaphore_mem>>)
        %dma_wait3A_796 = tpu.memref_slice %arg4[%mul3A_793] : memref<3145728xf32, #tpu.memory_space<hbm>> -> memref<3072xf32, #tpu.memory_space<hbm>>
        %dma_wait3A_797 = tpu.memref_slice %arg4[%mul3A_793] : memref<3145728xf32, #tpu.memory_space<hbm>> -> memref<3072xf32, #tpu.memory_space<hbm>>
        tpu.wait_dma2 semaphore(%run_scoped3A : memref<!tpu.dma_semaphore, #tpu.memory_space<semaphore_mem>>) src(%arg15 : memref<3072xf32, #tpu.memory_space<vmem>>) dst(%dma_wait3A_797 : memref<3072xf32, #tpu.memory_space<hbm>>)
        tpu.yield
      }) : () -> ()
    }
    %scan3A_7 = arith.constant 32 : i32
    return
  }
}

</mosaic_0001>

<sc_bundles>
// kernel: _run.3.cloned.1.call-start
scs
__scs_entry_jumppad:
0x0: {  	(pc) =	sbr.rel $0x88, $3  }
0x1: {  	(tag) =	ssettag $0x0;
	lr =	simm.s32 $0x1  }
0x2: {  	[smem:$0x3F9F] =	sst lr;
	_ =	strace $0xD0000000  }
0x3: {  	_ = 	snop  }
0x4: {  	_ = 	snop  }
0x5: {  	_ = 	snop  }
0x6: {  	_ = 	snop  }
0x7: {  	_ = 	snop  }
__scs_overlays_trampoline_lowered:
0x8: {  	[smem:$0x3FAE] =	sst s0  }
0x9: {  	[smem:$0x3FAF] =	sst s1  }
0xa: {  	[smem:$0x3FB0] =	sst s2  }
0xb: {  	[smem:$0x3FB1] =	sst s3  }
0xc: {  	[smem:$0x3FB2] =	sst s4  }
0xd: {  	[smem:$0x3FB3] =	sst s5  }
0xe: {  	[smem:$0x3FB4] =	sst s6  }
0xf: {  	[smem:$0x3FB5] =	sst s7  }
0x10: {  	[smem:$0x3FB6] =	sst s8  }
0x11: {  	[smem:$0x3FB7] =	sst s9;
	s0 =	simm.s32 @!p0 $0x0  }
0x12: {  	s1 =	sld [smem:$0x3F9D];
	s0 =	simm.s32 @p0 $0x1  }
0x13: {  	[smem:$0x3FB8] =	sst s0;
	s0 =	simm.s32 @!p1 $0x0  }
0x14: {  	s2 =	sld [smem:$0x3F9C];
	s0 =	simm.s32 @p1 $0x1  }
0x15: {  	[smem:$0x3FB9] =	sst s0;
	s0 =	simm.s32 @!p2 $0x0  }
0x16: {  	s3 =	sld [smem:$0x3FDB];
	s0 =	simm.s32 @p2 $0x1  }
0x17: {  	s4 =	simm.s32 $0x1BF5;
	[smem:$0x3FBB] =	sst s0  }
0x18: {  	s0 =	sld [smem:$0x3F9E];
	_ =	swait.ge [sflag:s4], $0x0  }
0x19: {  	s7 =	sld [smem:$0x3F9F]  }
0x1a: {  	s8 =	sadd.s32 $0xFFFFE003, lr  }
0x1b: {  	s9 =	sadd.s32 $0xFFFFFEF7, lr;
	s5 =	simm.s32 $0xFFFFFFFF;
	p2 =	slt.u32 s8, $0xFFFFF086  }
0x1c: {  	p1 =	slt.u32 s9, $0xF7A;
	s5 =	simm.s32 @!p2 $0x0  }
0x1d: {  	s5 =	simm.s32 @p1 $0x1;
	p0 =	seq.s32 s7, s2  }
0x1e: {  	s7 =	smul.u32 @!p0 $0xF7A, s2;
	p2 =	seq.s32 @!p0 s5, $0x0  }
0x1f: {  	s9 =	smul.u32 $0xF7A, s1;
	s8 =	simm.s32 @!p0 $0x1BF5;
	p2 =	por !p2, p0  }
0x20: {  	[sflag:s8] =	ssyncset.s32 @!p0 $0xFFFFF086;
	s6 =	sadd.s32 @!p0 s3, s7;
	s7 =	simm.s32 @!p0 $0x108  }
0x21: {  	s3 =	sadd.s32 s3, s9;
	s6 =	sadd.s32 @!p0 $0x88, s6;
	s7 =	simm.s32 @p2 $0x1082  }
0x22: {  	[simem:s7], [sflag:s8] =	dma.local @!p0 [hbm:s6], $0xF7A  }
0x23: {  	s9 =	sor.u32 $0xD0000000, s2;
	s6 =	simm.s32 $0x108;
	_ =	swait.ge @!p0 [sflag:s8], $0x0  }
0x24: {  	s3 =	sadd.s32 $0x88, s3;
	s6 =	simm.s32 @!p1 $0x1082;
	[sflag:s4] =	ssyncset.s32 $0xFFFFF086  }
0x25: {  	[simem:s6], [sflag:s4] =	dma.local [hbm:s3], $0xF7A  }
0x26: {  	[smem:$0x3F9F] =	sst s1;
	(tag) =	ssettag s2;
	_ =	strace s9  }
0x27: {  	s1 =	sld [smem:$0x3FAF]  }
0x28: {  	s2 =	sld [smem:$0x3FB0]  }
0x29: {  	s4 =	sld [smem:$0x3FB2]  }
0x2a: {  	p0 =	seq.s32 s5, $0x0;
	s5 =	sld [smem:$0x3FB3]  }
0x2b: {  	s6 =	sld [smem:$0x3FB4]  }
0x2c: {  	s7 =	sld [smem:$0x3FB5]  }
0x2d: {  	s3 =	simm.s32 $0x108;
	s8 =	sld [smem:$0x3FB6]  }
0x2e: {  	s3 =	simm.s32 @!p0 $0x1082;
	s9 =	sld [smem:$0x3FB7]  }
0x2f: {  	lr =	sadd.s32 s0, s3;
	s0 =	sld [smem:$0x3FAE]  }
0x30: {  	s3 =	sld [smem:$0x3FB1]  }
0x31: {  	[smem:$0x3FBA] =	sst s10  }
0x32: {  	s10 =	sld [smem:$0x3FB8];
	_ =	sdelay $0x3  }
0x33: {  	p0 =	seq.s32 s10, $0x1;
	s10 =	sld [smem:$0x3FBA];
	_ =	sdelay $0x3  }
0x34: {  	[smem:$0x3FBA] =	sst s10  }
0x35: {  	s10 =	sld [smem:$0x3FB9];
	_ =	sdelay $0x3  }
0x36: {  	p1 =	seq.s32 s10, $0x1;
	s10 =	sld [smem:$0x3FBA];
	_ =	sdelay $0x3  }
0x37: {  	[smem:$0x3FBA] =	sst s10  }
0x38: {  	s10 =	sld [smem:$0x3FBB]  }
0x39: {  	_ = 	snop;
	(pc) =	sbr.ind lr, $3  }
0x3a: {  	_ = 	snop  }
0x3b: {  	_ = 	snop  }
0x3c: {  	p2 =	seq.s32 s10, $0x1;
	s10 =	sld [smem:$0x3FBA]  }
0x3d: {  	_ =	shalt  }
0x3e: {  	_ =	shalt  }
0x3f: {  	_ =	shalt  }
0x40: {  	_ =	shalt  }
0x41: {  	_ =	shalt  }
0x42: {  	_ =	shalt  }
0x43: {  	_ =	shalt  }
0x44: {  	_ =	shalt  }
0x45: {  	_ =	shalt  }
0x46: {  	_ =	shalt  }
0x47: {  	_ =	shalt  }
0x48: {  	_ =	shalt  }
0x49: {  	_ =	shalt  }
0x4a: {  	_ =	shalt  }
0x4b: {  	_ =	shalt  }
0x4c: {  	_ =	shalt  }
0x4d: {  	_ =	shalt  }
0x4e: {  	_ =	shalt  }
0x4f: {  	_ =	shalt  }
0x50: {  	_ =	shalt  }
0x51: {  	_ =	shalt  }
0x52: {  	_ =	shalt  }
0x53: {  	_ =	shalt  }
0x54: {  	_ =	shalt  }
0x55: {  	_ =	shalt  }
0x56: {  	_ =	shalt  }
0x57: {  	_ =	shalt  }
0x58: {  	_ =	shalt  }
0x59: {  	_ =	shalt  }
0x5a: {  	_ =	shalt  }
0x5b: {  	_ =	shalt  }
0x5c: {  	_ =	shalt  }
0x5d: {  	_ =	shalt  }
0x5e: {  	_ =	shalt  }
0x5f: {  	_ =	shalt  }
0x60: {  	_ =	shalt  }
0x61: {  	_ =	shalt  }
0x62: {  	_ =	shalt  }
0x63: {  	_ =	shalt  }
0x64: {  	_ =	shalt  }
0x65: {  	_ =	shalt  }
0x66: {  	_ =	shalt  }
0x67: {  	_ =	shalt  }
0x68: {  	_ =	shalt  }
0x69: {  	_ =	shalt  }
0x6a: {  	_ =	shalt  }
0x6b: {  	_ =	shalt  }
0x6c: {  	_ =	shalt  }
0x6d: {  	_ =	shalt  }
0x6e: {  	_ =	shalt  }
0x6f: {  	_ =	shalt  }
0x70: {  	_ =	shalt  }
0x71: {  	_ =	shalt  }
0x72: {  	_ =	shalt  }
0x73: {  	_ =	shalt  }
0x74: {  	_ =	shalt  }
0x75: {  	_ =	shalt  }
0x76: {  	_ =	shalt  }
0x77: {  	_ =	shalt  }
0x78: {  	_ =	shalt  }
0x79: {  	_ =	shalt  }
0x7a: {  	_ =	shalt  }
0x7b: {  	_ =	shalt  }
0x7c: {  	_ =	shalt  }
0x7d: {  	_ =	shalt  }
0x7e: {  	_ =	shalt  }
0x7f: {  	_ =	shalt  }
0x80: {  	_ =	shalt  }
0x81: {  	_ =	shalt  }
0x82: {  	_ =	shalt  }
0x83: {  	_ =	shalt  }
0x84: {  	_ =	shalt  }
0x85: {  	_ =	shalt  }
0x86: {  	_ =	shalt  }
0x87: {  	_ =	shalt  }
.Lfunc_end0:
.L_simem_size_0:
called_computation_lowered:
.L_overlay_start_0:
0x88: {  	s2 =	sld [smem:$0x3FD9]  }
0x89: {  	s3 =	sld [smem:$0x3FFE];
	_ =	sdelay $0x1  }
0x8a: {  	s1 =	srdreg.scid  }
0x8b: {  	s0 =	sand.u32 $0x1, s1  }
0x8c: {  	s17 =	sshll.u32 s0, $0xA;
	s2 =	sadd.s32 s3, s2  }
0x8d: {  	s2 =	sadd.s32 s2, s17  }
0x8e: {  	[smem:$0x3FC6] =	sst s2  }
0x8f: {  	_ = 	snop  }
0x90: {  	s2 =	sld [smem:$0x3FD0];
	(tm) =	ssettm $0x1  }
0x91: {  	s18 =	sld [smem:$0x3FFB];
	_ =	sdelay $0x3  }
0x92: {  	_ =	strace s18  }
0x93: {  	s3 =	sld [smem:$0x3FFC];
	_ =	sdelay $0x3  }
0x94: {  	_ =	strace s3  }
0x95: {  	s3 =	sld [smem:$0x3FFD];
	_ =	sdelay $0x3  }
0x96: {  	_ =	strace s3  }
0x97: {  	_ =	strace $0x8FFFFFFF  }
0x98: {  	s19 =	sld [smem:$0x3FDB];
	_ =	sdelay $0x1  }
0x99: {  	s4 =	simm.s32 $_scs_section_size  }
0x9a: {  	s5 =	simm.s32 $_size__tile_overlayer_lowered;
	s6 =	simm.s32 $_tile_overlayer_lowered  }
0x9b: {  	s22 =	simm.s32 $0x1BFF;
	s21 =	sshll.u32 s6, $0x1;
	s3 =	sadd.s32 s4, s19  }
0x9c: {  	s7 =	simm.s32 $0x0;
	s20 =	sshll.u32 s5, $0x1;
	s5 =	sadd.s32 s21, s3  }
0x9d: {  	[timem:s7], [sflag:s22] =	dma.local [hbm:s5], s20  }
0x9e: {  	_ =	swait.ge [sflag:s22], s20  }
0x9f: {  	s4 =	ssub.s32 $0x0, s20;
	[sflag:s22] =	ssyncset.done $0x0  }
0xa0: {  	[sflag:s22] =	ssyncadd.s32 s4;
	_ =	sdelay $0x1  }
0xa1: {  	s23 =	simm.s32 $0x1B8B  }
0xa2: {  	_ =	swait.ge [sflag:s23], $0x1  }
0xa3: {  	[sflag:s23] =	ssyncset.done $0x0  }
0xa4: {  	s25 =	simm.s32 $0x1B8E;
	s24 =	sld [smem:$0x3FFE];
	[sflag:s23] =	ssyncadd.s32 $0xFFFFFFFF  }
0xa5: {  	s26 =	simm.s32 $execute0_lowered;
	[smem:$0x3FD2] =	sst s25  }
0xa6: {  	s5 =	sshll.u32 s26, $0x1;
	_ =	strace $0x80000046;
	[dreg:$0x1] =	wrdreg $0xFFFFFFFF  }
0xa7: {  	s28 =	simm.s32 $_size_execute0_lowered;
	s3 =	sadd.s32 s3, s5;
	[dreg:$0x0] =	wrdreg $0x0  }
0xa8: {  	s5 =	sshll.u32 s28, $0x1;
	[dreg:$0x2] =	wrdreg s3  }
0xa9: {  	[dreg:$0x3] =	wrdreg s5  }
0xaa: {  	[dreg:$0x4] =	wrdreg $0xC0  }
0xab: {  	_ =	task [dreg:s7], $0x5FFFF  }
0xac: {  	[dreg:$0x1] =	wrdreg $0xFFFFFFFF  }
0xad: {  	[dreg:$0x0] =	wrdreg $0x60  }
0xae: {  	[dreg:$0x2] =	wrdreg s2  }
0xaf: {  	[dreg:$0x3] =	wrdreg s24  }
0xb0: {  	[dreg:$0x4] =	wrdreg $0x9  }
0xb1: {  	_ =	task.clear_ibuf [dreg:s7], $0x5FFFF;
	_ =	strace $0x90000046  }
0xb2: {  	s29 =	simm.s32 $0x9;
	_ =	strace $0x80000048  }
0xb3: {  	_ =	swait.ge [sflag:s29], $0x1  }
0xb4: {  	[sflag:s29] =	ssyncadd.s32 $0xFFFFFFFF  }
0xb5: {  	_ =	strace $0x90000048  }
0xb6: {  	_ =	sfence  }
0xb7: {  	s30 =	sld [smem:$0x0];
	_ =	sdelay $0x2  }
0xb8: {  	s31 =	sshll.u32 s1, $0xD;
	s1 =	sshrl.u32 s1, $0x2  }
0xb9: {  	s3 =	sand.u32 $0x4000, s31;
	s1 =	sadd.s32 s1, s30  }
0xba: {  	s0 =	sor.u32 s3, s0;
	s1 =	sshll.u32 s1, $0x11  }
0xbb: {  	s0 =	sor.u32 s1, s0  }
0xbc: {  	s0 =	sadd.s32 $0x8F2B, s0  }
0xbd: {  	[sflag:s0] =	ssyncadd.remote.s32 $0x1  }
0xbe: {  	_ =	sfence.sel $0xFFFF  }
0xbf: {  	[dreg:$0x0] =	wrdreg $0xFFFFFFFF;
	(pc) =	sbr.abs _section_cstart, $3  }
0xc0: {  	[dreg:$0x1] =	wrdreg $0xFFFFFFFF  }
0xc1: {  	_ =	task.clear_ibuf [dreg:s7], $0x2FFFF;
	_ =	strace $0x9FFFFFFF  }
0xc2: {  	(tm) =	ssettm $0x7FFFFFFF  }
0xc3: {  	_ =	shalt  }
tec
execute0_lowered:
.L_overlay_start_1:
0x0: {  	(tag) =	ssettag $0x1  }
0x1: {  	s0 =	rddreg [dreg:$0x1]  }
0x2: {  	s2 =	simm.s32 $0x0;
	s1 =	srdreg.scid;
	s5 =	stileid.u32  }
0x3: {  	s8 =	simm.s32 $0x2;
	s9 =	simm.s32 $0xC00;
	s10 =	simm.s32 $0x1400  }
0x4: {  	s11 =	simm.s32 $0x80;
	s12 =	simm.s32 $0x3000;
	s13 =	simm.s32 $0x7000  }
0x5: {  	s28 =	simm.s32 $0xA800;
	s29 =	simm.s32 $0x1380;
	s30 =	simm.s32 $0x6C00  }
0x6: {  	s31 =	simm.s32 $0x1B80;
	s14 =	simm.s32 $0x1C00;
	s15 =	simm.s32 $0x2000  }
0x7: {  	v1 =	vimm.s32 $0xDAFC9EB8;
	s16 =	simm.s32 $0x2400;
	s17 =	simm.s32 $0xB000;
	s19 =	simm.s32 $0x0  }
0x8: {  	v0 =	vlaneseq.u32;
	[smem:$0x7FF] =	sst s2;
	s1 =	sand.u32 $0x1, s1;
	s4 =	sadd.s32 $0x6000600, s0;
	v2 =	vunpack.c.l.s4.s8 v1  }
0x9: {  	v6 =	vimm.s32 $0x0;
	s7 =	sshll.u32 s5, $0x10;
	s5 =	sadd.s32 $0x600, s0;
	v1 =	vmul.u32 $0x3, v0;
	v3 =	vmul.u32 $0x2, v0;
	s3 =	ssub.s32 $0x2, s1  }
0xa: {  	v7 =	vimm.s32 $0x3;
	v8 =	vimm.s32 $0x5;
	_ =	strace $0x80000047;
	s1 =	sshll.u32 s1, $0xF;
	s6 =	sshrl.u32 s3, $0x1;
	v2 =	vunpack.c.0.s8.s32 v2  }
0xb: {  	v4 =	vadd.s32 $0x1, v1;
	v5 =	vadd.s32 $0x2, v1;
	v9 =	vor.u32 $0x1, v3;
	s26 =	ssub.s32 s3, s6;
	s6 =	sor.u32 s1, s7;
	s3 =	simm.s32 $0x1  }
0xc: {  	v10 =	vor.u32 $0x20, v3;
	v11 =	vor.u32 $0x21, v3;
	v12 =	vor.u32 $0x40, v3;
	s7 =	simm.s32 $0x2800;
	s1 =	simm.s32 $0x2C00;
	s0 =	smax.u32 s26, $0x1  }
0xd: {  	v13 =	vor.u32 $0x41, v3;
	v14 =	vor.u32 $0x60, v3;
	v15 =	vor.u32 $0x61, v3;
	s26 =	simm.s32 $0x1B00;
	[dreg:$0x3] =	wrdreg s0;
	s0 =	simm.s32 $0xAC00  }
.LBB2_1:
0xe: {  	[dreg:$0x4] =	wrdreg s19;
	s18 =	simm.s32 $0x0  }
.LBB2_2:
0xf: {  	s19 =	sshll.u32 s18, $0xA  }
0x10: {  	s19 =	sadd.s32 s6, s19  }
0x11: {  	s19 =	smul.u32 $0x3, s19;
	_ =	sdelay $0x1  }
0x12: {  	s20 =	rddreg [dreg:$0x0];
	s19 =	sshrl.u32 s19, $0x3  }
0x13: {  	s21 =	sadd.s32 s20, s19;
	s20 =	simm.s32 $0x0  }
0x14: {  	[tilespmem:s20], [sflag:$0x2] =	stream.linear.gather [hbm4b:s21+s20], $0xC00, $0x38;
	[tilespmem:$0xBC00] =	vst v63  }
0x15: {  	_ =	swait.ge [sflag:s8], $0xC00  }
0x16: {  	[sflag:s8] =	ssyncset.done $0x0  }
0x17: {  	s22 =	simm.s32 $0x0;
	s21 =	simm.s32 $0x0;
	[sflag:s8] =	ssyncadd.s32 $0xFFFFF400  }
.LBB2_3:
0x18: {  	v16 =	vmov s20  }
0x19: {  	v16 =	vmul.u32 $0x3, v16;
	_ =	sdelay $0x1  }
0x1a: {  	v16 =	vbroadcast v16, $0x0;
	_ =	sdelay $0x1  }
0x1b: {  	v18 =	vor.u32 v4, v16  }
0x1c: {  	v17 =	vor.u32 v1, v16;
	v16 =	vor.u32 v5, v16  }
0x1d: {  	v17 =	vand.u32 v2, v17;
	_ =	sdelay $0x2  }
0x1e: {  	v18 =	vld.idx.msk [tilespmem:v18+s2+$0x0], $0xffff  }
0x1f: {  	v16 =	vld.idx.msk [tilespmem:v16+s2+$0x0], $0xffff  }
0x20: {  	v17 =	vld.idx.msk [tilespmem:v17+s2+$0x0], $0xffff;
	_ =	sdelay $0x4  }
0x21: {  	v20 =	vand.u32 $0x7FFFFFFF, v16;
	v21 =	vand.u32 $0x7FFFFFFF, v18;
	v19 =	vand.u32 $0x7FFFFFFF, v17  }
0x22: {  	vm0 =	vge.f32 v19, v20;
	vm1 =	vge.f32 v19, v21  }
0x23: {  	vm0 =	vmneg vm0;
	vm1 =	vmneg vm1  }
0x24: {  	vm12 =	vge.f32 v20, v21;
	vm0 =	vmor vm1, vm0  }
0x25: {  	vm1 =	vmand vm12, vm0  }
0x26: {  	v20 =	vsel vm1, v20, v21  }
0x27: {  	v19 =	vsel vm0, v20, v19  }
0x28: {  	v19 =	vmax.f32 v19, $9.999999960e-13  }
0x29: {  	(erf) = vrcp.f32 v19;
	_ =	sdelay $0x5  }
0x2a: {  	v44 =	vsub.f32 $0.0e+00, v18  }
0x2b: {  	vm3 =	vge.f32 v16, $0.0e+00;
	v16 =	vsub.f32 $0.0e+00, v16;
	vm2 =	vge.f32 v17, $0.0e+00  }
0x2c: {  	v45 =	vsub.f32 $0.0e+00, v17;
	vm4 =	vge.f32 v44, $0.0e+00;
	v46 =	vsel vm3, v44, v18  }
0x2d: {  	vm2 =	vmneg vm2;
	vm5 =	vmor vm1, vm4;
	v16 =	vsel vm1, v46, v16;
	v47 =	vpop (erf)  }
0x2e: {  	v18 =	vsel vm2, v44, v18;
	v17 =	vsel vm5, v17, v45;
	v16 =	vmul.f32 v47, v16  }
0x2f: {  	v17 =	vsel vm0, v17, v18  }
0x30: {  	v17 =	vmul.f32 v47, v17;
	v16 =	vadd.f32 $1.000000000e+00, v16;
	_ =	sdelay $0x1  }
0x31: {  	v17 =	vadd.f32 $1.000000000e+00, v17;
	v16 =	vmul.f32 $5.000000000e-01, v16;
	_ =	sdelay $0x1  }
0x32: {  	v17 =	vmul.f32 $5.000000000e-01, v17;
	v16 =	vmul.f32 $1.024000000e+03, v16;
	_ =	sdelay $0x1  }
0x33: {  	s23 =	sshll.u32 s22, $0x7;
	v17 =	vmul.f32 $1.024000000e+03, v17;
	v16 =	vadd.f32 $-5.000000000e-01, v16  }
0x34: {  	v24 =	vor.u32 s23, v3;
	v49 =	vsel vm3, $0x2, v7;
	v48 =	vsel vm2, $0x1, v6  }
0x35: {  	v50 =	vsel vm4, $0x4, v8;
	v17 =	vadd.f32 $-5.000000000e-01, v17;
	v51 =	vtrunc.f32 v16  }
0x36: {  	v19 =	vsel vm1, v49, v50;
	v23 =	vcvt.f32.s32 v51;
	vm13 =	vlt.f32 v16, v51  }
0x37: {  	v18 =	vsel vm0, v19, v48;
	v22 =	vtrunc.f32 v17;
	v53 =	vsel vm13, $0xFFFFFFFF, v6  }
0x38: {  	v52 =	vcvt.f32.s32 v22;
	vm14 =	vlt.f32 v17, v22;
	v22 =	vadd.s32 v23, v53  }
0x39: {  	v18 =	vshll.u32 v18, $0x14;
	v54 =	vsel vm14, $0xFFFFFFFF, v6;
	vm15 =	vgt.s32 v22, $0x0  }
0x3a: {  	v55 =	vadd.s32 v52, v54;
	v57 =	vadd.s32 $0x1, v22;
	v56 =	vnsel vm15, $0x0, v22  }
0x3b: {  	vm4 =	vgt.s32 v55, $0x0;
	vm5 =	vgt.s32 v57, $0x0;
	v20 =	vmin.u32 v56, $0x3FF  }
0x3c: {  	v58 =	vnsel vm4, $0x0, v55;
	v21 =	vnsel vm5, $0x0, v57;
	v20 =	vshll.u32 v20, $0xA  }
0x3d: {  	v23 =	vmin.u32 v58, $0x3FF;
	v21 =	vmin.u32 v21, $0x3FF;
	v20 =	vor.u32 v18, v20  }
0x3e: {  	s24 =	sadd.s32 $0x10, s20;
	v59 =	vor.u32 s23, v9;
	v21 =	vshll.u32 v21, $0xA;
	v20 =	vor.u32 v23, v20  }
0x3f: {  	v28 =	vmov s24;
	v18 =	vor.u32 v18, v21;
	v20 =	vmul.u32 $0x3, v20  }
0x40: {  	v28 =	vmul.u32 $0x3, v28;
	v18 =	vor.u32 v23, v18  }
0x41: {  	v18 =	vmul.u32 $0x3, v18;
	v26 =	vshrl.u32 v20, $0x3  }
0x42: {  	v63 =	vbroadcast v28, $0x0;
	v25 =	vadd.s32 $0x1, v55;
	v27 =	vmin.u32 v26, $0x23FFFE  }
0x43: {  	vm6 =	vgt.s32 v25, $0x0;
	[tilespmem:v24+s9+$0x0] =	vst.idx.msk $0xffff, v26;
	v60 =	vshrl.u32 v18, $0x3;
	v27 =	vadd.s32 $0x1, v27  }
0x44: {  	v25 =	vnsel vm6, $0x0, v25;
	v61 =	vmin.u32 v60, $0x23FFFE;
	[tilespmem:v59+s9+$0x0] =	vst.idx.msk $0xffff, v27  }
0x45: {  	v30 =	vadd.s32 v1, v63;
	v25 =	vmin.u32 v25, $0x3FF;
	v62 =	vadd.s32 $0x1, v61;
	[tilespmem:v24+s10+$0x0] =	vst.idx.msk $0xffff, v60  }
0x46: {  	s24 =	sshra.s32 s21, $0x2;
	v19 =	vcvt.s32.f32 v55;
	v28 =	vsub.s32 v25, v23;
	v20 =	vand.u32 $0x7, v20;
	[tilespmem:v59+s10+$0x0] =	vst.idx.msk $0xffff, v62  }
0x47: {  	v22 =	vcvt.s32.f32 v22;
	v29 =	vmul.u32 $0x3, v28;
	v18 =	vand.u32 $0x7, v18;
	[tilespmem:s24+$0x1C00] =	vst v20  }
0x48: {  	v31 =	vadd.s32 v4, v63;
	v17 =	vsub.f32 v17, v19;
	[tilespmem:s24+$0x2000] =	vst v18  }
0x49: {  	v32 =	vadd.s32 v5, v63;
	v16 =	vsub.f32 v16, v22;
	[tilespmem:s24+$0x2400] =	vst v29  }
0x4a: {  	[tilespmem:s24+$0x2800] =	vst v17  }
0x4b: {  	[tilespmem:s24+$0x2C00] =	vst v16  }
0x4c: {  	v16 =	vld.idx.msk [tilespmem:v30+s2+$0x0], $0xffff  }
0x4d: {  	v17 =	vld.idx.msk [tilespmem:v31+s2+$0x0], $0xffff  }
0x4e: {  	v33 =	vld.idx.msk [tilespmem:v32+s2+$0x0], $0xffff;
	_ =	sdelay $0x4  }
0x4f: {  	v34 =	vand.u32 $0x7FFFFFFF, v16;
	v35 =	vand.u32 $0x7FFFFFFF, v33;
	v36 =	vand.u32 $0x7FFFFFFF, v17  }
0x50: {  	vm7 =	vge.f32 v34, v35;
	vm8 =	vge.f32 v34, v36  }
0x51: {  	vm0 =	vmneg vm7;
	vm1 =	vmneg vm8  }
0x52: {  	vm9 =	vge.f32 v35, v36;
	vm0 =	vmor vm1, vm0  }
0x53: {  	vm1 =	vmand vm9, vm0  }
0x54: {  	v20 =	vsel vm1, v35, v36  }
0x55: {  	v19 =	vsel vm0, v20, v34  }
0x56: {  	v19 =	vmax.f32 v19, $9.999999960e-13  }
0x57: {  	(erf) = vrcp.f32 v19;
	_ =	sdelay $0x4  }
0x58: {  	v37 =	vsub.f32 $0.0e+00, v17  }
0x59: {  	vm10 =	vge.f32 v16, $0.0e+00;
	vm11 =	vge.f32 v33, $0.0e+00  }
0x5a: {  	v38 =	vsub.f32 $0.0e+00, v16;
	v18 =	vsub.f32 $0.0e+00, v33;
	vm12 =	vge.f32 v37, $0.0e+00  }
0x5b: {  	vm2 =	vmneg vm10;
	v39 =	vsel vm11, v37, v17;
	vm13 =	vmor vm1, vm12  }
0x5c: {  	v17 =	vsel vm2, v37, v17;
	v18 =	vsel vm1, v39, v18;
	v16 =	vsel vm13, v16, v38;
	v40 =	vpop (erf)  }
0x5d: {  	v16 =	vsel vm0, v16, v17;
	v17 =	vmul.f32 v40, v18;
	_ =	sdelay $0x1  }
0x5e: {  	v16 =	vmul.f32 v40, v16;
	v17 =	vadd.f32 $1.000000000e+00, v17;
	_ =	sdelay $0x1  }
0x5f: {  	v16 =	vadd.f32 $1.000000000e+00, v16;
	v17 =	vmul.f32 $5.000000000e-01, v17;
	_ =	sdelay $0x1  }
0x60: {  	v16 =	vmul.f32 $5.000000000e-01, v16;
	v17 =	vmul.f32 $1.024000000e+03, v17;
	_ =	sdelay $0x1  }
0x61: {  	v16 =	vmul.f32 $1.024000000e+03, v16;
	v17 =	vadd.f32 $-5.000000000e-01, v17  }
0x62: {  	v54 =	vor.u32 s23, v10;
	v42 =	vsel vm11, $0x2, v7;
	v41 =	vsel vm2, $0x1, v6  }
0x63: {  	v43 =	vsel vm12, $0x4, v8;
	v16 =	vadd.f32 $-5.000000000e-01, v16;
	v44 =	vtrunc.f32 v17  }
0x64: {  	v19 =	vsel vm1, v42, v43;
	v46 =	vcvt.f32.s32 v44;
	vm14 =	vlt.f32 v17, v44  }
0x65: {  	v18 =	vsel vm0, v19, v41;
	v45 =	vtrunc.f32 v16;
	v48 =	vsel vm14, $0xFFFFFFFF, v6  }
0x66: {  	v47 =	vcvt.f32.s32 v45;
	vm15 =	vlt.f32 v16, v45;
	v22 =	vadd.s32 v46, v48  }
0x67: {  	v18 =	vshll.u32 v18, $0x14;
	v49 =	vsel vm15, $0xFFFFFFFF, v6;
	vm4 =	vgt.s32 v22, $0x0  }
0x68: {  	v50 =	vadd.s32 v47, v49;
	v52 =	vadd.s32 $0x1, v22;
	v51 =	vnsel vm4, $0x0, v22  }
0x69: {  	vm5 =	vgt.s32 v50, $0x0;
	vm6 =	vgt.s32 v52, $0x0;
	v20 =	vmin.u32 v51, $0x3FF  }
0x6a: {  	v53 =	vnsel vm5, $0x0, v50;
	v21 =	vnsel vm6, $0x0, v52;
	v20 =	vshll.u32 v20, $0xA  }
0x6b: {  	v23 =	vmin.u32 v53, $0x3FF;
	v21 =	vmin.u32 v21, $0x3FF;
	v20 =	vor.u32 v18, v20  }
0x6c: {  	s25 =	sadd.s32 $0x20, s20;
	v55 =	vor.u32 s23, v11;
	v21 =	vshll.u32 v21, $0xA;
	v20 =	vor.u32 v23, v20  }
0x6d: {  	v59 =	vmov s25;
	v18 =	vor.u32 v18, v21;
	v20 =	vmul.u32 $0x3, v20  }
0x6e: {  	v28 =	vmul.u32 $0x3, v59;
	v18 =	vor.u32 v23, v18  }
0x6f: {  	v18 =	vmul.u32 $0x3, v18;
	v57 =	vshrl.u32 v20, $0x3  }
0x70: {  	v63 =	vbroadcast v28, $0x0;
	v56 =	vadd.s32 $0x1, v50;
	v58 =	vmin.u32 v57, $0x23FFFE  }
0x71: {  	vm7 =	vgt.s32 v56, $0x0;
	[tilespmem:v54+s9+$0x0] =	vst.idx.msk $0xffff, v57;
	v60 =	vshrl.u32 v18, $0x3;
	v27 =	vadd.s32 $0x1, v58  }
0x72: {  	v25 =	vnsel vm7, $0x0, v56;
	v61 =	vmin.u32 v60, $0x23FFFE;
	[tilespmem:v55+s9+$0x0] =	vst.idx.msk $0xffff, v27  }
0x73: {  	v29 =	vadd.s32 v1, v63;
	v25 =	vmin.u32 v25, $0x3FF;
	v62 =	vadd.s32 $0x1, v61;
	[tilespmem:v54+s10+$0x0] =	vst.idx.msk $0xffff, v60  }
0x74: {  	v19 =	vcvt.s32.f32 v50;
	v20 =	vand.u32 $0x7, v20;
	v27 =	vsub.s32 v25, v23;
	[tilespmem:v55+s10+$0x0] =	vst.idx.msk $0xffff, v62  }
0x75: {  	v22 =	vcvt.s32.f32 v22;
	v18 =	vand.u32 $0x7, v18;
	v28 =	vmul.u32 $0x3, v27;
	[tilespmem:s24+$0x1C10] =	vst v20  }
0x76: {  	v30 =	vadd.s32 v4, v63;
	v16 =	vsub.f32 v16, v19;
	[tilespmem:s24+$0x2010] =	vst v18  }
0x77: {  	v31 =	vadd.s32 v5, v63;
	v17 =	vsub.f32 v17, v22;
	[tilespmem:s24+$0x2410] =	vst v28  }
0x78: {  	[tilespmem:s24+$0x2810] =	vst v16  }
0x79: {  	[tilespmem:s24+$0x2C10] =	vst v17  }
0x7a: {  	v16 =	vld.idx.msk [tilespmem:v29+s2+$0x0], $0xffff  }
0x7b: {  	v17 =	vld.idx.msk [tilespmem:v30+s2+$0x0], $0xffff  }
0x7c: {  	v32 =	vld.idx.msk [tilespmem:v31+s2+$0x0], $0xffff;
	_ =	sdelay $0x4  }
0x7d: {  	v33 =	vand.u32 $0x7FFFFFFF, v16;
	v34 =	vand.u32 $0x7FFFFFFF, v32;
	v35 =	vand.u32 $0x7FFFFFFF, v17  }
0x7e: {  	vm8 =	vge.f32 v33, v34;
	vm9 =	vge.f32 v33, v35  }
0x7f: {  	vm0 =	vmneg vm8;
	vm1 =	vmneg vm9  }
0x80: {  	vm10 =	vge.f32 v34, v35;
	vm0 =	vmor vm1, vm0  }
0x81: {  	vm1 =	vmand vm10, vm0  }
0x82: {  	v20 =	vsel vm1, v34, v35  }
0x83: {  	v19 =	vsel vm0, v20, v33  }
0x84: {  	v19 =	vmax.f32 v19, $9.999999960e-13  }
0x85: {  	(erf) = vrcp.f32 v19;
	_ =	sdelay $0x4  }
0x86: {  	v36 =	vsub.f32 $0.0e+00, v17  }
0x87: {  	vm11 =	vge.f32 v16, $0.0e+00;
	vm12 =	vge.f32 v32, $0.0e+00  }
0x88: {  	v37 =	vsub.f32 $0.0e+00, v16;
	v18 =	vsub.f32 $0.0e+00, v32;
	vm13 =	vge.f32 v36, $0.0e+00  }
0x89: {  	vm2 =	vmneg vm11;
	v38 =	vsel vm12, v36, v17;
	vm14 =	vmor vm1, vm13  }
0x8a: {  	v17 =	vsel vm2, v36, v17;
	v18 =	vsel vm1, v38, v18;
	v16 =	vsel vm14, v16, v37;
	v39 =	vpop (erf)  }
0x8b: {  	v16 =	vsel vm0, v16, v17;
	v17 =	vmul.f32 v39, v18;
	_ =	sdelay $0x1  }
0x8c: {  	v16 =	vmul.f32 v39, v16;
	v17 =	vadd.f32 $1.000000000e+00, v17;
	_ =	sdelay $0x1  }
0x8d: {  	v16 =	vadd.f32 $1.000000000e+00, v16;
	v17 =	vmul.f32 $5.000000000e-01, v17;
	_ =	sdelay $0x1  }
0x8e: {  	v16 =	vmul.f32 $5.000000000e-01, v16;
	v17 =	vmul.f32 $1.024000000e+03, v17;
	_ =	sdelay $0x1  }
0x8f: {  	v16 =	vmul.f32 $1.024000000e+03, v16;
	v17 =	vadd.f32 $-5.000000000e-01, v17  }
0x90: {  	v53 =	vor.u32 s23, v12;
	v41 =	vsel vm12, $0x2, v7;
	v40 =	vsel vm2, $0x1, v6  }
0x91: {  	v42 =	vsel vm13, $0x4, v8;
	v16 =	vadd.f32 $-5.000000000e-01, v16;
	v43 =	vtrunc.f32 v17  }
0x92: {  	v19 =	vsel vm1, v41, v42;
	v45 =	vcvt.f32.s32 v43;
	vm15 =	vlt.f32 v17, v43  }
0x93: {  	v18 =	vsel vm0, v19, v40;
	v44 =	vtrunc.f32 v16;
	v47 =	vsel vm15, $0xFFFFFFFF, v6  }
0x94: {  	v46 =	vcvt.f32.s32 v44;
	vm6 =	vlt.f32 v16, v44;
	v22 =	vadd.s32 v45, v47  }
0x95: {  	v18 =	vshll.u32 v18, $0x14;
	v48 =	vsel vm6, $0xFFFFFFFF, v6;
	vm7 =	vgt.s32 v22, $0x0  }
0x96: {  	v49 =	vadd.s32 v46, v48;
	v51 =	vadd.s32 $0x1, v22;
	v50 =	vnsel vm7, $0x0, v22  }
0x97: {  	vm8 =	vgt.s32 v49, $0x0;
	vm9 =	vgt.s32 v51, $0x0;
	v20 =	vmin.u32 v50, $0x3FF  }
0x98: {  	v52 =	vnsel vm8, $0x0, v49;
	v21 =	vnsel vm9, $0x0, v51;
	v20 =	vshll.u32 v20, $0xA  }
0x99: {  	s25 =	sadd.s32 $0x30, s20;
	v23 =	vmin.u32 v52, $0x3FF;
	v21 =	vmin.u32 v21, $0x3FF;
	v20 =	vor.u32 v18, v20  }
0x9a: {  	v58 =	vmov s25;
	v21 =	vshll.u32 v21, $0xA;
	v20 =	vor.u32 v23, v20  }
0x9b: {  	v54 =	vor.u32 s23, v13;
	v18 =	vor.u32 v18, v21;
	v20 =	vmul.u32 $0x3, v20  }
0x9c: {  	v28 =	vmul.u32 $0x3, v58;
	v18 =	vor.u32 v23, v18  }
0x9d: {  	v18 =	vmul.u32 $0x3, v18;
	v56 =	vshrl.u32 v20, $0x3  }
0x9e: {  	v63 =	vbroadcast v28, $0x0;
	v55 =	vadd.s32 $0x1, v49;
	v57 =	vmin.u32 v56, $0x23FFFE  }
0x9f: {  	vm10 =	vgt.s32 v55, $0x0;
	[tilespmem:v53+s9+$0x0] =	vst.idx.msk $0xffff, v56;
	v59 =	vshrl.u32 v18, $0x3;
	v27 =	vadd.s32 $0x1, v57  }
0xa0: {  	v25 =	vnsel vm10, $0x0, v55;
	v60 =	vmin.u32 v59, $0x23FFFE;
	[tilespmem:v54+s9+$0x0] =	vst.idx.msk $0xffff, v27  }
0xa1: {  	v29 =	vadd.s32 v1, v63;
	v61 =	vmin.u32 v25, $0x3FF;
	v62 =	vadd.s32 $0x1, v60;
	[tilespmem:v53+s10+$0x0] =	vst.idx.msk $0xffff, v59  }
0xa2: {  	v19 =	vcvt.s32.f32 v49;
	v20 =	vand.u32 $0x7, v20;
	v27 =	vsub.s32 v61, v23;
	[tilespmem:v54+s10+$0x0] =	vst.idx.msk $0xffff, v62  }
0xa3: {  	v22 =	vcvt.s32.f32 v22;
	v18 =	vand.u32 $0x7, v18;
	v28 =	vmul.u32 $0x3, v27;
	[tilespmem:s24+$0x1C20] =	vst v20  }
0xa4: {  	v30 =	vadd.s32 v4, v63;
	v16 =	vsub.f32 v16, v19;
	[tilespmem:s24+$0x2020] =	vst v18  }
0xa5: {  	v31 =	vadd.s32 v5, v63;
	v17 =	vsub.f32 v17, v22;
	[tilespmem:s24+$0x2420] =	vst v28  }
0xa6: {  	[tilespmem:s24+$0x2820] =	vst v16  }
0xa7: {  	[tilespmem:s24+$0x2C20] =	vst v17  }
0xa8: {  	v16 =	vld.idx.msk [tilespmem:v29+s2+$0x0], $0xffff  }
0xa9: {  	v17 =	vld.idx.msk [tilespmem:v30+s2+$0x0], $0xffff  }
0xaa: {  	v32 =	vld.idx.msk [tilespmem:v31+s2+$0x0], $0xffff;
	_ =	sdelay $0x4  }
0xab: {  	v33 =	vand.u32 $0x7FFFFFFF, v16;
	v34 =	vand.u32 $0x7FFFFFFF, v32;
	v35 =	vand.u32 $0x7FFFFFFF, v17  }
0xac: {  	vm11 =	vge.f32 v33, v34;
	vm12 =	vge.f32 v33, v35  }
0xad: {  	vm0 =	vmneg vm11;
	vm1 =	vmneg vm12  }
0xae: {  	vm13 =	vge.f32 v34, v35;
	vm0 =	vmor vm1, vm0  }
0xaf: {  	vm1 =	vmand vm13, vm0  }
0xb0: {  	v20 =	vsel vm1, v34, v35  }
0xb1: {  	v19 =	vsel vm0, v20, v33  }
0xb2: {  	v19 =	vmax.f32 v19, $9.999999960e-13  }
0xb3: {  	(erf) = vrcp.f32 v19;
	_ =	sdelay $0x4  }
0xb4: {  	v36 =	vsub.f32 $0.0e+00, v17  }
0xb5: {  	vm14 =	vge.f32 v16, $0.0e+00;
	vm15 =	vge.f32 v32, $0.0e+00  }
0xb6: {  	v37 =	vsub.f32 $0.0e+00, v16;
	v18 =	vsub.f32 $0.0e+00, v32;
	vm8 =	vge.f32 v36, $0.0e+00  }
0xb7: {  	vm2 =	vmneg vm14;
	v38 =	vsel vm15, v36, v17;
	vm9 =	vmor vm1, vm8  }
0xb8: {  	v17 =	vsel vm2, v36, v17;
	v18 =	vsel vm1, v38, v18;
	v16 =	vsel vm9, v16, v37;
	v39 =	vpop (erf)  }
0xb9: {  	v16 =	vsel vm0, v16, v17;
	v17 =	vmul.f32 v39, v18;
	_ =	sdelay $0x1  }
0xba: {  	v16 =	vmul.f32 v39, v16;
	v17 =	vadd.f32 $1.000000000e+00, v17;
	_ =	sdelay $0x1  }
0xbb: {  	v16 =	vadd.f32 $1.000000000e+00, v16;
	v17 =	vmul.f32 $5.000000000e-01, v17;
	_ =	sdelay $0x1  }
0xbc: {  	v16 =	vmul.f32 $5.000000000e-01, v16;
	v17 =	vmul.f32 $1.024000000e+03, v17;
	_ =	sdelay $0x1  }
0xbd: {  	v16 =	vmul.f32 $1.024000000e+03, v16;
	v17 =	vadd.f32 $-5.000000000e-01, v17  }
0xbe: {  	v41 =	vsel vm15, $0x2, v7;
	v40 =	vsel vm2, $0x1, v6  }
0xbf: {  	v42 =	vsel vm8, $0x4, v8;
	v16 =	vadd.f32 $-5.000000000e-01, v16;
	v43 =	vtrunc.f32 v17  }
0xc0: {  	v19 =	vsel vm1, v41, v42;
	v45 =	vcvt.f32.s32 v43;
	vm10 =	vlt.f32 v17, v43  }
0xc1: {  	v18 =	vsel vm0, v19, v40;
	v44 =	vtrunc.f32 v16;
	v47 =	vsel vm10, $0xFFFFFFFF, v6  }
0xc2: {  	v46 =	vcvt.f32.s32 v44;
	vm11 =	vlt.f32 v16, v44;
	v22 =	vadd.s32 v45, v47  }
0xc3: {  	v18 =	vshll.u32 v18, $0x14;
	v48 =	vsel vm11, $0xFFFFFFFF, v6;
	vm12 =	vgt.s32 v22, $0x0  }
0xc4: {  	v49 =	vadd.s32 v46, v48;
	v51 =	vadd.s32 $0x1, v22;
	v50 =	vnsel vm12, $0x0, v22  }
0xc5: {  	vm13 =	vgt.s32 v49, $0x0;
	vm14 =	vgt.s32 v51, $0x0;
	v20 =	vmin.u32 v50, $0x3FF  }
0xc6: {  	v52 =	vnsel vm13, $0x0, v49;
	v21 =	vnsel vm14, $0x0, v51;
	v20 =	vshll.u32 v20, $0xA  }
0xc7: {  	v23 =	vmin.u32 v52, $0x3FF;
	v21 =	vmin.u32 v21, $0x3FF;
	v20 =	vor.u32 v18, v20  }
0xc8: {  	v53 =	vor.u32 s23, v14;
	v21 =	vshll.u32 v21, $0xA;
	v20 =	vor.u32 v23, v20  }
0xc9: {  	v54 =	vor.u32 s23, v15;
	v18 =	vor.u32 v18, v21;
	v20 =	vmul.u32 $0x3, v20  }
0xca: {  	v18 =	vor.u32 v23, v18  }
0xcb: {  	v18 =	vmul.u32 $0x3, v18;
	v55 =	vshrl.u32 v20, $0x3  }
0xcc: {  	v56 =	vadd.s32 $0x1, v49;
	v57 =	vmin.u32 v55, $0x23FFFE  }
0xcd: {  	vm15 =	vgt.s32 v56, $0x0;
	[tilespmem:v53+s9+$0x0] =	vst.idx.msk $0xffff, v55;
	v58 =	vshrl.u32 v18, $0x3;
	v27 =	vadd.s32 $0x1, v57  }
0xce: {  	v26 =	vnsel vm15, $0x0, v56;
	v59 =	vmin.u32 v58, $0x23FFFE;
	[tilespmem:v54+s9+$0x0] =	vst.idx.msk $0xffff, v27  }
0xcf: {  	v60 =	vmin.u32 v26, $0x3FF;
	v61 =	vadd.s32 $0x1, v59;
	[tilespmem:v53+s10+$0x0] =	vst.idx.msk $0xffff, v58  }
0xd0: {  	p0 =	sne.s32 s21, $0xF00;
	v19 =	vcvt.s32.f32 v49;
	v62 =	vsub.s32 v60, v23;
	v20 =	vand.u32 $0x7, v20;
	[tilespmem:v54+s10+$0x0] =	vst.idx.msk $0xffff, v61  }
.Ltmp0:
0xd1: {  	v22 =	vcvt.s32.f32 v22;
	v63 =	vmul.u32 $0x3, v62;
	v18 =	vand.u32 $0x7, v18;
	[tilespmem:s24+$0x1C30] =	vst v20;
	(pc) =	sbr.rel @p0 .LBB2_3-.Ltmp0, $4  }
0xd2: {  	v16 =	vsub.f32 v16, v19;
	[tilespmem:s24+$0x2030] =	vst v18  }
0xd3: {  	v17 =	vsub.f32 v17, v22;
	[tilespmem:s24+$0x2430] =	vst v63  }
0xd4: {  	[tilespmem:s24+$0x2830] =	vst v16  }
0xd5: {  	s22 =	sadd.s32 $0x1, s22;
	s21 =	sadd.s32 $0x100, s21;
	s20 =	sadd.s32 $0x40, s20;
	[tilespmem:s24+$0x2C30] =	vst v17  }
0xd6: {  	[tilespmem:s12], [sflag:$0x1] =	stream.indirect.gather [hbm4b:s4+s11], $0x8, s9, s11, $0xb8;
	[tilespmem:$0xBC00] =	vst v63  }
0xd7: {  	_ = 	snop  }
0xd8: {  	[tilespmem:s13], [sflag:$0x1] =	stream.indirect.gather [hbm4b:s4+s11], $0x8, s10, s11, $0xb8;
	[tilespmem:$0xBC00] =	vst v63  }
0xd9: {  	s20 =	simm.s32 $0xC80;
	s21 =	simm.s32 $0x3400  }
0xda: {  	[tilespmem:s21], [sflag:$0x1] =	stream.indirect.gather [hbm4b:s4+s11], $0x8, s20, s11, $0xb8;
	[tilespmem:$0xBC00] =	vst v63  }
0xdb: {  	s22 =	simm.s32 $0x1480;
	s23 =	simm.s32 $0x7400  }
0xdc: {  	[tilespmem:s23], [sflag:$0x1] =	stream.indirect.gather [hbm4b:s4+s11], $0x8, s22, s11, $0xb8;
	[tilespmem:$0xBC00] =	vst v63  }
0xdd: {  	s24 =	simm.s32 $0xD00;
	s25 =	simm.s32 $0x3800  }
0xde: {  	[tilespmem:s25], [sflag:$0x1] =	stream.indirect.gather [hbm4b:s4+s11], $0x8, s24, s11, $0xb8;
	[tilespmem:$0xBC00] =	vst v63  }
0xdf: {  	s22 =	simm.s32 $0x1500;
	s23 =	simm.s32 $0x7800  }
0xe0: {  	[tilespmem:s23], [sflag:$0x1] =	stream.indirect.gather [hbm4b:s4+s11], $0x8, s22, s11, $0xb8;
	[tilespmem:$0xBC00] =	vst v63  }
0xe1: {  	s24 =	simm.s32 $0xD80;
	s25 =	simm.s32 $0x3C00  }
0xe2: {  	[tilespmem:s25], [sflag:$0x1] =	stream.indirect.gather [hbm4b:s4+s11], $0x8, s24, s11, $0xb8;
	[tilespmem:$0xBC00] =	vst v63  }
0xe3: {  	s22 =	simm.s32 $0x1580;
	s23 =	simm.s32 $0x7C00  }
0xe4: {  	[tilespmem:s23], [sflag:$0x1] =	stream.indirect.gather [hbm4b:s4+s11], $0x8, s22, s11, $0xb8;
	[tilespmem:$0xBC00] =	vst v63  }
0xe5: {  	s24 =	simm.s32 $0xE00;
	s25 =	simm.s32 $0x4000  }
0xe6: {  	[tilespmem:s25], [sflag:$0x1] =	stream.indirect.gather [hbm4b:s4+s11], $0x8, s24, s11, $0xb8;
	[tilespmem:$0xBC00] =	vst v63  }
0xe7: {  	s22 =	simm.s32 $0x1600;
	s23 =	simm.s32 $0x8000  }
0xe8: {  	[tilespmem:s23], [sflag:$0x1] =	stream.indirect.gather [hbm4b:s4+s11], $0x8, s22, s11, $0xb8;
	[tilespmem:$0xBC00] =	vst v63  }
0xe9: {  	s24 =	simm.s32 $0xE80;
	s25 =	simm.s32 $0x4400  }
0xea: {  	[tilespmem:s25], [sflag:$0x1] =	stream.indirect.gather [hbm4b:s4+s11], $0x8, s24, s11, $0xb8;
	[tilespmem:$0xBC00] =	vst v63  }
0xeb: {  	s22 =	simm.s32 $0x1680;
	s23 =	simm.s32 $0x8400  }
0xec: {  	[tilespmem:s23], [sflag:$0x1] =	stream.indirect.gather [hbm4b:s4+s11], $0x8, s22, s11, $0xb8;
	[tilespmem:$0xBC00] =	vst v63  }
0xed: {  	s24 =	simm.s32 $0xF00;
	s25 =	simm.s32 $0x4800  }
0xee: {  	[tilespmem:s25], [sflag:$0x1] =	stream.indirect.gather [hbm4b:s4+s11], $0x8, s24, s11, $0xb8;
	[tilespmem:$0xBC00] =	vst v63  }
0xef: {  	s22 =	simm.s32 $0x1700;
	s23 =	simm.s32 $0x8800  }
0xf0: {  	[tilespmem:s23], [sflag:$0x1] =	stream.indirect.gather [hbm4b:s4+s11], $0x8, s22, s11, $0xb8;
	[tilespmem:$0xBC00] =	vst v63  }
0xf1: {  	s24 =	simm.s32 $0xF80;
	s25 =	simm.s32 $0x4C00  }
0xf2: {  	[tilespmem:s25], [sflag:$0x1] =	stream.indirect.gather [hbm4b:s4+s11], $0x8, s24, s11, $0xb8;
	[tilespmem:$0xBC00] =	vst v63  }
0xf3: {  	s22 =	simm.s32 $0x1780;
	s23 =	simm.s32 $0x8C00  }
0xf4: {  	[tilespmem:s23], [sflag:$0x1] =	stream.indirect.gather [hbm4b:s4+s11], $0x8, s22, s11, $0xb8;
	[tilespmem:$0xBC00] =	vst v63  }
0xf5: {  	s24 =	simm.s32 $0x1000;
	s25 =	simm.s32 $0x5000  }
0xf6: {  	[tilespmem:s25], [sflag:$0x1] =	stream.indirect.gather [hbm4b:s4+s11], $0x8, s24, s11, $0xb8;
	[tilespmem:$0xBC00] =	vst v63  }
0xf7: {  	s22 =	simm.s32 $0x1800;
	s23 =	simm.s32 $0x9000  }
0xf8: {  	[tilespmem:s23], [sflag:$0x1] =	stream.indirect.gather [hbm4b:s4+s11], $0x8, s22, s11, $0xb8;
	[tilespmem:$0xBC00] =	vst v63  }
0xf9: {  	s24 =	simm.s32 $0x1080;
	s25 =	simm.s32 $0x5400  }
0xfa: {  	[tilespmem:s25], [sflag:$0x1] =	stream.indirect.gather [hbm4b:s4+s11], $0x8, s24, s11, $0xb8;
	[tilespmem:$0xBC00] =	vst v63  }
0xfb: {  	s22 =	simm.s32 $0x1880;
	s23 =	simm.s32 $0x9400  }
0xfc: {  	[tilespmem:s23], [sflag:$0x1] =	stream.indirect.gather [hbm4b:s4+s11], $0x8, s22, s11, $0xb8;
	[tilespmem:$0xBC00] =	vst v63  }
0xfd: {  	s24 =	simm.s32 $0x1100;
	s25 =	simm.s32 $0x5800  }
0xfe: {  	[tilespmem:s25], [sflag:$0x1] =	stream.indirect.gather [hbm4b:s4+s11], $0x8, s24, s11, $0xb8;
	[tilespmem:$0xBC00] =	vst v63  }
0xff: {  	s22 =	simm.s32 $0x1900;
	s23 =	simm.s32 $0x9800  }
0x100: {  	[tilespmem:s23], [sflag:$0x1] =	stream.indirect.gather [hbm4b:s4+s11], $0x8, s22, s11, $0xb8;
	[tilespmem:$0xBC00] =	vst v63  }
0x101: {  	s24 =	simm.s32 $0x1180;
	s25 =	simm.s32 $0x5C00  }
0x102: {  	[tilespmem:s25], [sflag:$0x1] =	stream.indirect.gather [hbm4b:s4+s11], $0x8, s24, s11, $0xb8;
	[tilespmem:$0xBC00] =	vst v63  }
0x103: {  	s22 =	simm.s32 $0x1980;
	s23 =	simm.s32 $0x9C00  }
0x104: {  	[tilespmem:s23], [sflag:$0x1] =	stream.indirect.gather [hbm4b:s4+s11], $0x8, s22, s11, $0xb8;
	[tilespmem:$0xBC00] =	vst v63  }
0x105: {  	s24 =	simm.s32 $0x1200;
	s25 =	simm.s32 $0x6000  }
0x106: {  	[tilespmem:s25], [sflag:$0x1] =	stream.indirect.gather [hbm4b:s4+s11], $0x8, s24, s11, $0xb8;
	[tilespmem:$0xBC00] =	vst v63  }
0x107: {  	s22 =	simm.s32 $0x1A00;
	s23 =	simm.s32 $0xA000  }
0x108: {  	[tilespmem:s23], [sflag:$0x1] =	stream.indirect.gather [hbm4b:s4+s11], $0x8, s22, s11, $0xb8;
	[tilespmem:$0xBC00] =	vst v63  }
0x109: {  	s24 =	simm.s32 $0x1280;
	s25 =	simm.s32 $0x6400  }
0x10a: {  	[tilespmem:s25], [sflag:$0x1] =	stream.indirect.gather [hbm4b:s4+s11], $0x8, s24, s11, $0xb8;
	[tilespmem:$0xBC00] =	vst v63  }
0x10b: {  	s22 =	simm.s32 $0x1A80;
	s23 =	simm.s32 $0xA400  }
0x10c: {  	[tilespmem:s23], [sflag:$0x1] =	stream.indirect.gather [hbm4b:s4+s11], $0x8, s22, s11, $0xb8;
	[tilespmem:$0xBC00] =	vst v63  }
0x10d: {  	s24 =	simm.s32 $0x1300;
	s25 =	simm.s32 $0x6800  }
0x10e: {  	[tilespmem:s25], [sflag:$0x1] =	stream.indirect.gather [hbm4b:s4+s11], $0x8, s24, s11, $0xb8;
	[tilespmem:$0xBC00] =	vst v63  }
0x10f: {  	_ = 	snop  }
0x110: {  	[tilespmem:s28], [sflag:$0x1] =	stream.indirect.gather [hbm4b:s4+s11], $0x8, s26, s11, $0xb8;
	[tilespmem:$0xBC00] =	vst v63  }
0x111: {  	_ = 	snop  }
0x112: {  	[tilespmem:s30], [sflag:$0x1] =	stream.indirect.gather [hbm4b:s4+s11], $0x8, s29, s11, $0xb8;
	[tilespmem:$0xBC00] =	vst v63  }
0x113: {  	_ = 	snop  }
0x114: {  	[tilespmem:s0], [sflag:$0x1] =	stream.indirect.gather [hbm4b:s4+s11], $0x8, s31, s11, $0xb8;
	[tilespmem:$0xBC00] =	vst v63  }
0x115: {  	_ =	swait.ge [sflag:s3], $0x400  }
0x116: {  	[sflag:s3] =	ssyncset.done $0x0  }
0x117: {  	[sflag:s3] =	ssyncadd.s32 $0xFFFFFC00  }
0x118: {  	_ =	swait.ge [sflag:s3], $0x400  }
0x119: {  	[sflag:s3] =	ssyncset.done $0x0  }
0x11a: {  	[sflag:s3] =	ssyncadd.s32 $0xFFFFFC00  }
0x11b: {  	_ =	swait.ge [sflag:s3], $0x400  }
0x11c: {  	[sflag:s3] =	ssyncset.done $0x0  }
0x11d: {  	[sflag:s3] =	ssyncadd.s32 $0xFFFFFC00  }
0x11e: {  	_ =	swait.ge [sflag:s3], $0x400  }
0x11f: {  	[sflag:s3] =	ssyncset.done $0x0  }
0x120: {  	[sflag:s3] =	ssyncadd.s32 $0xFFFFFC00  }
0x121: {  	_ =	swait.ge [sflag:s3], $0x400  }
0x122: {  	[sflag:s3] =	ssyncset.done $0x0  }
0x123: {  	[sflag:s3] =	ssyncadd.s32 $0xFFFFFC00  }
0x124: {  	_ =	swait.ge [sflag:s3], $0x400  }
0x125: {  	[sflag:s3] =	ssyncset.done $0x0  }
0x126: {  	[sflag:s3] =	ssyncadd.s32 $0xFFFFFC00  }
0x127: {  	_ =	swait.ge [sflag:s3], $0x400  }
0x128: {  	[sflag:s3] =	ssyncset.done $0x0  }
0x129: {  	[sflag:s3] =	ssyncadd.s32 $0xFFFFFC00  }
0x12a: {  	_ =	swait.ge [sflag:s3], $0x400  }
0x12b: {  	[sflag:s3] =	ssyncset.done $0x0  }
0x12c: {  	[sflag:s3] =	ssyncadd.s32 $0xFFFFFC00  }
0x12d: {  	_ =	swait.ge [sflag:s3], $0x400  }
0x12e: {  	[sflag:s3] =	ssyncset.done $0x0  }
0x12f: {  	[sflag:s3] =	ssyncadd.s32 $0xFFFFFC00  }
0x130: {  	_ =	swait.ge [sflag:s3], $0x400  }
0x131: {  	[sflag:s3] =	ssyncset.done $0x0  }
0x132: {  	[sflag:s3] =	ssyncadd.s32 $0xFFFFFC00  }
0x133: {  	_ =	swait.ge [sflag:s3], $0x400  }
0x134: {  	[sflag:s3] =	ssyncset.done $0x0  }
0x135: {  	[sflag:s3] =	ssyncadd.s32 $0xFFFFFC00  }
0x136: {  	_ =	swait.ge [sflag:s3], $0x400  }
0x137: {  	[sflag:s3] =	ssyncset.done $0x0  }
0x138: {  	[sflag:s3] =	ssyncadd.s32 $0xFFFFFC00  }
0x139: {  	_ =	swait.ge [sflag:s3], $0x400  }
0x13a: {  	[sflag:s3] =	ssyncset.done $0x0  }
0x13b: {  	[sflag:s3] =	ssyncadd.s32 $0xFFFFFC00  }
0x13c: {  	_ =	swait.ge [sflag:s3], $0x400  }
0x13d: {  	[sflag:s3] =	ssyncset.done $0x0  }
0x13e: {  	[sflag:s3] =	ssyncadd.s32 $0xFFFFFC00  }
0x13f: {  	_ =	swait.ge [sflag:s3], $0x400  }
0x140: {  	[sflag:s3] =	ssyncset.done $0x0  }
0x141: {  	[sflag:s3] =	ssyncadd.s32 $0xFFFFFC00  }
0x142: {  	_ =	swait.ge [sflag:s3], $0x400  }
0x143: {  	[sflag:s3] =	ssyncset.done $0x0  }
0x144: {  	[sflag:s3] =	ssyncadd.s32 $0xFFFFFC00  }
0x145: {  	_ =	swait.ge [sflag:s3], $0x400  }
0x146: {  	[sflag:s3] =	ssyncset.done $0x0  }
0x147: {  	[sflag:s3] =	ssyncadd.s32 $0xFFFFFC00  }
0x148: {  	_ =	swait.ge [sflag:s3], $0x400  }
0x149: {  	[sflag:s3] =	ssyncset.done $0x0  }
0x14a: {  	[sflag:s3] =	ssyncadd.s32 $0xFFFFFC00  }
0x14b: {  	_ =	swait.ge [sflag:s3], $0x400  }
0x14c: {  	[sflag:s3] =	ssyncset.done $0x0  }
0x14d: {  	[sflag:s3] =	ssyncadd.s32 $0xFFFFFC00  }
0x14e: {  	_ =	swait.ge [sflag:s3], $0x400  }
0x14f: {  	[sflag:s3] =	ssyncset.done $0x0  }
0x150: {  	[sflag:s3] =	ssyncadd.s32 $0xFFFFFC00  }
0x151: {  	_ =	swait.ge [sflag:s3], $0x400  }
0x152: {  	[sflag:s3] =	ssyncset.done $0x0  }
0x153: {  	[sflag:s3] =	ssyncadd.s32 $0xFFFFFC00  }
0x154: {  	_ =	swait.ge [sflag:s3], $0x400  }
0x155: {  	[sflag:s3] =	ssyncset.done $0x0  }
0x156: {  	[sflag:s3] =	ssyncadd.s32 $0xFFFFFC00  }
0x157: {  	_ =	swait.ge [sflag:s3], $0x400  }
0x158: {  	[sflag:s3] =	ssyncset.done $0x0  }
0x159: {  	[sflag:s3] =	ssyncadd.s32 $0xFFFFFC00  }
0x15a: {  	_ =	swait.ge [sflag:s3], $0x400  }
0x15b: {  	[sflag:s3] =	ssyncset.done $0x0  }
0x15c: {  	[sflag:s3] =	ssyncadd.s32 $0xFFFFFC00  }
0x15d: {  	_ =	swait.ge [sflag:s3], $0x400  }
0x15e: {  	[sflag:s3] =	ssyncset.done $0x0  }
0x15f: {  	[sflag:s3] =	ssyncadd.s32 $0xFFFFFC00  }
0x160: {  	_ =	swait.ge [sflag:s3], $0x400  }
0x161: {  	[sflag:s3] =	ssyncset.done $0x0  }
0x162: {  	[sflag:s3] =	ssyncadd.s32 $0xFFFFFC00  }
0x163: {  	_ =	swait.ge [sflag:s3], $0x400  }
0x164: {  	[sflag:s3] =	ssyncset.done $0x0  }
0x165: {  	[sflag:s3] =	ssyncadd.s32 $0xFFFFFC00  }
0x166: {  	_ =	swait.ge [sflag:s3], $0x400  }
0x167: {  	[sflag:s3] =	ssyncset.done $0x0  }
0x168: {  	[sflag:s3] =	ssyncadd.s32 $0xFFFFFC00  }
0x169: {  	_ =	swait.ge [sflag:s3], $0x400  }
0x16a: {  	[sflag:s3] =	ssyncset.done $0x0  }
0x16b: {  	[sflag:s3] =	ssyncadd.s32 $0xFFFFFC00  }
0x16c: {  	_ =	swait.ge [sflag:s3], $0x400  }
0x16d: {  	[sflag:s3] =	ssyncset.done $0x0  }
0x16e: {  	[sflag:s3] =	ssyncadd.s32 $0xFFFFFC00  }
0x16f: {  	_ =	swait.ge [sflag:s3], $0x400  }
0x170: {  	[sflag:s3] =	ssyncset.done $0x0  }
0x171: {  	[sflag:s3] =	ssyncadd.s32 $0xFFFFFC00  }
0x172: {  	_ =	swait.ge [sflag:s3], $0x400  }
0x173: {  	[sflag:s3] =	ssyncset.done $0x0  }
0x174: {  	s20 =	simm.s32 $0x70;
	s21 =	simm.s32 $0xB040;
	[sflag:s3] =	ssyncadd.s32 $0xFFFFFC00  }
.LBB2_5:
0x175: {  	s22 =	sadd.s32 $0xFFFFFF90, s20  }
0x176: {  	v16 =	vor.u32 s22, v0  }
0x177: {  	v17 =	vmul.u32 $0x5556, v16;
	_ =	sdelay $0x1  }
0x178: {  	v18 =	vshrl.u32 v17, $0x10;
	_ =	sdelay $0x4  }
0x179: {  	v19 =	vld.idx.msk [tilespmem:v18+s14+$0x0], $0xffff  }
0x17a: {  	v20 =	vld.idx.msk [tilespmem:v18+s15+$0x0], $0xffff  }
0x17b: {  	v22 =	vld.idx.msk [tilespmem:v18+s16+$0x0], $0xffff  }
0x17c: {  	v21 =	vmul.u32 $0xFFFFFFFD, v18  }
0x17d: {  	v17 =	vshrl.u32 v17, $0xC  }
0x17e: {  	v60 =	vand.u32 $0x3F0, v17;
	v16 =	vadd.s32 v16, v21  }
0x17f: {  	v17 =	vand.u32 $0x7FC00, v17;
	v19 =	vadd.s32 v16, v19;
	v16 =	vadd.s32 v16, v20  }
0x180: {  	v61 =	vadd.s32 v60, v19;
	v23 =	vadd.s32 v19, v22;
	v19 =	vand.u32 $0x7, v19  }
0x181: {  	v22 =	vadd.s32 v22, v16;
	v63 =	vadd.s32 v60, v16;
	v16 =	vand.u32 $0x7, v16  }
0x182: {  	v20 =	vand.u32 $0xFFFFFFF8, v61;
	v24 =	vadd.s32 v60, v23;
	v23 =	vand.u32 $0x7, v23  }
0x183: {  	v28 =	vand.u32 $0xFFFFFFF8, v63;
	v20 =	vadd.s32 v17, v20;
	v62 =	vand.u32 $0xFFFFFFF8, v24  }
0x184: {  	v21 =	vadd.s32 v60, v22;
	v19 =	vor.u32 v19, v20;
	v20 =	vadd.s32 v17, v62  }
0x185: {  	v21 =	vand.u32 $0xFFFFFFF8, v21;
	v20 =	vor.u32 v23, v20;
	v23 =	vadd.s32 v17, v28  }
0x186: {  	v22 =	vand.u32 $0x7, v22;
	v17 =	vadd.s32 v17, v21;
	v16 =	vor.u32 v16, v23  }
0x187: {  	v17 =	vor.u32 v22, v17  }
0x188: {  	v29 =	vld.idx.msk [tilespmem:v18+s7+$0x0], $0xffff  }
0x189: {  	v19 =	vld.idx.msk [tilespmem:v19+s12+$0x0], $0xffff  }
0x18a: {  	v20 =	vld.idx.msk [tilespmem:v20+s12+$0x0], $0xffff  }
0x18b: {  	v16 =	vld.idx.msk [tilespmem:v16+s13+$0x0], $0xffff  }
0x18c: {  	v17 =	vld.idx.msk [tilespmem:v17+s13+$0x0], $0xffff;
	_ =	sdelay $0x1  }
0x18d: {  	v18 =	vld.idx.msk [tilespmem:v18+s1+$0x0], $0xffff;
	v30 =	vsub.f32 $1.000000000e+00, v29;
	_ =	sdelay $0x1  }
0x18e: {  	v19 =	vmul.f32 v19, v30;
	v20 =	vmul.f32 v20, v29  }
0x18f: {  	s23 =	sadd.s32 $0xFFFFFFA0, s20;
	v16 =	vmul.f32 v16, v30;
	v17 =	vmul.f32 v17, v29  }
0x190: {  	v31 =	vor.u32 s23, v0;
	v19 =	vadd.f32 v20, v19  }
0x191: {  	v32 =	vmul.u32 $0x5556, v31;
	v16 =	vadd.f32 v17, v16;
	v17 =	vsub.f32 $1.000000000e+00, v18;
	_ =	sdelay $0x1  }
0x192: {  	v33 =	vshrl.u32 v32, $0x10;
	v17 =	vmul.f32 v19, v17;
	v16 =	vmul.f32 v16, v18;
	_ =	sdelay $0x1  }
0x193: {  	v16 =	vadd.f32 v16, v17;
	_ =	sdelay $0x1  }
0x194: {  	[tilespmem:s21+$0xFFFFFFC0] =	vst v16  }
0x195: {  	v16 =	vld.idx.msk [tilespmem:v33+s14+$0x0], $0xffff  }
0x196: {  	v17 =	vld.idx.msk [tilespmem:v33+s15+$0x0], $0xffff  }
0x197: {  	v35 =	vld.idx.msk [tilespmem:v33+s16+$0x0], $0xffff  }
0x198: {  	v34 =	vmul.u32 $0xFFFFFFFD, v33  }
0x199: {  	v21 =	vshrl.u32 v32, $0xC  }
0x19a: {  	v36 =	vand.u32 $0x3F0, v21;
	v19 =	vadd.s32 v31, v34  }
0x19b: {  	v21 =	vand.u32 $0x7FC00, v21;
	v16 =	vadd.s32 v19, v16;
	v17 =	vadd.s32 v19, v17  }
0x19c: {  	v37 =	vadd.s32 v36, v16;
	v38 =	vadd.s32 v16, v35;
	v16 =	vand.u32 $0x7, v16  }
0x19d: {  	v22 =	vadd.s32 v35, v17;
	v41 =	vadd.s32 v36, v17;
	v19 =	vand.u32 $0xFFFFFFF8, v37  }
0x19e: {  	v39 =	vadd.s32 v36, v38;
	v23 =	vand.u32 $0x7, v38;
	v42 =	vand.u32 $0xFFFFFFF8, v41  }
0x19f: {  	v20 =	vadd.s32 v36, v22;
	v19 =	vadd.s32 v21, v19;
	v40 =	vand.u32 $0xFFFFFFF8, v39  }
0x1a0: {  	v20 =	vand.u32 $0xFFFFFFF8, v20;
	v16 =	vor.u32 v16, v19;
	v19 =	vadd.s32 v21, v40  }
0x1a1: {  	v22 =	vand.u32 $0x7, v22;
	v20 =	vadd.s32 v21, v20;
	v19 =	vor.u32 v23, v19  }
0x1a2: {  	v17 =	vand.u32 $0x7, v17;
	v23 =	vadd.s32 v21, v42;
	v20 =	vor.u32 v22, v20  }
0x1a3: {  	v17 =	vor.u32 v17, v23  }
0x1a4: {  	v43 =	vld.idx.msk [tilespmem:v33+s7+$0x0], $0xffff  }
0x1a5: {  	v16 =	vld.idx.msk [tilespmem:v16+s12+$0x0], $0xffff  }
0x1a6: {  	v19 =	vld.idx.msk [tilespmem:v19+s12+$0x0], $0xffff  }
0x1a7: {  	v20 =	vld.idx.msk [tilespmem:v20+s13+$0x0], $0xffff  }
0x1a8: {  	v17 =	vld.idx.msk [tilespmem:v17+s13+$0x0], $0xffff  }
0x1a9: {  	v18 =	vld.idx.msk [tilespmem:v33+s1+$0x0], $0xffff  }
0x1aa: {  	v44 =	vsub.f32 $1.000000000e+00, v43;
	_ =	sdelay $0x1  }
0x1ab: {  	v16 =	vmul.f32 v16, v44;
	v19 =	vmul.f32 v19, v43  }
0x1ac: {  	s24 =	sadd.s32 $0xFFFFFFB0, s20;
	v20 =	vmul.f32 v20, v43;
	v17 =	vmul.f32 v17, v44  }
0x1ad: {  	v45 =	vor.u32 s24, v0;
	v46 =	vsub.f32 $1.000000000e+00, v18  }
0x1ae: {  	v47 =	vmul.u32 $0x5556, v45;
	v16 =	vadd.f32 v19, v16;
	v17 =	vadd.f32 v20, v17;
	_ =	sdelay $0x1  }
0x1af: {  	v48 =	vshrl.u32 v47, $0x10;
	v16 =	vmul.f32 v16, v46;
	v17 =	vmul.f32 v17, v18;
	_ =	sdelay $0x1  }
0x1b0: {  	v16 =	vadd.f32 v17, v16;
	_ =	sdelay $0x1  }
0x1b1: {  	[tilespmem:s21+$0xFFFFFFD0] =	vst v16  }
0x1b2: {  	v16 =	vld.idx.msk [tilespmem:v48+s14+$0x0], $0xffff  }
0x1b3: {  	v17 =	vld.idx.msk [tilespmem:v48+s15+$0x0], $0xffff  }
0x1b4: {  	v50 =	vld.idx.msk [tilespmem:v48+s16+$0x0], $0xffff  }
0x1b5: {  	v49 =	vmul.u32 $0xFFFFFFFD, v48  }
0x1b6: {  	v21 =	vshrl.u32 v47, $0xC  }
0x1b7: {  	v51 =	vand.u32 $0x3F0, v21;
	v19 =	vadd.s32 v45, v49  }
0x1b8: {  	v21 =	vand.u32 $0x7FC00, v21;
	v16 =	vadd.s32 v19, v16;
	v17 =	vadd.s32 v19, v17  }
0x1b9: {  	v52 =	vadd.s32 v51, v16;
	v53 =	vadd.s32 v16, v50;
	v16 =	vand.u32 $0x7, v16  }
0x1ba: {  	v22 =	vadd.s32 v50, v17;
	v56 =	vadd.s32 v51, v17;
	v19 =	vand.u32 $0xFFFFFFF8, v52  }
0x1bb: {  	v54 =	vadd.s32 v51, v53;
	v23 =	vand.u32 $0x7, v53;
	v57 =	vand.u32 $0xFFFFFFF8, v56  }
0x1bc: {  	v20 =	vadd.s32 v51, v22;
	v19 =	vadd.s32 v21, v19;
	v55 =	vand.u32 $0xFFFFFFF8, v54  }
0x1bd: {  	v20 =	vand.u32 $0xFFFFFFF8, v20;
	v16 =	vor.u32 v16, v19;
	v19 =	vadd.s32 v21, v55  }
0x1be: {  	v22 =	vand.u32 $0x7, v22;
	v20 =	vadd.s32 v21, v20;
	v19 =	vor.u32 v23, v19  }
0x1bf: {  	v17 =	vand.u32 $0x7, v17;
	v23 =	vadd.s32 v21, v57;
	v20 =	vor.u32 v22, v20  }
0x1c0: {  	v17 =	vor.u32 v17, v23  }
0x1c1: {  	v58 =	vld.idx.msk [tilespmem:v48+s7+$0x0], $0xffff  }
0x1c2: {  	v16 =	vld.idx.msk [tilespmem:v16+s12+$0x0], $0xffff  }
0x1c3: {  	v19 =	vld.idx.msk [tilespmem:v19+s12+$0x0], $0xffff  }
0x1c4: {  	v20 =	vld.idx.msk [tilespmem:v20+s13+$0x0], $0xffff  }
0x1c5: {  	v17 =	vld.idx.msk [tilespmem:v17+s13+$0x0], $0xffff  }
0x1c6: {  	v18 =	vld.idx.msk [tilespmem:v48+s1+$0x0], $0xffff  }
0x1c7: {  	v59 =	vsub.f32 $1.000000000e+00, v58;
	_ =	sdelay $0x1  }
0x1c8: {  	v16 =	vmul.f32 v16, v59;
	v19 =	vmul.f32 v19, v58  }
0x1c9: {  	s25 =	sadd.s32 $0xFFFFFFC0, s20;
	v20 =	vmul.f32 v20, v58;
	v17 =	vmul.f32 v17, v59  }
0x1ca: {  	v60 =	vor.u32 s25, v0;
	v61 =	vsub.f32 $1.000000000e+00, v18  }
0x1cb: {  	v62 =	vmul.u32 $0x5556, v60;
	v16 =	vadd.f32 v19, v16;
	v17 =	vadd.f32 v20, v17;
	_ =	sdelay $0x1  }
0x1cc: {  	v63 =	vshrl.u32 v62, $0x10;
	v16 =	vmul.f32 v16, v61;
	v17 =	vmul.f32 v17, v18;
	_ =	sdelay $0x1  }
0x1cd: {  	v16 =	vadd.f32 v17, v16;
	_ =	sdelay $0x1  }
0x1ce: {  	[tilespmem:s21+$0xFFFFFFE0] =	vst v16  }
0x1cf: {  	v16 =	vld.idx.msk [tilespmem:v63+s14+$0x0], $0xffff  }
0x1d0: {  	v17 =	vld.idx.msk [tilespmem:v63+s15+$0x0], $0xffff  }
0x1d1: {  	v29 =	vld.idx.msk [tilespmem:v63+s16+$0x0], $0xffff  }
0x1d2: {  	v28 =	vmul.u32 $0xFFFFFFFD, v63  }
0x1d3: {  	v21 =	vshrl.u32 v62, $0xC  }
0x1d4: {  	v30 =	vand.u32 $0x3F0, v21;
	v19 =	vadd.s32 v60, v28  }
0x1d5: {  	v21 =	vand.u32 $0x7FC00, v21;
	v16 =	vadd.s32 v19, v16;
	v17 =	vadd.s32 v19, v17  }
0x1d6: {  	v31 =	vadd.s32 v30, v16;
	v32 =	vadd.s32 v16, v29;
	v16 =	vand.u32 $0x7, v16  }
0x1d7: {  	v22 =	vadd.s32 v29, v17;
	v35 =	vadd.s32 v30, v17;
	v19 =	vand.u32 $0xFFFFFFF8, v31  }
0x1d8: {  	v33 =	vadd.s32 v30, v32;
	v23 =	vand.u32 $0x7, v32;
	v36 =	vand.u32 $0xFFFFFFF8, v35  }
0x1d9: {  	v20 =	vadd.s32 v30, v22;
	v19 =	vadd.s32 v21, v19;
	v34 =	vand.u32 $0xFFFFFFF8, v33  }
0x1da: {  	v20 =	vand.u32 $0xFFFFFFF8, v20;
	v16 =	vor.u32 v16, v19;
	v19 =	vadd.s32 v21, v34  }
0x1db: {  	v22 =	vand.u32 $0x7, v22;
	v20 =	vadd.s32 v21, v20;
	v19 =	vor.u32 v23, v19  }
0x1dc: {  	v17 =	vand.u32 $0x7, v17;
	v23 =	vadd.s32 v21, v36;
	v20 =	vor.u32 v22, v20  }
0x1dd: {  	v17 =	vor.u32 v17, v23  }
0x1de: {  	v37 =	vld.idx.msk [tilespmem:v63+s7+$0x0], $0xffff  }
0x1df: {  	v16 =	vld.idx.msk [tilespmem:v16+s12+$0x0], $0xffff  }
0x1e0: {  	v19 =	vld.idx.msk [tilespmem:v19+s12+$0x0], $0xffff  }
0x1e1: {  	v20 =	vld.idx.msk [tilespmem:v20+s13+$0x0], $0xffff  }
0x1e2: {  	v17 =	vld.idx.msk [tilespmem:v17+s13+$0x0], $0xffff  }
0x1e3: {  	v18 =	vld.idx.msk [tilespmem:v63+s1+$0x0], $0xffff  }
0x1e4: {  	v38 =	vsub.f32 $1.000000000e+00, v37;
	_ =	sdelay $0x1  }
0x1e5: {  	v16 =	vmul.f32 v16, v38;
	v19 =	vmul.f32 v19, v37  }
0x1e6: {  	s23 =	sadd.s32 $0xFFFFFFD0, s20;
	v20 =	vmul.f32 v20, v37;
	v17 =	vmul.f32 v17, v38  }
0x1e7: {  	v39 =	vor.u32 s23, v0;
	v40 =	vsub.f32 $1.000000000e+00, v18  }
0x1e8: {  	v41 =	vmul.u32 $0x5556, v39;
	v16 =	vadd.f32 v19, v16;
	v17 =	vadd.f32 v20, v17;
	_ =	sdelay $0x1  }
0x1e9: {  	v42 =	vshrl.u32 v41, $0x10;
	v16 =	vmul.f32 v16, v40;
	v17 =	vmul.f32 v17, v18;
	_ =	sdelay $0x1  }
0x1ea: {  	v16 =	vadd.f32 v17, v16;
	_ =	sdelay $0x1  }
0x1eb: {  	[tilespmem:s21+$0xFFFFFFF0] =	vst v16  }
0x1ec: {  	v16 =	vld.idx.msk [tilespmem:v42+s14+$0x0], $0xffff  }
0x1ed: {  	v17 =	vld.idx.msk [tilespmem:v42+s15+$0x0], $0xffff  }
0x1ee: {  	v44 =	vld.idx.msk [tilespmem:v42+s16+$0x0], $0xffff  }
0x1ef: {  	v43 =	vmul.u32 $0xFFFFFFFD, v42  }
0x1f0: {  	v21 =	vshrl.u32 v41, $0xC  }
0x1f1: {  	v45 =	vand.u32 $0x3F0, v21;
	v19 =	vadd.s32 v39, v43  }
0x1f2: {  	v21 =	vand.u32 $0x7FC00, v21;
	v16 =	vadd.s32 v19, v16;
	v17 =	vadd.s32 v19, v17  }
0x1f3: {  	v46 =	vadd.s32 v45, v16;
	v47 =	vadd.s32 v16, v44;
	v16 =	vand.u32 $0x7, v16  }
0x1f4: {  	v22 =	vadd.s32 v44, v17;
	v50 =	vadd.s32 v45, v17;
	v19 =	vand.u32 $0xFFFFFFF8, v46  }
0x1f5: {  	v48 =	vadd.s32 v45, v47;
	v23 =	vand.u32 $0x7, v47;
	v51 =	vand.u32 $0xFFFFFFF8, v50  }
0x1f6: {  	v20 =	vadd.s32 v45, v22;
	v19 =	vadd.s32 v21, v19;
	v49 =	vand.u32 $0xFFFFFFF8, v48  }
0x1f7: {  	v20 =	vand.u32 $0xFFFFFFF8, v20;
	v16 =	vor.u32 v16, v19;
	v19 =	vadd.s32 v21, v49  }
0x1f8: {  	v22 =	vand.u32 $0x7, v22;
	v20 =	vadd.s32 v21, v20;
	v19 =	vor.u32 v23, v19  }
0x1f9: {  	v17 =	vand.u32 $0x7, v17;
	v23 =	vadd.s32 v21, v51;
	v20 =	vor.u32 v22, v20  }
0x1fa: {  	v17 =	vor.u32 v17, v23  }
0x1fb: {  	v52 =	vld.idx.msk [tilespmem:v42+s7+$0x0], $0xffff  }
0x1fc: {  	v16 =	vld.idx.msk [tilespmem:v16+s12+$0x0], $0xffff  }
0x1fd: {  	v19 =	vld.idx.msk [tilespmem:v19+s12+$0x0], $0xffff  }
0x1fe: {  	v20 =	vld.idx.msk [tilespmem:v20+s13+$0x0], $0xffff  }
0x1ff: {  	v17 =	vld.idx.msk [tilespmem:v17+s13+$0x0], $0xffff  }
0x200: {  	v18 =	vld.idx.msk [tilespmem:v42+s1+$0x0], $0xffff  }
0x201: {  	v53 =	vsub.f32 $1.000000000e+00, v52;
	_ =	sdelay $0x1  }
0x202: {  	v16 =	vmul.f32 v16, v53;
	v19 =	vmul.f32 v19, v52  }
0x203: {  	s24 =	sadd.s32 $0xFFFFFFE0, s20;
	v20 =	vmul.f32 v20, v52;
	v17 =	vmul.f32 v17, v53  }
0x204: {  	v54 =	vor.u32 s24, v0;
	v55 =	vsub.f32 $1.000000000e+00, v18  }
0x205: {  	v56 =	vmul.u32 $0x5556, v54;
	v16 =	vadd.f32 v19, v16;
	v17 =	vadd.f32 v20, v17;
	_ =	sdelay $0x1  }
0x206: {  	v57 =	vshrl.u32 v56, $0x10;
	v16 =	vmul.f32 v16, v55;
	v17 =	vmul.f32 v17, v18;
	_ =	sdelay $0x1  }
0x207: {  	v16 =	vadd.f32 v17, v16;
	_ =	sdelay $0x1  }
0x208: {  	[tilespmem:s21+$0x0] =	vst v16  }
0x209: {  	v16 =	vld.idx.msk [tilespmem:v57+s14+$0x0], $0xffff  }
0x20a: {  	v17 =	vld.idx.msk [tilespmem:v57+s15+$0x0], $0xffff  }
0x20b: {  	v59 =	vld.idx.msk [tilespmem:v57+s16+$0x0], $0xffff  }
0x20c: {  	v58 =	vmul.u32 $0xFFFFFFFD, v57  }
0x20d: {  	v21 =	vshrl.u32 v56, $0xC  }
0x20e: {  	v60 =	vand.u32 $0x3F0, v21;
	v19 =	vadd.s32 v54, v58  }
0x20f: {  	v21 =	vand.u32 $0x7FC00, v21;
	v16 =	vadd.s32 v19, v16;
	v17 =	vadd.s32 v19, v17  }
0x210: {  	v61 =	vadd.s32 v60, v16;
	v62 =	vadd.s32 v16, v59;
	v16 =	vand.u32 $0x7, v16  }
0x211: {  	v22 =	vadd.s32 v59, v17;
	v29 =	vadd.s32 v60, v17;
	v19 =	vand.u32 $0xFFFFFFF8, v61  }
0x212: {  	v63 =	vadd.s32 v60, v62;
	v23 =	vand.u32 $0x7, v62;
	v30 =	vand.u32 $0xFFFFFFF8, v29  }
0x213: {  	v20 =	vadd.s32 v60, v22;
	v19 =	vadd.s32 v21, v19;
	v28 =	vand.u32 $0xFFFFFFF8, v63  }
0x214: {  	v20 =	vand.u32 $0xFFFFFFF8, v20;
	v16 =	vor.u32 v16, v19;
	v19 =	vadd.s32 v21, v28  }
0x215: {  	v22 =	vand.u32 $0x7, v22;
	v20 =	vadd.s32 v21, v20;
	v19 =	vor.u32 v23, v19  }
0x216: {  	v17 =	vand.u32 $0x7, v17;
	v23 =	vadd.s32 v21, v30;
	v20 =	vor.u32 v22, v20  }
0x217: {  	v17 =	vor.u32 v17, v23  }
0x218: {  	v31 =	vld.idx.msk [tilespmem:v57+s7+$0x0], $0xffff  }
0x219: {  	v16 =	vld.idx.msk [tilespmem:v16+s12+$0x0], $0xffff  }
0x21a: {  	v19 =	vld.idx.msk [tilespmem:v19+s12+$0x0], $0xffff  }
0x21b: {  	v20 =	vld.idx.msk [tilespmem:v20+s13+$0x0], $0xffff  }
0x21c: {  	v17 =	vld.idx.msk [tilespmem:v17+s13+$0x0], $0xffff  }
0x21d: {  	v18 =	vld.idx.msk [tilespmem:v57+s1+$0x0], $0xffff  }
0x21e: {  	v32 =	vsub.f32 $1.000000000e+00, v31;
	_ =	sdelay $0x1  }
0x21f: {  	v16 =	vmul.f32 v16, v32;
	v19 =	vmul.f32 v19, v31  }
0x220: {  	s25 =	sadd.s32 $0xFFFFFFF0, s20;
	v20 =	vmul.f32 v20, v31;
	v17 =	vmul.f32 v17, v32  }
0x221: {  	v33 =	vor.u32 s25, v0;
	v34 =	vsub.f32 $1.000000000e+00, v18  }
0x222: {  	v35 =	vmul.u32 $0x5556, v33;
	v16 =	vadd.f32 v19, v16;
	v17 =	vadd.f32 v20, v17;
	_ =	sdelay $0x1  }
0x223: {  	v36 =	vshrl.u32 v35, $0x10;
	v16 =	vmul.f32 v16, v34;
	v17 =	vmul.f32 v17, v18;
	_ =	sdelay $0x1  }
0x224: {  	v16 =	vadd.f32 v17, v16;
	_ =	sdelay $0x1  }
0x225: {  	[tilespmem:s21+$0x10] =	vst v16  }
0x226: {  	v16 =	vld.idx.msk [tilespmem:v36+s14+$0x0], $0xffff  }
0x227: {  	v17 =	vld.idx.msk [tilespmem:v36+s15+$0x0], $0xffff  }
0x228: {  	v38 =	vld.idx.msk [tilespmem:v36+s16+$0x0], $0xffff  }
0x229: {  	v37 =	vmul.u32 $0xFFFFFFFD, v36  }
0x22a: {  	v21 =	vshrl.u32 v35, $0xC  }
0x22b: {  	v39 =	vand.u32 $0x3F0, v21;
	v19 =	vadd.s32 v33, v37  }
0x22c: {  	v21 =	vand.u32 $0x7FC00, v21;
	v16 =	vadd.s32 v19, v16;
	v17 =	vadd.s32 v19, v17  }
0x22d: {  	v40 =	vadd.s32 v39, v16;
	v41 =	vadd.s32 v16, v38;
	v16 =	vand.u32 $0x7, v16  }
0x22e: {  	v22 =	vadd.s32 v38, v17;
	v44 =	vadd.s32 v39, v17;
	v19 =	vand.u32 $0xFFFFFFF8, v40  }
0x22f: {  	v42 =	vadd.s32 v39, v41;
	v23 =	vand.u32 $0x7, v41;
	v45 =	vand.u32 $0xFFFFFFF8, v44  }
0x230: {  	v20 =	vadd.s32 v39, v22;
	v19 =	vadd.s32 v21, v19;
	v43 =	vand.u32 $0xFFFFFFF8, v42  }
0x231: {  	v20 =	vand.u32 $0xFFFFFFF8, v20;
	v16 =	vor.u32 v16, v19;
	v19 =	vadd.s32 v21, v43  }
0x232: {  	v22 =	vand.u32 $0x7, v22;
	v20 =	vadd.s32 v21, v20;
	v19 =	vor.u32 v23, v19  }
0x233: {  	v17 =	vand.u32 $0x7, v17;
	v23 =	vadd.s32 v21, v45;
	v20 =	vor.u32 v22, v20  }
0x234: {  	v17 =	vor.u32 v17, v23  }
0x235: {  	v46 =	vld.idx.msk [tilespmem:v36+s7+$0x0], $0xffff  }
0x236: {  	v16 =	vld.idx.msk [tilespmem:v16+s12+$0x0], $0xffff  }
0x237: {  	v19 =	vld.idx.msk [tilespmem:v19+s12+$0x0], $0xffff  }
0x238: {  	v20 =	vld.idx.msk [tilespmem:v20+s13+$0x0], $0xffff  }
0x239: {  	v17 =	vld.idx.msk [tilespmem:v17+s13+$0x0], $0xffff  }
0x23a: {  	v18 =	vld.idx.msk [tilespmem:v36+s1+$0x0], $0xffff  }
0x23b: {  	v47 =	vsub.f32 $1.000000000e+00, v46;
	_ =	sdelay $0x1  }
0x23c: {  	v16 =	vmul.f32 v16, v47;
	v19 =	vmul.f32 v19, v46  }
0x23d: {  	v20 =	vmul.f32 v20, v46;
	v17 =	vmul.f32 v17, v47  }
0x23e: {  	v48 =	vor.u32 s20, v0;
	v49 =	vsub.f32 $1.000000000e+00, v18  }
0x23f: {  	v50 =	vmul.u32 $0x5556, v48;
	v16 =	vadd.f32 v19, v16;
	v17 =	vadd.f32 v20, v17;
	_ =	sdelay $0x1  }
0x240: {  	v51 =	vshrl.u32 v50, $0x10;
	v16 =	vmul.f32 v16, v49;
	v17 =	vmul.f32 v17, v18;
	_ =	sdelay $0x1  }
0x241: {  	v16 =	vadd.f32 v17, v16;
	_ =	sdelay $0x1  }
0x242: {  	[tilespmem:s21+$0x20] =	vst v16  }
0x243: {  	v16 =	vld.idx.msk [tilespmem:v51+s14+$0x0], $0xffff  }
0x244: {  	v17 =	vld.idx.msk [tilespmem:v51+s15+$0x0], $0xffff  }
0x245: {  	v53 =	vld.idx.msk [tilespmem:v51+s16+$0x0], $0xffff  }
0x246: {  	v52 =	vmul.u32 $0xFFFFFFFD, v51  }
0x247: {  	v21 =	vshrl.u32 v50, $0xC  }
0x248: {  	v54 =	vand.u32 $0x3F0, v21;
	v19 =	vadd.s32 v48, v52  }
0x249: {  	v21 =	vand.u32 $0x7FC00, v21;
	v16 =	vadd.s32 v19, v16;
	v17 =	vadd.s32 v19, v17  }
0x24a: {  	v55 =	vadd.s32 v54, v16;
	v56 =	vadd.s32 v16, v53;
	v16 =	vand.u32 $0x7, v16  }
0x24b: {  	v22 =	vadd.s32 v53, v17;
	v59 =	vadd.s32 v54, v17;
	v19 =	vand.u32 $0xFFFFFFF8, v55  }
0x24c: {  	v57 =	vadd.s32 v54, v56;
	v23 =	vand.u32 $0x7, v56;
	v60 =	vand.u32 $0xFFFFFFF8, v59  }
0x24d: {  	v20 =	vadd.s32 v54, v22;
	v19 =	vadd.s32 v21, v19;
	v58 =	vand.u32 $0xFFFFFFF8, v57  }
0x24e: {  	v20 =	vand.u32 $0xFFFFFFF8, v20;
	v16 =	vor.u32 v16, v19;
	v19 =	vadd.s32 v21, v58  }
0x24f: {  	v22 =	vand.u32 $0x7, v22;
	v20 =	vadd.s32 v21, v20;
	v19 =	vor.u32 v23, v19  }
0x250: {  	v17 =	vand.u32 $0x7, v17;
	v23 =	vadd.s32 v21, v60;
	v20 =	vor.u32 v22, v20  }
0x251: {  	v17 =	vor.u32 v17, v23  }
0x252: {  	v61 =	vld.idx.msk [tilespmem:v51+s7+$0x0], $0xffff  }
0x253: {  	v16 =	vld.idx.msk [tilespmem:v16+s12+$0x0], $0xffff  }
0x254: {  	v19 =	vld.idx.msk [tilespmem:v19+s12+$0x0], $0xffff  }
0x255: {  	v20 =	vld.idx.msk [tilespmem:v20+s13+$0x0], $0xffff  }
0x256: {  	v17 =	vld.idx.msk [tilespmem:v17+s13+$0x0], $0xffff  }
0x257: {  	v18 =	vld.idx.msk [tilespmem:v51+s1+$0x0], $0xffff  }
0x258: {  	v62 =	vsub.f32 $1.000000000e+00, v61;
	_ =	sdelay $0x1  }
0x259: {  	v16 =	vmul.f32 v16, v62;
	v19 =	vmul.f32 v19, v61  }
0x25a: {  	v20 =	vmul.f32 v20, v61;
	v17 =	vmul.f32 v17, v62  }
0x25b: {  	v63 =	vsub.f32 $1.000000000e+00, v18  }
0x25c: {  	v16 =	vadd.f32 v19, v16;
	v17 =	vadd.f32 v20, v17  }
0x25d: {  	p0 =	sne.s32 s20, $0xBF0  }
.Ltmp1:
0x25e: {  	v16 =	vmul.f32 v16, v63;
	v17 =	vmul.f32 v17, v18;
	(pc) =	sbr.rel @p0 .LBB2_5-.Ltmp1, $3  }
0x25f: {  	_ = 	snop  }
0x260: {  	v16 =	vadd.f32 v17, v16;
	_ =	sdelay $0x1  }
0x261: {  	s20 =	sadd.s32 $0x80, s20;
	[tilespmem:s21+$0x30] =	vst v16;
	s21 =	sadd.s32 $0x80, s21  }
0x262: {  	s18 =	sadd.s32 $0x1, s18  }
0x263: {  	p0 =	sne.s32 s18, $0x20  }
.Ltmp2:
0x264: {  	s19 =	sadd.s32 s5, s19;
	(pc) =	sbr.rel @p0 .LBB2_2-.Ltmp2, $4  }
0x265: {  	[hbm4b:s19+s2] =	stream.linear.scatter [tilespmem:s17], [sflag:$0x2], $0xC00, $0x38;
	[tilespmem:$0xBC00] =	vst v63  }
0x266: {  	_ =	swait.ge [sflag:s8], $0xC00  }
0x267: {  	[sflag:s8] =	ssyncset.done $0x0  }
0x268: {  	[sflag:s8] =	ssyncadd.s32 $0xFFFFF400  }
0x269: {  	s19 =	rddreg [dreg:$0x4]  }
0x26a: {  	s18 =	rddreg [dreg:$0x3];
	s19 =	sadd.s32 $0x1, s19  }
0x26b: {  	p0 =	sne.s32 s19, s18  }
.Ltmp3:
0x26c: {  	_ = 	snop;
	(pc) =	sbr.rel @p0 .LBB2_1-.Ltmp3, $1  }
0x26d: {  	_ =	sdelay $0x3  }
0x26e: {  	_ =	sfence.sel $0x180000  }
0x26f: {  	[bflag:$0x0] =	sbarrier.arrive $0xFFFF  }
0x270: {  	_ =	strace $0x90000047  }
0x271: {  	s0 =	stileid.u32;
	[bflag:$0x2] =	sbarrier.arrive $0xFFFF  }
0x272: {  	p0 =	sne.s32 s0, $0x0;
	s0 =	rddreg [dreg:$0x2]  }
0x273: {  	s0 =	sadd.s32 @!p0 $0x100000, s0  }
0x274: {  	[sflag:s0] =	ssyncadd.tile.s32 @!p0 $0x1;
	_ =	shalt  }
.Lfunc_end2:
_tile_overlayer_lowered:
.L_overlay_start_2:
0x275: {  	(tag) =	ssettag $0x2  }
0x276: {  	s0 =	rddreg [dreg:$0x0];
	s2 =	stileid.u32  }
0x277: {  	s1 =	rddreg [dreg:$0x1];
	p0 =	sne.s32 s2, $0x0  }
0x278: {  	s3 =	rddreg [dreg:$0x2];
	[bflag:$0x3] =	sbarrier.arrive $0xFFFF;
	s2 =	simm.s32 @!p0 $0x1C02  }
0x279: {  	[timem:s3], [sflag:s2] =	dma.local @!p0 [hbm:s0], s1  }
0x27a: {  	s0 =	simm.s32 @!p0 $0x2  }
0x27b: {  	_ =	swait.ge @!p0 [sflag:s0], s1  }
0x27c: {  	s1 =	ssub.s32 @!p0 $0x0, s1;
	[sflag:s0] =	ssyncset.done @!p0 $0x0  }
0x27d: {  	[sflag:s0] =	ssyncadd.s32 @!p0 s1  }
0x27e: {  	[bflag:$0x3] =	sbarrier.arrive $0xFFFF  }
0x27f: {  	_ =	shalt  }

</sc_bundles>
